<compile_context>
chip_gen: v7x
topology: tpu7x:2x2x1
jax: 0.10.2.dev20260603
libtpu: 0.0.44.dev20260713+nightly
codegen_flags: <defaults>
</compile_context>

<pallas_src>
import functools

import jax
import jax.numpy as jnp
from jax import lax
from jax.experimental import pallas as pl
from jax.experimental.pallas import tpu as pltpu
from jax.experimental.pallas import tpu_sc as plsc

N = 100000
E = 1600000
B = 10
P = 10000
F = 64

NC = 2
NS = 16
NW = NC * NS
LANES = 16

N2 = 102400
SLICE = N2 // NS

E_PER_W = E // NW
CHUNK = 5000
NCH = E_PER_W // CHUNK

_MESH = dict(core_axis_name="c", subcore_axis_name="s",
             num_cores=NC, num_subcores=NS)


def _fill(ref, n, value):
    v = jnp.full((LANES,), value, jnp.float32)

    def body(i, _):
        ref[pl.ds(i * LANES, LANES)] = v
        return 0

    lax.fori_loop(0, n // LANES, body, 0)


def _sc_count(edges):
    mesh = plsc.VectorSubcoreMesh(**_MESH)

    @functools.partial(
        pl.kernel,
        out_type=jax.ShapeDtypeStruct((NC * 2 * N2,), jnp.float32),
        mesh=mesh,
        scratch_types=[
            [pltpu.VMEM((CHUNK,), jnp.int32) for _ in range(3)],
            [pltpu.VMEM((CHUNK,), jnp.int32) for _ in range(3)],
            pltpu.VMEM((CHUNK,), jnp.float32),
            pltpu.VMEM((SLICE,), jnp.float32),
            pltpu.VMEM_SHARED((N2,), jnp.float32),
            pltpu.VMEM_SHARED((N2,), jnp.float32),
            [pltpu.SemaphoreType.DMA for _ in range(3)],
            [pltpu.SemaphoreType.DMA for _ in range(3)],
        ],
    )
    def k(edges_hbm, out_hbm, srcb, dstb, ones_v, zeros_v, acc_o, acc_i,
          lsem, ssem):
        cid = lax.axis_index("c")
        sid = lax.axis_index("s")
        _fill(ones_v, CHUNK, 1.0)
        _fill(zeros_v, SLICE, 0.0)
        sl = pl.ds(sid * SLICE, SLICE)
        pltpu.sync_copy(zeros_v, acc_o.at[sl])
        pltpu.sync_copy(zeros_v, acc_i.at[sl])
        plsc.subcore_barrier()

        ebase = (cid * NS + sid) * E_PER_W

        def load(i):
            b = i % 3
            base = pl.multiple_of(ebase + i * CHUNK, 8)
            return [
                pltpu.async_copy(edges_hbm.at[pl.ds(base, CHUNK)], srcb[b],
                                 lsem[b]),
                pltpu.async_copy(edges_hbm.at[pl.ds(base + E, CHUNK)], dstb[b],
                                 lsem[b]),
            ]

        def scat(i):
            b = i % 3
            return [
                pltpu.async_copy(ones_v, acc_o.at[srcb[b]], ssem[b], add=True),
                pltpu.async_copy(ones_v, acc_i.at[dstb[b]], ssem[b], add=True),
            ]

        ld = [None] * NCH
        st = [None] * NCH
        ld[0] = load(0)
        ld[1] = load(1)
        for i in range(NCH):
            for c in ld[i]:
                c.wait()
            st[i] = scat(i)
            if i >= 1:
                for c in st[i - 1]:
                    c.wait()
            if i + 2 < NCH:
                ld[i + 2] = load(i + 2)
        for c in st[NCH - 1]:
            c.wait()

        plsc.subcore_barrier()
        obase = pl.multiple_of(cid * 2 * N2 + sid * SLICE, 8)
        pltpu.sync_copy(acc_o.at[sl], out_hbm.at[pl.ds(obase, SLICE)])
        pltpu.sync_copy(acc_i.at[sl], out_hbm.at[pl.ds(obase + N2, SLICE)])

    return k(edges).reshape(NC, 2, N2)


def _tc_feat(x3, cnt):

    def body(x_ref, c_ref, f0_ref, f1_ref, f2_ref):
        deg_o = c_ref[0:1, :] + c_ref[2:3, :]
        so = lax.rsqrt(jnp.maximum(deg_o, 1.0))
        f = x_ref[...] * so
        f0_ref[...] = f[0:1, :]
        f1_ref[...] = f[1:2, :]
        f2_ref[...] = f[2:3, :]

    return pl.pallas_call(
        body,
        out_shape=[jax.ShapeDtypeStruct((1, N2), jnp.float32)] * 3,
    )(x3, cnt)


def _sc_aggregate(edges, f0, f1, f2):
    mesh = plsc.VectorSubcoreMesh(**_MESH)

    @functools.partial(
        pl.kernel,
        out_type=jax.ShapeDtypeStruct((NC * 3 * N2,), jnp.float32),
        mesh=mesh,
        scratch_types=[
            [pltpu.VMEM((CHUNK,), jnp.int32) for _ in range(3)],
            [pltpu.VMEM((CHUNK,), jnp.int32) for _ in range(3)],
            [[pltpu.VMEM((CHUNK,), jnp.float32) for _ in range(3)]
             for _ in range(3)],
            pltpu.VMEM((SLICE,), jnp.float32),
            [pltpu.VMEM_SHARED((N2,), jnp.float32) for _ in range(3)],
            [pltpu.VMEM_SHARED((N2,), jnp.float32) for _ in range(3)],
            [pltpu.SemaphoreType.DMA for _ in range(3)],
            [pltpu.SemaphoreType.DMA for _ in range(3)],
            [pltpu.SemaphoreType.DMA for _ in range(3)],
        ],
    )
    def k(edges_hbm, f0_hbm, f1_hbm, f2_hbm, out_hbm,
          srcb, dstb, vb, zeros_v, acc, fs, lsem, gsem, ssem):
        cid = lax.axis_index("c")
        sid = lax.axis_index("s")
        fh = [f0_hbm, f1_hbm, f2_hbm]
        _fill(zeros_v, SLICE, 0.0)
        sl = pl.ds(sid * SLICE, SLICE)
        for a in acc:
            pltpu.sync_copy(zeros_v, a.at[sl])
        for kk in range(3):
            pltpu.sync_copy(fh[kk].at[sl], fs[kk].at[sl])
        plsc.subcore_barrier()

        ebase = (cid * NS + sid) * E_PER_W

        def load(i):
            b = i % 3
            base = pl.multiple_of(ebase + i * CHUNK, 8)
            return [
                pltpu.async_copy(edges_hbm.at[pl.ds(base, CHUNK)], srcb[b],
                                 lsem[b]),
                pltpu.async_copy(edges_hbm.at[pl.ds(base + E, CHUNK)], dstb[b],
                                 lsem[b]),
            ]

        def gather(i):
            b = i % 3
            return [pltpu.async_copy(fs[kk].at[srcb[b]], vb[kk][b], gsem[b])
                    for kk in range(3)]

        def scat(i):
            b = i % 3
            return [pltpu.async_copy(vb[kk][b], acc[kk].at[dstb[b]], ssem[b],
                                     add=True)
                    for kk in range(3)]

        ld = [None] * NCH
        gt = [None] * NCH
        st = [None] * NCH
        ld[0] = load(0)
        for c in ld[0]:
            c.wait()
        gt[0] = gather(0)
        if NCH > 1:
            ld[1] = load(1)
        for i in range(NCH):
            for c in gt[i]:
                c.wait()
            st[i] = scat(i)
            if i + 1 < NCH:
                for c in ld[i + 1]:
                    c.wait()
                gt[i + 1] = gather(i + 1)
            if i >= 1:
                for c in st[i - 1]:
                    c.wait()
            if i + 2 < NCH:
                ld[i + 2] = load(i + 2)
        for c in st[NCH - 1]:
            c.wait()

        plsc.subcore_barrier()
        obase = pl.multiple_of(cid * 3 * N2 + sid * SLICE, 8)
        for kk in range(3):
            pltpu.sync_copy(acc[kk].at[sl],
                            out_hbm.at[pl.ds(obase + kk * N2, SLICE)])

    return k(edges, f0, f1, f2).reshape(NC, 3, N2)


P2 = 10240
Q = 2048
J = P2 // Q


def _tc_tail(agg4, deg4, w1t, b1, fcwt, fc_b):

    def body(a_ref, d_ref, w_ref, b_ref, fw_ref, fb_ref, o_ref):
        b = pl.program_id(0)
        s = a_ref[0] + a_ref[1]
        si = lax.rsqrt(jnp.maximum(d_ref[0] + d_ref[1], 1.0))
        a = s * si
        h = jnp.dot(w_ref[...], a, preferred_element_type=jnp.float32)
        h = jnp.maximum(h + b_ref[...], 0.0)
        val = jnp.sum(h * fw_ref[...])
        o_ref[b] = jnp.full((8, 128), jax.nn.sigmoid(val + fb_ref[0, 0]),
                            jnp.float32)

    return pl.pallas_call(
        body,
        grid=(B,),
        in_specs=[
            pl.BlockSpec((NC, 3, P2), lambda b: (0, 0, b)),
            pl.BlockSpec((NC, 1, P2), lambda b: (0, 0, b)),
            pl.BlockSpec((F, 3), lambda b: (0, 0)),
            pl.BlockSpec((F, 1), lambda b: (0, 0)),
            pl.BlockSpec((F, P2), lambda b: (0, 0)),
            pl.BlockSpec((1, 1), lambda b: (0, 0)),
        ],
        out_specs=pl.BlockSpec((B, 8, 128), lambda b: (0, 0, 0)),
        out_shape=jax.ShapeDtypeStruct((B, 8, 128), jnp.float32),
    )(agg4, deg4, w1t, b1, fcwt, fc_b)


def kernel(hcal, ecal, trck, edge_index, W1, b1, fc_W, fc_b):
    if edge_index.dtype != jnp.int32:
        edge_index = edge_index.astype(jnp.int32)
    edges = edge_index.reshape(2 * E)

    x3 = jnp.zeros((3, N2), jnp.float32)
    x3 = x3.at[0, :N].set(hcal).at[1, :N].set(ecal).at[2, :N].set(trck)

    cnt = _sc_count(edges)
    f0, f1, f2 = _tc_feat(x3, cnt.reshape(NC * 2, N2))
    aggp = _sc_aggregate(edges, f0.reshape(N2), f1.reshape(N2),
                         f2.reshape(N2))

    agg4 = jnp.pad(aggp[:, :, :N].reshape(NC, 3, B, P),
                   ((0, 0), (0, 0), (0, 0), (0, P2 - P)))
    agg4 = agg4.reshape(NC, 3, B * P2)
    deg4 = jnp.pad(cnt[:, 1:2, :N].reshape(NC, 1, B, P),
                   ((0, 0), (0, 0), (0, 0), (0, P2 - P)))
    deg4 = deg4.reshape(NC, 1, B * P2)
    w1t = W1.T
    b1c = b1.reshape(F, 1)
    fcwt = fc_W.reshape(P, F).T
    fcwt = jnp.pad(fcwt, ((0, 0), (0, P2 - P)))
    fcb = fc_b.reshape(1, 1)
    out = _tc_tail(agg4, deg4, w1t, b1c, fcwt, fcb)
    return out[:, 0, 0:1]

# --- scband reference (transcript-rebuilt; emitter-appended) ---
"""Pipeline reference for scband-my-model-60249801228295 (READ-ONLY COPY).

The authoritative reference and input builder live on the scoring server;
editing this copy changes nothing except your own understanding.
"""

import jax, jax.numpy as jnp
import numpy as np

N = 100000          # total nodes = batch_size(10) * width(100) * height(100)
E = 1600000         # edges, avg degree 16
B = 10              # number of graphs in the batch
WIDTH = 100
HEIGHT = 100


def setup_inputs(seed: int = 0) -> dict:
    key = jax.random.key(seed)
    k1, k2, k3, k4, k5, k6 = jax.random.split(key, 6)
    hcal = jax.random.normal(k1, (N,), dtype=jnp.float32)
    ecal = jax.random.normal(k2, (N,), dtype=jnp.float32)
    trck = jax.random.normal(k3, (N,), dtype=jnp.float32)
    edge_index = jax.random.randint(k4, (2, E), 0, N, dtype=jnp.int64)
    # GraphConv(3, 64) parameters (glorot-ish scale)
    W1 = jax.random.normal(k5, (3, 64), dtype=jnp.float32) * (1.0 / np.sqrt(3.0))
    b1 = jnp.zeros((64,), dtype=jnp.float32)
    # fc: Linear(64 * width * height, 1)
    fc_W = jax.random.normal(k6, (64 * WIDTH * HEIGHT, 1), dtype=jnp.float32) * (1.0 / np.sqrt(64.0 * WIDTH * HEIGHT))
    fc_b = jnp.zeros((1,), dtype=jnp.float32)
    return {"hcal": hcal, "ecal": ecal, "trck": trck, "edge_index": edge_index,
            "W1": W1, "b1": b1, "fc_W": fc_W, "fc_b": fc_b}


def _graph_conv(x, edge_index, W, b):
    # DGL GraphConv with norm='both': D_in^{-1/2} A D_out^{-1/2} X W + b
    # in_feats(3) < out_feats(64) -> aggregate first, then matmul.
    src = edge_index[0]
    dst = edge_index[1]
    deg_out = jnp.clip(jnp.bincount(src, length=N).astype(jnp.float32), 1.0, None)
    deg_in = jnp.clip(jnp.bincount(dst, length=N).astype(jnp.float32), 1.0, None)
    feat = x * (deg_out ** -0.5)[:, None]
    msg = feat[src]                                   # gather  [E, 3]
    agg = jax.ops.segment_sum(msg, dst, num_segments=N)  # scatter-add [N, 3]
    agg = agg * (deg_in ** -0.5)[:, None]
    h = agg @ W + b
    return h


def reference(hcal, ecal, trck, edge_index, W1, b1, fc_W, fc_b):
    # torch.cat([hcal, ecal, trck]).view(3, -1).permute(1, 0) -> [N, 3]
    x = jnp.stack([hcal, ecal, trck], axis=1)
    h = _graph_conv(x, edge_index, W1, b1)
    h = jax.nn.relu(h)                                # gc1 activation
    # per-graph flatten: nodes are ordered by graph, so reshape works
    flat = h.reshape(B, WIDTH * HEIGHT * 64)
    out = jax.nn.sigmoid(flat @ fc_W + fc_b)          # [B, 1]
    return out

if __name__ == "__main__":
    import jax
    _d = setup_inputs()
    print(jax.jit(kernel)(*tuple(_d.values())))

</pallas_src>

<mosaic_0001>
#map = affine_map<(d0, d1) -> (0)>
module attributes {stable_mosaic.version = 14 : i64} {
  func.func @k(%arg0: i32, %arg1: i32, %arg2: memref<3200000xi32, #tpu.memory_space<hbm>>, %arg3: memref<102400xf32, #tpu.memory_space<hbm>>, %arg4: memref<102400xf32, #tpu.memory_space<hbm>>, %arg5: memref<102400xf32, #tpu.memory_space<hbm>>, %arg6: memref<614400xf32, #tpu.memory_space<hbm>>, %arg7: memref<5000xi32, #tpu.memory_space<vmem>>, %arg8: memref<5000xi32, #tpu.memory_space<vmem>>, %arg9: memref<5000xi32, #tpu.memory_space<vmem>>, %arg10: memref<5000xi32, #tpu.memory_space<vmem>>, %arg11: memref<5000xi32, #tpu.memory_space<vmem>>, %arg12: memref<5000xi32, #tpu.memory_space<vmem>>, %arg13: memref<5000xf32, #tpu.memory_space<vmem>>, %arg14: memref<5000xf32, #tpu.memory_space<vmem>>, %arg15: memref<5000xf32, #tpu.memory_space<vmem>>, %arg16: memref<5000xf32, #tpu.memory_space<vmem>>, %arg17: memref<5000xf32, #tpu.memory_space<vmem>>, %arg18: memref<5000xf32, #tpu.memory_space<vmem>>, %arg19: memref<5000xf32, #tpu.memory_space<vmem>>, %arg20: memref<5000xf32, #tpu.memory_space<vmem>>, %arg21: memref<5000xf32, #tpu.memory_space<vmem>>, %arg22: memref<6400xf32, #tpu.memory_space<vmem>>, %arg23: memref<102400xf32, #tpu.memory_space<vmem_shared>>, %arg24: memref<102400xf32, #tpu.memory_space<vmem_shared>>, %arg25: memref<102400xf32, #tpu.memory_space<vmem_shared>>, %arg26: memref<102400xf32, #tpu.memory_space<vmem_shared>>, %arg27: memref<102400xf32, #tpu.memory_space<vmem_shared>>, %arg28: memref<102400xf32, #tpu.memory_space<vmem_shared>>, %arg29: memref<!tpu.dma_semaphore, #tpu.memory_space<semaphore_mem>>, %arg30: memref<!tpu.dma_semaphore, #tpu.memory_space<semaphore_mem>>, %arg31: memref<!tpu.dma_semaphore, #tpu.memory_space<semaphore_mem>>, %arg32: memref<!tpu.dma_semaphore, #tpu.memory_space<semaphore_mem>>, %arg33: memref<!tpu.dma_semaphore, #tpu.memory_space<semaphore_mem>>, %arg34: memref<!tpu.dma_semaphore, #tpu.memory_space<semaphore_mem>>, %arg35: memref<!tpu.dma_semaphore, #tpu.memory_space<semaphore_mem>>, %arg36: memref<!tpu.dma_semaphore, #tpu.memory_space<semaphore_mem>>, %arg37: memref<!tpu.dma_semaphore, #tpu.memory_space<semaphore_mem>>) attributes {dimension_semantics = [#tpu.dimension_semantics<core_parallel>, #tpu.dimension_semantics<subcore_parallel>], iteration_bounds = array<i64: 2, 16>, scalar_prefetch = 0 : i64, scratch_operands = 31 : i64, tpu.core_type = #tpu.core_type<sc_vector_subcore>, window_params = [{transform_indices = #map}, {transform_indices = #map}, {transform_indices = #map}, {transform_indices = #map}, {transform_indices = #map}]} {
    %broadcast_in_dim3A = arith.constant 0.000000e+00 : f32
    %broadcast_in_dim3A_0 = vector.broadcast %broadcast_in_dim3A : f32 to vector<16xf32>
    %scan3A = arith.constant 0 : i32
    %scan3A_1 = arith.constant 0 : i32
    %scan3A_2 = arith.constant 400 : i32
    %scan3A_3 = arith.addi %scan3A_1, %scan3A_2 : i32
    %scan3A_4 = arith.constant 1 : i32
    %scan3A_5 = scf.for %scan3A_394 = %scan3A_1 to %scan3A_3 step %scan3A_4 iter_args(%scan3A_395 = %scan3A) -> (i32)  : i32 {
      %mul3A_396 = arith.constant 16 : i32
      %mul3A_397 = arith.muli %scan3A_394, %mul3A_396 : i32
      %swap3A = arith.index_cast %mul3A_397 : i32 to index
      %swap3A_398 = tpu.vector_load %arg22[%swap3A] {strides = array<i32>} : memref<6400xf32, #tpu.memory_space<vmem>>, vector<16xf32>,
      %swap3A_399 = vector.shape_cast %swap3A_398 : vector<16xf32> to vector<16xf32>
      %swap3A_400 = vector.shape_cast %broadcast_in_dim3A_0 : vector<16xf32> to vector<16xf32>
      tpu.vector_store %arg22[%swap3A], %swap3A_400 {strides = array<i32>} : memref<6400xf32, #tpu.memory_space<vmem>>, vector<16xf32>,
      %scan3A_401 = arith.constant 0 : i32
      scf.yield %scan3A_401 : i32
    }
    %scan3A_6 = arith.constant 400 : i32
    %mul3A = arith.constant 6400 : i32
    %mul3A_7 = arith.muli %arg1, %mul3A : i32
    "tpu.region"() ({
      %run_scoped3A = tpu.sem_alloc : memref<!tpu.dma_semaphore, #tpu.memory_space<semaphore_mem>>
      %dma_start3A_394 = tpu.memref_slice %arg23[%mul3A_7] : memref<102400xf32, #tpu.memory_space<vmem_shared>> -> memref<6400xf32, #tpu.memory_space<vmem_shared>>
      %dma_start3A_395 = tpu.memref_slice %arg23[%mul3A_7] : memref<102400xf32, #tpu.memory_space<vmem_shared>> -> memref<6400xf32, #tpu.memory_space<vmem_shared>>
      tpu.enqueue_dma source(%arg22 : memref<6400xf32, #tpu.memory_space<vmem>>) target(%dma_start3A_395 : memref<6400xf32, #tpu.memory_space<vmem_shared>>) target_semaphore(%run_scoped3A : memref<!tpu.dma_semaphore, #tpu.memory_space<semaphore_mem>>)
      %dma_wait3A_396 = tpu.memref_slice %arg23[%mul3A_7] : memref<102400xf32, #tpu.memory_space<vmem_shared>> -> memref<6400xf32, #tpu.memory_space<vmem_shared>>
      %dma_wait3A_397 = tpu.memref_slice %arg23[%mul3A_7] : memref<102400xf32, #tpu.memory_space<vmem_shared>> -> memref<6400xf32, #tpu.memory_space<vmem_shared>>
      tpu.wait_dma2 semaphore(%run_scoped3A : memref<!tpu.dma_semaphore, #tpu.memory_space<semaphore_mem>>) src(%arg22 : memref<6400xf32, #tpu.memory_space<vmem>>) dst(%dma_wait3A_397 : memref<6400xf32, #tpu.memory_space<vmem_shared>>)
      tpu.yield
    }) : () -> ()
    "tpu.region"() ({
      %run_scoped3A = tpu.sem_alloc : memref<!tpu.dma_semaphore, #tpu.memory_space<semaphore_mem>>
      %dma_start3A_394 = tpu.memref_slice %arg24[%mul3A_7] : memref<102400xf32, #tpu.memory_space<vmem_shared>> -> memref<6400xf32, #tpu.memory_space<vmem_shared>>
      %dma_start3A_395 = tpu.memref_slice %arg24[%mul3A_7] : memref<102400xf32, #tpu.memory_space<vmem_shared>> -> memref<6400xf32, #tpu.memory_space<vmem_shared>>
      tpu.enqueue_dma source(%arg22 : memref<6400xf32, #tpu.memory_space<vmem>>) target(%dma_start3A_395 : memref<6400xf32, #tpu.memory_space<vmem_shared>>) target_semaphore(%run_scoped3A : memref<!tpu.dma_semaphore, #tpu.memory_space<semaphore_mem>>)
      %dma_wait3A_396 = tpu.memref_slice %arg24[%mul3A_7] : memref<102400xf32, #tpu.memory_space<vmem_shared>> -> memref<6400xf32, #tpu.memory_space<vmem_shared>>
      %dma_wait3A_397 = tpu.memref_slice %arg24[%mul3A_7] : memref<102400xf32, #tpu.memory_space<vmem_shared>> -> memref<6400xf32, #tpu.memory_space<vmem_shared>>
      tpu.wait_dma2 semaphore(%run_scoped3A : memref<!tpu.dma_semaphore, #tpu.memory_space<semaphore_mem>>) src(%arg22 : memref<6400xf32, #tpu.memory_space<vmem>>) dst(%dma_wait3A_397 : memref<6400xf32, #tpu.memory_space<vmem_shared>>)
      tpu.yield
    }) : () -> ()
    "tpu.region"() ({
      %run_scoped3A = tpu.sem_alloc : memref<!tpu.dma_semaphore, #tpu.memory_space<semaphore_mem>>
      %dma_start3A_394 = tpu.memref_slice %arg25[%mul3A_7] : memref<102400xf32, #tpu.memory_space<vmem_shared>> -> memref<6400xf32, #tpu.memory_space<vmem_shared>>
      %dma_start3A_395 = tpu.memref_slice %arg25[%mul3A_7] : memref<102400xf32, #tpu.memory_space<vmem_shared>> -> memref<6400xf32, #tpu.memory_space<vmem_shared>>
      tpu.enqueue_dma source(%arg22 : memref<6400xf32, #tpu.memory_space<vmem>>) target(%dma_start3A_395 : memref<6400xf32, #tpu.memory_space<vmem_shared>>) target_semaphore(%run_scoped3A : memref<!tpu.dma_semaphore, #tpu.memory_space<semaphore_mem>>)
      %dma_wait3A_396 = tpu.memref_slice %arg25[%mul3A_7] : memref<102400xf32, #tpu.memory_space<vmem_shared>> -> memref<6400xf32, #tpu.memory_space<vmem_shared>>
      %dma_wait3A_397 = tpu.memref_slice %arg25[%mul3A_7] : memref<102400xf32, #tpu.memory_space<vmem_shared>> -> memref<6400xf32, #tpu.memory_space<vmem_shared>>
      tpu.wait_dma2 semaphore(%run_scoped3A : memref<!tpu.dma_semaphore, #tpu.memory_space<semaphore_mem>>) src(%arg22 : memref<6400xf32, #tpu.memory_space<vmem>>) dst(%dma_wait3A_397 : memref<6400xf32, #tpu.memory_space<vmem_shared>>)
      tpu.yield
    }) : () -> ()
    "tpu.region"() ({
      %run_scoped3A = tpu.sem_alloc : memref<!tpu.dma_semaphore, #tpu.memory_space<semaphore_mem>>
      %dma_start3A_394 = tpu.memref_slice %arg26[%mul3A_7] : memref<102400xf32, #tpu.memory_space<vmem_shared>> -> memref<6400xf32, #tpu.memory_space<vmem_shared>>
      %dma_start3A_395 = tpu.memref_slice %arg3[%mul3A_7] : memref<102400xf32, #tpu.memory_space<hbm>> -> memref<6400xf32, #tpu.memory_space<hbm>>
      tpu.enqueue_dma source(%dma_start3A_395 : memref<6400xf32, #tpu.memory_space<hbm>>) target(%dma_start3A_394 : memref<6400xf32, #tpu.memory_space<vmem_shared>>) target_semaphore(%run_scoped3A : memref<!tpu.dma_semaphore, #tpu.memory_space<semaphore_mem>>)
      %dma_wait3A_396 = tpu.memref_slice %arg26[%mul3A_7] : memref<102400xf32, #tpu.memory_space<vmem_shared>> -> memref<6400xf32, #tpu.memory_space<vmem_shared>>
      %dma_wait3A_397 = tpu.memref_slice %arg3[%mul3A_7] : memref<102400xf32, #tpu.memory_space<hbm>> -> memref<6400xf32, #tpu.memory_space<hbm>>
      tpu.wait_dma2 semaphore(%run_scoped3A : memref<!tpu.dma_semaphore, #tpu.memory_space<semaphore_mem>>) src(%dma_wait3A_397 : memref<6400xf32, #tpu.memory_space<hbm>>) dst(%dma_wait3A_396 : memref<6400xf32, #tpu.memory_space<vmem_shared>>)
      tpu.yield
    }) : () -> ()
    "tpu.region"() ({
      %run_scoped3A = tpu.sem_alloc : memref<!tpu.dma_semaphore, #tpu.memory_space<semaphore_mem>>
      %dma_start3A_394 = tpu.memref_slice %arg27[%mul3A_7] : memref<102400xf32, #tpu.memory_space<vmem_shared>> -> memref<6400xf32, #tpu.memory_space<vmem_shared>>
      %dma_start3A_395 = tpu.memref_slice %arg4[%mul3A_7] : memref<102400xf32, #tpu.memory_space<hbm>> -> memref<6400xf32, #tpu.memory_space<hbm>>
      tpu.enqueue_dma source(%dma_start3A_395 : memref<6400xf32, #tpu.memory_space<hbm>>) target(%dma_start3A_394 : memref<6400xf32, #tpu.memory_space<vmem_shared>>) target_semaphore(%run_scoped3A : memref<!tpu.dma_semaphore, #tpu.memory_space<semaphore_mem>>)
      %dma_wait3A_396 = tpu.memref_slice %arg27[%mul3A_7] : memref<102400xf32, #tpu.memory_space<vmem_shared>> -> memref<6400xf32, #tpu.memory_space<vmem_shared>>
      %dma_wait3A_397 = tpu.memref_slice %arg4[%mul3A_7] : memref<102400xf32, #tpu.memory_space<hbm>> -> memref<6400xf32, #tpu.memory_space<hbm>>
      tpu.wait_dma2 semaphore(%run_scoped3A : memref<!tpu.dma_semaphore, #tpu.memory_space<semaphore_mem>>) src(%dma_wait3A_397 : memref<6400xf32, #tpu.memory_space<hbm>>) dst(%dma_wait3A_396 : memref<6400xf32, #tpu.memory_space<vmem_shared>>)
      tpu.yield
    }) : () -> ()
    "tpu.region"() ({
      %run_scoped3A = tpu.sem_alloc : memref<!tpu.dma_semaphore, #tpu.memory_space<semaphore_mem>>
      %dma_start3A_394 = tpu.memref_slice %arg28[%mul3A_7] : memref<102400xf32, #tpu.memory_space<vmem_shared>> -> memref<6400xf32, #tpu.memory_space<vmem_shared>>
      %dma_start3A_395 = tpu.memref_slice %arg5[%mul3A_7] : memref<102400xf32, #tpu.memory_space<hbm>> -> memref<6400xf32, #tpu.memory_space<hbm>>
      tpu.enqueue_dma source(%dma_start3A_395 : memref<6400xf32, #tpu.memory_space<hbm>>) target(%dma_start3A_394 : memref<6400xf32, #tpu.memory_space<vmem_shared>>) target_semaphore(%run_scoped3A : memref<!tpu.dma_semaphore, #tpu.memory_space<semaphore_mem>>)
      %dma_wait3A_396 = tpu.memref_slice %arg28[%mul3A_7] : memref<102400xf32, #tpu.memory_space<vmem_shared>> -> memref<6400xf32, #tpu.memory_space<vmem_shared>>
      %dma_wait3A_397 = tpu.memref_slice %arg5[%mul3A_7] : memref<102400xf32, #tpu.memory_space<hbm>> -> memref<6400xf32, #tpu.memory_space<hbm>>
      tpu.wait_dma2 semaphore(%run_scoped3A : memref<!tpu.dma_semaphore, #tpu.memory_space<semaphore_mem>>) src(%dma_wait3A_397 : memref<6400xf32, #tpu.memory_space<hbm>>) dst(%dma_wait3A_396 : memref<6400xf32, #tpu.memory_space<vmem_shared>>)
      tpu.yield
    }) : () -> ()
    %barrier3A = arith.constant 0 : index
    tpu.barrier barrier_id(%barrier3A)
    %mul3A_8 = arith.constant 16 : i32
    %mul3A_9 = arith.muli %arg0, %mul3A_8 : i32
    %add3A = arith.addi %mul3A_9, %arg1 : i32
    %mul3A_10 = arith.constant 50000 : i32
    %mul3A_11 = arith.muli %add3A, %mul3A_10 : i32
    %add3A_12 = arith.constant 0 : i32
    %add3A_13 = arith.addi %mul3A_11, %add3A_12 : i32
    %multiple_of3A = tpu.assume_multiple %add3A_13, 8 : i32
    %dma_start3A = tpu.memref_slice %arg2[%multiple_of3A] : memref<3200000xi32, #tpu.memory_space<hbm>> -> memref<5000xi32, #tpu.memory_space<hbm>>
    %dma_start3A_14 = tpu.memref_slice %arg2[%multiple_of3A] : memref<3200000xi32, #tpu.memory_space<hbm>> -> memref<5000xi32, #tpu.memory_space<hbm>>
    tpu.enqueue_dma source(%dma_start3A_14 : memref<5000xi32, #tpu.memory_space<hbm>>) target(%arg7 : memref<5000xi32, #tpu.memory_space<vmem>>) target_semaphore(%arg29 : memref<!tpu.dma_semaphore, #tpu.memory_space<semaphore_mem>>)
    %add3A_15 = arith.constant 1600000 : i32
    %add3A_16 = arith.addi %multiple_of3A, %add3A_15 : i32
    %dma_start3A_17 = tpu.memref_slice %arg2[%add3A_16] : memref<3200000xi32, #tpu.memory_space<hbm>> -> memref<5000xi32, #tpu.memory_space<hbm>>
    %dma_start3A_18 = tpu.memref_slice %arg2[%add3A_16] : memref<3200000xi32, #tpu.memory_space<hbm>> -> memref<5000xi32, #tpu.memory_space<hbm>>
    tpu.enqueue_dma source(%dma_start3A_18 : memref<5000xi32, #tpu.memory_space<hbm>>) target(%arg10 : memref<5000xi32, #tpu.memory_space<vmem>>) target_semaphore(%arg29 : memref<!tpu.dma_semaphore, #tpu.memory_space<semaphore_mem>>)
    %dma_wait3A = tpu.memref_slice %arg2[%multiple_of3A] : memref<3200000xi32, #tpu.memory_space<hbm>> -> memref<5000xi32, #tpu.memory_space<hbm>>
    %dma_wait3A_19 = tpu.memref_slice %arg2[%multiple_of3A] : memref<3200000xi32, #tpu.memory_space<hbm>> -> memref<5000xi32, #tpu.memory_space<hbm>>
    tpu.wait_dma2 semaphore(%arg29 : memref<!tpu.dma_semaphore, #tpu.memory_space<semaphore_mem>>) src(%dma_wait3A_19 : memref<5000xi32, #tpu.memory_space<hbm>>) dst(%arg7 : memref<5000xi32, #tpu.memory_space<vmem>>)
    %dma_wait3A_20 = tpu.memref_slice %arg2[%add3A_16] : memref<3200000xi32, #tpu.memory_space<hbm>> -> memref<5000xi32, #tpu.memory_space<hbm>>
    %dma_wait3A_21 = tpu.memref_slice %arg2[%add3A_16] : memref<3200000xi32, #tpu.memory_space<hbm>> -> memref<5000xi32, #tpu.memory_space<hbm>>
    tpu.wait_dma2 semaphore(%arg29 : memref<!tpu.dma_semaphore, #tpu.memory_space<semaphore_mem>>) src(%dma_wait3A_21 : memref<5000xi32, #tpu.memory_space<hbm>>) dst(%arg10 : memref<5000xi32, #tpu.memory_space<vmem>>)
    %dma_start3A_22 = arith.constant 0 : i32
    %dma_start3A_23 = tpu.memref_slice %arg26[%dma_start3A_22] : memref<102400xf32, #tpu.memory_space<vmem_shared>> -> memref<102400xf32, #tpu.memory_space<vmem_shared>>
    tpu.enqueue_indirect_dma source(%dma_start3A_23 : memref<102400xf32, #tpu.memory_space<vmem_shared>>) target(%arg13 : memref<5000xf32, #tpu.memory_space<vmem>>) offsets(%arg7 : memref<5000xi32, #tpu.memory_space<vmem>>) semaphore(%arg32 : memref<!tpu.dma_semaphore, #tpu.memory_space<semaphore_mem>>)
    %dma_start3A_24 = arith.constant 0 : i32
    %dma_start3A_25 = tpu.memref_slice %arg27[%dma_start3A_24] : memref<102400xf32, #tpu.memory_space<vmem_shared>> -> memref<102400xf32, #tpu.memory_space<vmem_shared>>
    tpu.enqueue_indirect_dma source(%dma_start3A_25 : memref<102400xf32, #tpu.memory_space<vmem_shared>>) target(%arg16 : memref<5000xf32, #tpu.memory_space<vmem>>) offsets(%arg7 : memref<5000xi32, #tpu.memory_space<vmem>>) semaphore(%arg32 : memref<!tpu.dma_semaphore, #tpu.memory_space<semaphore_mem>>)
    %dma_start3A_26 = arith.constant 0 : i32
    %dma_start3A_27 = tpu.memref_slice %arg28[%dma_start3A_26] : memref<102400xf32, #tpu.memory_space<vmem_shared>> -> memref<102400xf32, #tpu.memory_space<vmem_shared>>
    tpu.enqueue_indirect_dma source(%dma_start3A_27 : memref<102400xf32, #tpu.memory_space<vmem_shared>>) target(%arg19 : memref<5000xf32, #tpu.memory_space<vmem>>) offsets(%arg7 : memref<5000xi32, #tpu.memory_space<vmem>>) semaphore(%arg32 : memref<!tpu.dma_semaphore, #tpu.memory_space<semaphore_mem>>)
    %add3A_28 = arith.constant 5000 : i32
    %add3A_29 = arith.addi %mul3A_11, %add3A_28 : i32
    %multiple_of3A_30 = tpu.assume_multiple %add3A_29, 8 : i32
    %dma_start3A_31 = tpu.memref_slice %arg2[%multiple_of3A_30] : memref<3200000xi32, #tpu.memory_space<hbm>> -> memref<5000xi32, #tpu.memory_space<hbm>>
    %dma_start3A_32 = tpu.memref_slice %arg2[%multiple_of3A_30] : memref<3200000xi32, #tpu.memory_space<hbm>> -> memref<5000xi32, #tpu.memory_space<hbm>>
    tpu.enqueue_dma source(%dma_start3A_32 : memref<5000xi32, #tpu.memory_space<hbm>>) target(%arg8 : memref<5000xi32, #tpu.memory_space<vmem>>) target_semaphore(%arg30 : memref<!tpu.dma_semaphore, #tpu.memory_space<semaphore_mem>>)
    %add3A_33 = arith.constant 1600000 : i32
    %add3A_34 = arith.addi %multiple_of3A_30, %add3A_33 : i32
    %dma_start3A_35 = tpu.memref_slice %arg2[%add3A_34] : memref<3200000xi32, #tpu.memory_space<hbm>> -> memref<5000xi32, #tpu.memory_space<hbm>>
    %dma_start3A_36 = tpu.memref_slice %arg2[%add3A_34] : memref<3200000xi32, #tpu.memory_space<hbm>> -> memref<5000xi32, #tpu.memory_space<hbm>>
    tpu.enqueue_dma source(%dma_start3A_36 : memref<5000xi32, #tpu.memory_space<hbm>>) target(%arg11 : memref<5000xi32, #tpu.memory_space<vmem>>) target_semaphore(%arg30 : memref<!tpu.dma_semaphore, #tpu.memory_space<semaphore_mem>>)
    %dma_wait3A_37 = arith.constant 0 : i32
    %dma_wait3A_38 = tpu.memref_slice %arg26[%dma_wait3A_37] : memref<102400xf32, #tpu.memory_space<vmem_shared>> -> memref<102400xf32, #tpu.memory_space<vmem_shared>>
    tpu.wait_indirect_dma semaphore(%arg32 : memref<!tpu.dma_semaphore, #tpu.memory_space<semaphore_mem>>) src(%dma_wait3A_38 : memref<102400xf32, #tpu.memory_space<vmem_shared>>) dst(%arg13 : memref<5000xf32, #tpu.memory_space<vmem>>)
    %dma_wait3A_39 = arith.constant 0 : i32
    %dma_wait3A_40 = tpu.memref_slice %arg27[%dma_wait3A_39] : memref<102400xf32, #tpu.memory_space<vmem_shared>> -> memref<102400xf32, #tpu.memory_space<vmem_shared>>
    tpu.wait_indirect_dma semaphore(%arg32 : memref<!tpu.dma_semaphore, #tpu.memory_space<semaphore_mem>>) src(%dma_wait3A_40 : memref<102400xf32, #tpu.memory_space<vmem_shared>>) dst(%arg16 : memref<5000xf32, #tpu.memory_space<vmem>>)
    %dma_wait3A_41 = arith.constant 0 : i32
    %dma_wait3A_42 = tpu.memref_slice %arg28[%dma_wait3A_41] : memref<102400xf32, #tpu.memory_space<vmem_shared>> -> memref<102400xf32, #tpu.memory_space<vmem_shared>>
    tpu.wait_indirect_dma semaphore(%arg32 : memref<!tpu.dma_semaphore, #tpu.memory_space<semaphore_mem>>) src(%dma_wait3A_42 : memref<102400xf32, #tpu.memory_space<vmem_shared>>) dst(%arg19 : memref<5000xf32, #tpu.memory_space<vmem>>)
    %dma_start3A_43 = arith.constant 0 : i32
    %dma_start3A_44 = tpu.memref_slice %arg23[%dma_start3A_43] : memref<102400xf32, #tpu.memory_space<vmem_shared>> -> memref<102400xf32, #tpu.memory_space<vmem_shared>>
    tpu.enqueue_indirect_dma source(%arg13 : memref<5000xf32, #tpu.memory_space<vmem>>) target(%dma_start3A_44 : memref<102400xf32, #tpu.memory_space<vmem_shared>>) offsets(%arg10 : memref<5000xi32, #tpu.memory_space<vmem>>) semaphore(%arg35 : memref<!tpu.dma_semaphore, #tpu.memory_space<semaphore_mem>>) {add = true}
    %dma_start3A_45 = arith.constant 0 : i32
    %dma_start3A_46 = tpu.memref_slice %arg24[%dma_start3A_45] : memref<102400xf32, #tpu.memory_space<vmem_shared>> -> memref<102400xf32, #tpu.memory_space<vmem_shared>>
    tpu.enqueue_indirect_dma source(%arg16 : memref<5000xf32, #tpu.memory_space<vmem>>) target(%dma_start3A_46 : memref<102400xf32, #tpu.memory_space<vmem_shared>>) offsets(%arg10 : memref<5000xi32, #tpu.memory_space<vmem>>) semaphore(%arg35 : memref<!tpu.dma_semaphore, #tpu.memory_space<semaphore_mem>>) {add = true}
    %dma_start3A_47 = arith.constant 0 : i32
    %dma_start3A_48 = tpu.memref_slice %arg25[%dma_start3A_47] : memref<102400xf32, #tpu.memory_space<vmem_shared>> -> memref<102400xf32, #tpu.memory_space<vmem_shared>>
    tpu.enqueue_indirect_dma source(%arg19 : memref<5000xf32, #tpu.memory_space<vmem>>) target(%dma_start3A_48 : memref<102400xf32, #tpu.memory_space<vmem_shared>>) offsets(%arg10 : memref<5000xi32, #tpu.memory_space<vmem>>) semaphore(%arg35 : memref<!tpu.dma_semaphore, #tpu.memory_space<semaphore_mem>>) {add = true}
    %dma_wait3A_49 = tpu.memref_slice %arg2[%multiple_of3A_30] : memref<3200000xi32, #tpu.memory_space<hbm>> -> memref<5000xi32, #tpu.memory_space<hbm>>
    %dma_wait3A_50 = tpu.memref_slice %arg2[%multiple_of3A_30] : memref<3200000xi32, #tpu.memory_space<hbm>> -> memref<5000xi32, #tpu.memory_space<hbm>>
    tpu.wait_dma2 semaphore(%arg30 : memref<!tpu.dma_semaphore, #tpu.memory_space<semaphore_mem>>) src(%dma_wait3A_50 : memref<5000xi32, #tpu.memory_space<hbm>>) dst(%arg8 : memref<5000xi32, #tpu.memory_space<vmem>>)
    %dma_wait3A_51 = tpu.memref_slice %arg2[%add3A_34] : memref<3200000xi32, #tpu.memory_space<hbm>> -> memref<5000xi32, #tpu.memory_space<hbm>>
    %dma_wait3A_52 = tpu.memref_slice %arg2[%add3A_34] : memref<3200000xi32, #tpu.memory_space<hbm>> -> memref<5000xi32, #tpu.memory_space<hbm>>
    tpu.wait_dma2 semaphore(%arg30 : memref<!tpu.dma_semaphore, #tpu.memory_space<semaphore_mem>>) src(%dma_wait3A_52 : memref<5000xi32, #tpu.memory_space<hbm>>) dst(%arg11 : memref<5000xi32, #tpu.memory_space<vmem>>)
    %dma_start3A_53 = arith.constant 0 : i32
    %dma_start3A_54 = tpu.memref_slice %arg26[%dma_start3A_53] : memref<102400xf32, #tpu.memory_space<vmem_shared>> -> memref<102400xf32, #tpu.memory_space<vmem_shared>>
    tpu.enqueue_indirect_dma source(%dma_start3A_54 : memref<102400xf32, #tpu.memory_space<vmem_shared>>) target(%arg14 : memref<5000xf32, #tpu.memory_space<vmem>>) offsets(%arg8 : memref<5000xi32, #tpu.memory_space<vmem>>) semaphore(%arg33 : memref<!tpu.dma_semaphore, #tpu.memory_space<semaphore_mem>>)
    %dma_start3A_55 = arith.constant 0 : i32
    %dma_start3A_56 = tpu.memref_slice %arg27[%dma_start3A_55] : memref<102400xf32, #tpu.memory_space<vmem_shared>> -> memref<102400xf32, #tpu.memory_space<vmem_shared>>
    tpu.enqueue_indirect_dma source(%dma_start3A_56 : memref<102400xf32, #tpu.memory_space<vmem_shared>>) target(%arg17 : memref<5000xf32, #tpu.memory_space<vmem>>) offsets(%arg8 : memref<5000xi32, #tpu.memory_space<vmem>>) semaphore(%arg33 : memref<!tpu.dma_semaphore, #tpu.memory_space<semaphore_mem>>)
    %dma_start3A_57 = arith.constant 0 : i32
    %dma_start3A_58 = tpu.memref_slice %arg28[%dma_start3A_57] : memref<102400xf32, #tpu.memory_space<vmem_shared>> -> memref<102400xf32, #tpu.memory_space<vmem_shared>>
    tpu.enqueue_indirect_dma source(%dma_start3A_58 : memref<102400xf32, #tpu.memory_space<vmem_shared>>) target(%arg20 : memref<5000xf32, #tpu.memory_space<vmem>>) offsets(%arg8 : memref<5000xi32, #tpu.memory_space<vmem>>) semaphore(%arg33 : memref<!tpu.dma_semaphore, #tpu.memory_space<semaphore_mem>>)
    %add3A_59 = arith.constant 10000 : i32
    %add3A_60 = arith.addi %mul3A_11, %add3A_59 : i32
    %multiple_of3A_61 = tpu.assume_multiple %add3A_60, 8 : i32
    %dma_start3A_62 = tpu.memref_slice %arg2[%multiple_of3A_61] : memref<3200000xi32, #tpu.memory_space<hbm>> -> memref<5000xi32, #tpu.memory_space<hbm>>
    %dma_start3A_63 = tpu.memref_slice %arg2[%multiple_of3A_61] : memref<3200000xi32, #tpu.memory_space<hbm>> -> memref<5000xi32, #tpu.memory_space<hbm>>
    tpu.enqueue_dma source(%dma_start3A_63 : memref<5000xi32, #tpu.memory_space<hbm>>) target(%arg9 : memref<5000xi32, #tpu.memory_space<vmem>>) target_semaphore(%arg31 : memref<!tpu.dma_semaphore, #tpu.memory_space<semaphore_mem>>)
    %add3A_64 = arith.constant 1600000 : i32
    %add3A_65 = arith.addi %multiple_of3A_61, %add3A_64 : i32
    %dma_start3A_66 = tpu.memref_slice %arg2[%add3A_65] : memref<3200000xi32, #tpu.memory_space<hbm>> -> memref<5000xi32, #tpu.memory_space<hbm>>
    %dma_start3A_67 = tpu.memref_slice %arg2[%add3A_65] : memref<3200000xi32, #tpu.memory_space<hbm>> -> memref<5000xi32, #tpu.memory_space<hbm>>
    tpu.enqueue_dma source(%dma_start3A_67 : memref<5000xi32, #tpu.memory_space<hbm>>) target(%arg12 : memref<5000xi32, #tpu.memory_space<vmem>>) target_semaphore(%arg31 : memref<!tpu.dma_semaphore, #tpu.memory_space<semaphore_mem>>)
    %dma_wait3A_68 = arith.constant 0 : i32
    %dma_wait3A_69 = tpu.memref_slice %arg26[%dma_wait3A_68] : memref<102400xf32, #tpu.memory_space<vmem_shared>> -> memref<102400xf32, #tpu.memory_space<vmem_shared>>
    tpu.wait_indirect_dma semaphore(%arg33 : memref<!tpu.dma_semaphore, #tpu.memory_space<semaphore_mem>>) src(%dma_wait3A_69 : memref<102400xf32, #tpu.memory_space<vmem_shared>>) dst(%arg14 : memref<5000xf32, #tpu.memory_space<vmem>>)
    %dma_wait3A_70 = arith.constant 0 : i32
    %dma_wait3A_71 = tpu.memref_slice %arg27[%dma_wait3A_70] : memref<102400xf32, #tpu.memory_space<vmem_shared>> -> memref<102400xf32, #tpu.memory_space<vmem_shared>>
    tpu.wait_indirect_dma semaphore(%arg33 : memref<!tpu.dma_semaphore, #tpu.memory_space<semaphore_mem>>) src(%dma_wait3A_71 : memref<102400xf32, #tpu.memory_space<vmem_shared>>) dst(%arg17 : memref<5000xf32, #tpu.memory_space<vmem>>)
    %dma_wait3A_72 = arith.constant 0 : i32
    %dma_wait3A_73 = tpu.memref_slice %arg28[%dma_wait3A_72] : memref<102400xf32, #tpu.memory_space<vmem_shared>> -> memref<102400xf32, #tpu.memory_space<vmem_shared>>
    tpu.wait_indirect_dma semaphore(%arg33 : memref<!tpu.dma_semaphore, #tpu.memory_space<semaphore_mem>>) src(%dma_wait3A_73 : memref<102400xf32, #tpu.memory_space<vmem_shared>>) dst(%arg20 : memref<5000xf32, #tpu.memory_space<vmem>>)
    %dma_start3A_74 = arith.constant 0 : i32
    %dma_start3A_75 = tpu.memref_slice %arg23[%dma_start3A_74] : memref<102400xf32, #tpu.memory_space<vmem_shared>> -> memref<102400xf32, #tpu.memory_space<vmem_shared>>
    tpu.enqueue_indirect_dma source(%arg14 : memref<5000xf32, #tpu.memory_space<vmem>>) target(%dma_start3A_75 : memref<102400xf32, #tpu.memory_space<vmem_shared>>) offsets(%arg11 : memref<5000xi32, #tpu.memory_space<vmem>>) semaphore(%arg36 : memref<!tpu.dma_semaphore, #tpu.memory_space<semaphore_mem>>) {add = true}
    %dma_start3A_76 = arith.constant 0 : i32
    %dma_start3A_77 = tpu.memref_slice %arg24[%dma_start3A_76] : memref<102400xf32, #tpu.memory_space<vmem_shared>> -> memref<102400xf32, #tpu.memory_space<vmem_shared>>
    tpu.enqueue_indirect_dma source(%arg17 : memref<5000xf32, #tpu.memory_space<vmem>>) target(%dma_start3A_77 : memref<102400xf32, #tpu.memory_space<vmem_shared>>) offsets(%arg11 : memref<5000xi32, #tpu.memory_space<vmem>>) semaphore(%arg36 : memref<!tpu.dma_semaphore, #tpu.memory_space<semaphore_mem>>) {add = true}
    %dma_start3A_78 = arith.constant 0 : i32
    %dma_start3A_79 = tpu.memref_slice %arg25[%dma_start3A_78] : memref<102400xf32, #tpu.memory_space<vmem_shared>> -> memref<102400xf32, #tpu.memory_space<vmem_shared>>
    tpu.enqueue_indirect_dma source(%arg20 : memref<5000xf32, #tpu.memory_space<vmem>>) target(%dma_start3A_79 : memref<102400xf32, #tpu.memory_space<vmem_shared>>) offsets(%arg11 : memref<5000xi32, #tpu.memory_space<vmem>>) semaphore(%arg36 : memref<!tpu.dma_semaphore, #tpu.memory_space<semaphore_mem>>) {add = true}
    %dma_wait3A_80 = tpu.memref_slice %arg2[%multiple_of3A_61] : memref<3200000xi32, #tpu.memory_space<hbm>> -> memref<5000xi32, #tpu.memory_space<hbm>>
    %dma_wait3A_81 = tpu.memref_slice %arg2[%multiple_of3A_61] : memref<3200000xi32, #tpu.memory_space<hbm>> -> memref<5000xi32, #tpu.memory_space<hbm>>
    tpu.wait_dma2 semaphore(%arg31 : memref<!tpu.dma_semaphore, #tpu.memory_space<semaphore_mem>>) src(%dma_wait3A_81 : memref<5000xi32, #tpu.memory_space<hbm>>) dst(%arg9 : memref<5000xi32, #tpu.memory_space<vmem>>)
    %dma_wait3A_82 = tpu.memref_slice %arg2[%add3A_65] : memref<3200000xi32, #tpu.memory_space<hbm>> -> memref<5000xi32, #tpu.memory_space<hbm>>
    %dma_wait3A_83 = tpu.memref_slice %arg2[%add3A_65] : memref<3200000xi32, #tpu.memory_space<hbm>> -> memref<5000xi32, #tpu.memory_space<hbm>>
    tpu.wait_dma2 semaphore(%arg31 : memref<!tpu.dma_semaphore, #tpu.memory_space<semaphore_mem>>) src(%dma_wait3A_83 : memref<5000xi32, #tpu.memory_space<hbm>>) dst(%arg12 : memref<5000xi32, #tpu.memory_space<vmem>>)
    %dma_start3A_84 = arith.constant 0 : i32
    %dma_start3A_85 = tpu.memref_slice %arg26[%dma_start3A_84] : memref<102400xf32, #tpu.memory_space<vmem_shared>> -> memref<102400xf32, #tpu.memory_space<vmem_shared>>
    tpu.enqueue_indirect_dma source(%dma_start3A_85 : memref<102400xf32, #tpu.memory_space<vmem_shared>>) target(%arg15 : memref<5000xf32, #tpu.memory_space<vmem>>) offsets(%arg9 : memref<5000xi32, #tpu.memory_space<vmem>>) semaphore(%arg34 : memref<!tpu.dma_semaphore, #tpu.memory_space<semaphore_mem>>)
    %dma_start3A_86 = arith.constant 0 : i32
    %dma_start3A_87 = tpu.memref_slice %arg27[%dma_start3A_86] : memref<102400xf32, #tpu.memory_space<vmem_shared>> -> memref<102400xf32, #tpu.memory_space<vmem_shared>>
    tpu.enqueue_indirect_dma source(%dma_start3A_87 : memref<102400xf32, #tpu.memory_space<vmem_shared>>) target(%arg18 : memref<5000xf32, #tpu.memory_space<vmem>>) offsets(%arg9 : memref<5000xi32, #tpu.memory_space<vmem>>) semaphore(%arg34 : memref<!tpu.dma_semaphore, #tpu.memory_space<semaphore_mem>>)
    %dma_start3A_88 = arith.constant 0 : i32
    %dma_start3A_89 = tpu.memref_slice %arg28[%dma_start3A_88] : memref<102400xf32, #tpu.memory_space<vmem_shared>> -> memref<102400xf32, #tpu.memory_space<vmem_shared>>
    tpu.enqueue_indirect_dma source(%dma_start3A_89 : memref<102400xf32, #tpu.memory_space<vmem_shared>>) target(%arg21 : memref<5000xf32, #tpu.memory_space<vmem>>) offsets(%arg9 : memref<5000xi32, #tpu.memory_space<vmem>>) semaphore(%arg34 : memref<!tpu.dma_semaphore, #tpu.memory_space<semaphore_mem>>)
    %dma_wait3A_90 = arith.constant 0 : i32
    %dma_wait3A_91 = tpu.memref_slice %arg23[%dma_wait3A_90] : memref<102400xf32, #tpu.memory_space<vmem_shared>> -> memref<102400xf32, #tpu.memory_space<vmem_shared>>
    tpu.wait_indirect_dma semaphore(%arg35 : memref<!tpu.dma_semaphore, #tpu.memory_space<semaphore_mem>>) src(%arg13 : memref<5000xf32, #tpu.memory_space<vmem>>) dst(%dma_wait3A_91 : memref<102400xf32, #tpu.memory_space<vmem_shared>>)
    %dma_wait3A_92 = arith.constant 0 : i32
    %dma_wait3A_93 = tpu.memref_slice %arg24[%dma_wait3A_92] : memref<102400xf32, #tpu.memory_space<vmem_shared>> -> memref<102400xf32, #tpu.memory_space<vmem_shared>>
    tpu.wait_indirect_dma semaphore(%arg35 : memref<!tpu.dma_semaphore, #tpu.memory_space<semaphore_mem>>) src(%arg16 : memref<5000xf32, #tpu.memory_space<vmem>>) dst(%dma_wait3A_93 : memref<102400xf32, #tpu.memory_space<vmem_shared>>)
    %dma_wait3A_94 = arith.constant 0 : i32
    %dma_wait3A_95 = tpu.memref_slice %arg25[%dma_wait3A_94] : memref<102400xf32, #tpu.memory_space<vmem_shared>> -> memref<102400xf32, #tpu.memory_space<vmem_shared>>
    tpu.wait_indirect_dma semaphore(%arg35 : memref<!tpu.dma_semaphore, #tpu.memory_space<semaphore_mem>>) src(%arg19 : memref<5000xf32, #tpu.memory_space<vmem>>) dst(%dma_wait3A_95 : memref<102400xf32, #tpu.memory_space<vmem_shared>>)
    %add3A_96 = arith.constant 15000 : i32
    %add3A_97 = arith.addi %mul3A_11, %add3A_96 : i32
    %multiple_of3A_98 = tpu.assume_multiple %add3A_97, 8 : i32
    %dma_start3A_99 = tpu.memref_slice %arg2[%multiple_of3A_98] : memref<3200000xi32, #tpu.memory_space<hbm>> -> memref<5000xi32, #tpu.memory_space<hbm>>
    %dma_start3A_100 = tpu.memref_slice %arg2[%multiple_of3A_98] : memref<3200000xi32, #tpu.memory_space<hbm>> -> memref<5000xi32, #tpu.memory_space<hbm>>
    tpu.enqueue_dma source(%dma_start3A_100 : memref<5000xi32, #tpu.memory_space<hbm>>) target(%arg7 : memref<5000xi32, #tpu.memory_space<vmem>>) target_semaphore(%arg29 : memref<!tpu.dma_semaphore, #tpu.memory_space<semaphore_mem>>)
    %add3A_101 = arith.constant 1600000 : i32
    %add3A_102 = arith.addi %multiple_of3A_98, %add3A_101 : i32
    %dma_start3A_103 = tpu.memref_slice %arg2[%add3A_102] : memref<3200000xi32, #tpu.memory_space<hbm>> -> memref<5000xi32, #tpu.memory_space<hbm>>
    %dma_start3A_104 = tpu.memref_slice %arg2[%add3A_102] : memref<3200000xi32, #tpu.memory_space<hbm>> -> memref<5000xi32, #tpu.memory_space<hbm>>
    tpu.enqueue_dma source(%dma_start3A_104 : memref<5000xi32, #tpu.memory_space<hbm>>) target(%arg10 : memref<5000xi32, #tpu.memory_space<vmem>>) target_semaphore(%arg29 : memref<!tpu.dma_semaphore, #tpu.memory_space<semaphore_mem>>)
    %dma_wait3A_105 = arith.constant 0 : i32
    %dma_wait3A_106 = tpu.memref_slice %arg26[%dma_wait3A_105] : memref<102400xf32, #tpu.memory_space<vmem_shared>> -> memref<102400xf32, #tpu.memory_space<vmem_shared>>
    tpu.wait_indirect_dma semaphore(%arg34 : memref<!tpu.dma_semaphore, #tpu.memory_space<semaphore_mem>>) src(%dma_wait3A_106 : memref<102400xf32, #tpu.memory_space<vmem_shared>>) dst(%arg15 : memref<5000xf32, #tpu.memory_space<vmem>>)
    %dma_wait3A_107 = arith.constant 0 : i32
    %dma_wait3A_108 = tpu.memref_slice %arg27[%dma_wait3A_107] : memref<102400xf32, #tpu.memory_space<vmem_shared>> -> memref<102400xf32, #tpu.memory_space<vmem_shared>>
    tpu.wait_indirect_dma semaphore(%arg34 : memref<!tpu.dma_semaphore, #tpu.memory_space<semaphore_mem>>) src(%dma_wait3A_108 : memref<102400xf32, #tpu.memory_space<vmem_shared>>) dst(%arg18 : memref<5000xf32, #tpu.memory_space<vmem>>)
    %dma_wait3A_109 = arith.constant 0 : i32
    %dma_wait3A_110 = tpu.memref_slice %arg28[%dma_wait3A_109] : memref<102400xf32, #tpu.memory_space<vmem_shared>> -> memref<102400xf32, #tpu.memory_space<vmem_shared>>
    tpu.wait_indirect_dma semaphore(%arg34 : memref<!tpu.dma_semaphore, #tpu.memory_space<semaphore_mem>>) src(%dma_wait3A_110 : memref<102400xf32, #tpu.memory_space<vmem_shared>>) dst(%arg21 : memref<5000xf32, #tpu.memory_space<vmem>>)
    %dma_start3A_111 = arith.constant 0 : i32
    %dma_start3A_112 = tpu.memref_slice %arg23[%dma_start3A_111] : memref<102400xf32, #tpu.memory_space<vmem_shared>> -> memref<102400xf32, #tpu.memory_space<vmem_shared>>
    tpu.enqueue_indirect_dma source(%arg15 : memref<5000xf32, #tpu.memory_space<vmem>>) target(%dma_start3A_112 : memref<102400xf32, #tpu.memory_space<vmem_shared>>) offsets(%arg12 : memref<5000xi32, #tpu.memory_space<vmem>>) semaphore(%arg37 : memref<!tpu.dma_semaphore, #tpu.memory_space<semaphore_mem>>) {add = true}
    %dma_start3A_113 = arith.constant 0 : i32
    %dma_start3A_114 = tpu.memref_slice %arg24[%dma_start3A_113] : memref<102400xf32, #tpu.memory_space<vmem_shared>> -> memref<102400xf32, #tpu.memory_space<vmem_shared>>
    tpu.enqueue_indirect_dma source(%arg18 : memref<5000xf32, #tpu.memory_space<vmem>>) target(%dma_start3A_114 : memref<102400xf32, #tpu.memory_space<vmem_shared>>) offsets(%arg12 : memref<5000xi32, #tpu.memory_space<vmem>>) semaphore(%arg37 : memref<!tpu.dma_semaphore, #tpu.memory_space<semaphore_mem>>) {add = true}
    %dma_start3A_115 = arith.constant 0 : i32
    %dma_start3A_116 = tpu.memref_slice %arg25[%dma_start3A_115] : memref<102400xf32, #tpu.memory_space<vmem_shared>> -> memref<102400xf32, #tpu.memory_space<vmem_shared>>
    tpu.enqueue_indirect_dma source(%arg21 : memref<5000xf32, #tpu.memory_space<vmem>>) target(%dma_start3A_116 : memref<102400xf32, #tpu.memory_space<vmem_shared>>) offsets(%arg12 : memref<5000xi32, #tpu.memory_space<vmem>>) semaphore(%arg37 : memref<!tpu.dma_semaphore, #tpu.memory_space<semaphore_mem>>) {add = true}
    %dma_wait3A_117 = tpu.memref_slice %arg2[%multiple_of3A_98] : memref<3200000xi32, #tpu.memory_space<hbm>> -> memref<5000xi32, #tpu.memory_space<hbm>>
    %dma_wait3A_118 = tpu.memref_slice %arg2[%multiple_of3A_98] : memref<3200000xi32, #tpu.memory_space<hbm>> -> memref<5000xi32, #tpu.memory_space<hbm>>
    tpu.wait_dma2 semaphore(%arg29 : memref<!tpu.dma_semaphore, #tpu.memory_space<semaphore_mem>>) src(%dma_wait3A_118 : memref<5000xi32, #tpu.memory_space<hbm>>) dst(%arg7 : memref<5000xi32, #tpu.memory_space<vmem>>)
    %dma_wait3A_119 = tpu.memref_slice %arg2[%add3A_102] : memref<3200000xi32, #tpu.memory_space<hbm>> -> memref<5000xi32, #tpu.memory_space<hbm>>
    %dma_wait3A_120 = tpu.memref_slice %arg2[%add3A_102] : memref<3200000xi32, #tpu.memory_space<hbm>> -> memref<5000xi32, #tpu.memory_space<hbm>>
    tpu.wait_dma2 semaphore(%arg29 : memref<!tpu.dma_semaphore, #tpu.memory_space<semaphore_mem>>) src(%dma_wait3A_120 : memref<5000xi32, #tpu.memory_space<hbm>>) dst(%arg10 : memref<5000xi32, #tpu.memory_space<vmem>>)
    %dma_start3A_121 = arith.constant 0 : i32
    %dma_start3A_122 = tpu.memref_slice %arg26[%dma_start3A_121] : memref<102400xf32, #tpu.memory_space<vmem_shared>> -> memref<102400xf32, #tpu.memory_space<vmem_shared>>
    tpu.enqueue_indirect_dma source(%dma_start3A_122 : memref<102400xf32, #tpu.memory_space<vmem_shared>>) target(%arg13 : memref<5000xf32, #tpu.memory_space<vmem>>) offsets(%arg7 : memref<5000xi32, #tpu.memory_space<vmem>>) semaphore(%arg32 : memref<!tpu.dma_semaphore, #tpu.memory_space<semaphore_mem>>)
    %dma_start3A_123 = arith.constant 0 : i32
    %dma_start3A_124 = tpu.memref_slice %arg27[%dma_start3A_123] : memref<102400xf32, #tpu.memory_space<vmem_shared>> -> memref<102400xf32, #tpu.memory_space<vmem_shared>>
    tpu.enqueue_indirect_dma source(%dma_start3A_124 : memref<102400xf32, #tpu.memory_space<vmem_shared>>) target(%arg16 : memref<5000xf32, #tpu.memory_space<vmem>>) offsets(%arg7 : memref<5000xi32, #tpu.memory_space<vmem>>) semaphore(%arg32 : memref<!tpu.dma_semaphore, #tpu.memory_space<semaphore_mem>>)
    %dma_start3A_125 = arith.constant 0 : i32
    %dma_start3A_126 = tpu.memref_slice %arg28[%dma_start3A_125] : memref<102400xf32, #tpu.memory_space<vmem_shared>> -> memref<102400xf32, #tpu.memory_space<vmem_shared>>
    tpu.enqueue_indirect_dma source(%dma_start3A_126 : memref<102400xf32, #tpu.memory_space<vmem_shared>>) target(%arg19 : memref<5000xf32, #tpu.memory_space<vmem>>) offsets(%arg7 : memref<5000xi32, #tpu.memory_space<vmem>>) semaphore(%arg32 : memref<!tpu.dma_semaphore, #tpu.memory_space<semaphore_mem>>)
    %dma_wait3A_127 = arith.constant 0 : i32
    %dma_wait3A_128 = tpu.memref_slice %arg23[%dma_wait3A_127] : memref<102400xf32, #tpu.memory_space<vmem_shared>> -> memref<102400xf32, #tpu.memory_space<vmem_shared>>
    tpu.wait_indirect_dma semaphore(%arg36 : memref<!tpu.dma_semaphore, #tpu.memory_space<semaphore_mem>>) src(%arg14 : memref<5000xf32, #tpu.memory_space<vmem>>) dst(%dma_wait3A_128 : memref<102400xf32, #tpu.memory_space<vmem_shared>>)
    %dma_wait3A_129 = arith.constant 0 : i32
    %dma_wait3A_130 = tpu.memref_slice %arg24[%dma_wait3A_129] : memref<102400xf32, #tpu.memory_space<vmem_shared>> -> memref<102400xf32, #tpu.memory_space<vmem_shared>>
    tpu.wait_indirect_dma semaphore(%arg36 : memref<!tpu.dma_semaphore, #tpu.memory_space<semaphore_mem>>) src(%arg17 : memref<5000xf32, #tpu.memory_space<vmem>>) dst(%dma_wait3A_130 : memref<102400xf32, #tpu.memory_space<vmem_shared>>)
    %dma_wait3A_131 = arith.constant 0 : i32
    %dma_wait3A_132 = tpu.memref_slice %arg25[%dma_wait3A_131] : memref<102400xf32, #tpu.memory_space<vmem_shared>> -> memref<102400xf32, #tpu.memory_space<vmem_shared>>
    tpu.wait_indirect_dma semaphore(%arg36 : memref<!tpu.dma_semaphore, #tpu.memory_space<semaphore_mem>>) src(%arg20 : memref<5000xf32, #tpu.memory_space<vmem>>) dst(%dma_wait3A_132 : memref<102400xf32, #tpu.memory_space<vmem_shared>>)
    %add3A_133 = arith.constant 20000 : i32
    %add3A_134 = arith.addi %mul3A_11, %add3A_133 : i32
    %multiple_of3A_135 = tpu.assume_multiple %add3A_134, 8 : i32
    %dma_start3A_136 = tpu.memref_slice %arg2[%multiple_of3A_135] : memref<3200000xi32, #tpu.memory_space<hbm>> -> memref<5000xi32, #tpu.memory_space<hbm>>
    %dma_start3A_137 = tpu.memref_slice %arg2[%multiple_of3A_135] : memref<3200000xi32, #tpu.memory_space<hbm>> -> memref<5000xi32, #tpu.memory_space<hbm>>
    tpu.enqueue_dma source(%dma_start3A_137 : memref<5000xi32, #tpu.memory_space<hbm>>) target(%arg8 : memref<5000xi32, #tpu.memory_space<vmem>>) target_semaphore(%arg30 : memref<!tpu.dma_semaphore, #tpu.memory_space<semaphore_mem>>)
    %add3A_138 = arith.constant 1600000 : i32
    %add3A_139 = arith.addi %multiple_of3A_135, %add3A_138 : i32
    %dma_start3A_140 = tpu.memref_slice %arg2[%add3A_139] : memref<3200000xi32, #tpu.memory_space<hbm>> -> memref<5000xi32, #tpu.memory_space<hbm>>
    %dma_start3A_141 = tpu.memref_slice %arg2[%add3A_139] : memref<3200000xi32, #tpu.memory_space<hbm>> -> memref<5000xi32, #tpu.memory_space<hbm>>
    tpu.enqueue_dma source(%dma_start3A_141 : memref<5000xi32, #tpu.memory_space<hbm>>) target(%arg11 : memref<5000xi32, #tpu.memory_space<vmem>>) target_semaphore(%arg30 : memref<!tpu.dma_semaphore, #tpu.memory_space<semaphore_mem>>)
    %dma_wait3A_142 = arith.constant 0 : i32
    %dma_wait3A_143 = tpu.memref_slice %arg26[%dma_wait3A_142] : memref<102400xf32, #tpu.memory_space<vmem_shared>> -> memref<102400xf32, #tpu.memory_space<vmem_shared>>
    tpu.wait_indirect_dma semaphore(%arg32 : memref<!tpu.dma_semaphore, #tpu.memory_space<semaphore_mem>>) src(%dma_wait3A_143 : memref<102400xf32, #tpu.memory_space<vmem_shared>>) dst(%arg13 : memref<5000xf32, #tpu.memory_space<vmem>>)
    %dma_wait3A_144 = arith.constant 0 : i32
    %dma_wait3A_145 = tpu.memref_slice %arg27[%dma_wait3A_144] : memref<102400xf32, #tpu.memory_space<vmem_shared>> -> memref<102400xf32, #tpu.memory_space<vmem_shared>>
    tpu.wait_indirect_dma semaphore(%arg32 : memref<!tpu.dma_semaphore, #tpu.memory_space<semaphore_mem>>) src(%dma_wait3A_145 : memref<102400xf32, #tpu.memory_space<vmem_shared>>) dst(%arg16 : memref<5000xf32, #tpu.memory_space<vmem>>)
    %dma_wait3A_146 = arith.constant 0 : i32
    %dma_wait3A_147 = tpu.memref_slice %arg28[%dma_wait3A_146] : memref<102400xf32, #tpu.memory_space<vmem_shared>> -> memref<102400xf32, #tpu.memory_space<vmem_shared>>
    tpu.wait_indirect_dma semaphore(%arg32 : memref<!tpu.dma_semaphore, #tpu.memory_space<semaphore_mem>>) src(%dma_wait3A_147 : memref<102400xf32, #tpu.memory_space<vmem_shared>>) dst(%arg19 : memref<5000xf32, #tpu.memory_space<vmem>>)
    %dma_start3A_148 = arith.constant 0 : i32
    %dma_start3A_149 = tpu.memref_slice %arg23[%dma_start3A_148] : memref<102400xf32, #tpu.memory_space<vmem_shared>> -> memref<102400xf32, #tpu.memory_space<vmem_shared>>
    tpu.enqueue_indirect_dma source(%arg13 : memref<5000xf32, #tpu.memory_space<vmem>>) target(%dma_start3A_149 : memref<102400xf32, #tpu.memory_space<vmem_shared>>) offsets(%arg10 : memref<5000xi32, #tpu.memory_space<vmem>>) semaphore(%arg35 : memref<!tpu.dma_semaphore, #tpu.memory_space<semaphore_mem>>) {add = true}
    %dma_start3A_150 = arith.constant 0 : i32
    %dma_start3A_151 = tpu.memref_slice %arg24[%dma_start3A_150] : memref<102400xf32, #tpu.memory_space<vmem_shared>> -> memref<102400xf32, #tpu.memory_space<vmem_shared>>
    tpu.enqueue_indirect_dma source(%arg16 : memref<5000xf32, #tpu.memory_space<vmem>>) target(%dma_start3A_151 : memref<102400xf32, #tpu.memory_space<vmem_shared>>) offsets(%arg10 : memref<5000xi32, #tpu.memory_space<vmem>>) semaphore(%arg35 : memref<!tpu.dma_semaphore, #tpu.memory_space<semaphore_mem>>) {add = true}
    %dma_start3A_152 = arith.constant 0 : i32
    %dma_start3A_153 = tpu.memref_slice %arg25[%dma_start3A_152] : memref<102400xf32, #tpu.memory_space<vmem_shared>> -> memref<102400xf32, #tpu.memory_space<vmem_shared>>
    tpu.enqueue_indirect_dma source(%arg19 : memref<5000xf32, #tpu.memory_space<vmem>>) target(%dma_start3A_153 : memref<102400xf32, #tpu.memory_space<vmem_shared>>) offsets(%arg10 : memref<5000xi32, #tpu.memory_space<vmem>>) semaphore(%arg35 : memref<!tpu.dma_semaphore, #tpu.memory_space<semaphore_mem>>) {add = true}
    %dma_wait3A_154 = tpu.memref_slice %arg2[%multiple_of3A_135] : memref<3200000xi32, #tpu.memory_space<hbm>> -> memref<5000xi32, #tpu.memory_space<hbm>>
    %dma_wait3A_155 = tpu.memref_slice %arg2[%multiple_of3A_135] : memref<3200000xi32, #tpu.memory_space<hbm>> -> memref<5000xi32, #tpu.memory_space<hbm>>
    tpu.wait_dma2 semaphore(%arg30 : memref<!tpu.dma_semaphore, #tpu.memory_space<semaphore_mem>>) src(%dma_wait3A_155 : memref<5000xi32, #tpu.memory_space<hbm>>) dst(%arg8 : memref<5000xi32, #tpu.memory_space<vmem>>)
    %dma_wait3A_156 = tpu.memref_slice %arg2[%add3A_139] : memref<3200000xi32, #tpu.memory_space<hbm>> -> memref<5000xi32, #tpu.memory_space<hbm>>
    %dma_wait3A_157 = tpu.memref_slice %arg2[%add3A_139] : memref<3200000xi32, #tpu.memory_space<hbm>> -> memref<5000xi32, #tpu.memory_space<hbm>>
    tpu.wait_dma2 semaphore(%arg30 : memref<!tpu.dma_semaphore, #tpu.memory_space<semaphore_mem>>) src(%dma_wait3A_157 : memref<5000xi32, #tpu.memory_space<hbm>>) dst(%arg11 : memref<5000xi32, #tpu.memory_space<vmem>>)
    %dma_start3A_158 = arith.constant 0 : i32
    %dma_start3A_159 = tpu.memref_slice %arg26[%dma_start3A_158] : memref<102400xf32, #tpu.memory_space<vmem_shared>> -> memref<102400xf32, #tpu.memory_space<vmem_shared>>
    tpu.enqueue_indirect_dma source(%dma_start3A_159 : memref<102400xf32, #tpu.memory_space<vmem_shared>>) target(%arg14 : memref<5000xf32, #tpu.memory_space<vmem>>) offsets(%arg8 : memref<5000xi32, #tpu.memory_space<vmem>>) semaphore(%arg33 : memref<!tpu.dma_semaphore, #tpu.memory_space<semaphore_mem>>)
    %dma_start3A_160 = arith.constant 0 : i32
    %dma_start3A_161 = tpu.memref_slice %arg27[%dma_start3A_160] : memref<102400xf32, #tpu.memory_space<vmem_shared>> -> memref<102400xf32, #tpu.memory_space<vmem_shared>>
    tpu.enqueue_indirect_dma source(%dma_start3A_161 : memref<102400xf32, #tpu.memory_space<vmem_shared>>) target(%arg17 : memref<5000xf32, #tpu.memory_space<vmem>>) offsets(%arg8 : memref<5000xi32, #tpu.memory_space<vmem>>) semaphore(%arg33 : memref<!tpu.dma_semaphore, #tpu.memory_space<semaphore_mem>>)
    %dma_start3A_162 = arith.constant 0 : i32
    %dma_start3A_163 = tpu.memref_slice %arg28[%dma_start3A_162] : memref<102400xf32, #tpu.memory_space<vmem_shared>> -> memref<102400xf32, #tpu.memory_space<vmem_shared>>
    tpu.enqueue_indirect_dma source(%dma_start3A_163 : memref<102400xf32, #tpu.memory_space<vmem_shared>>) target(%arg20 : memref<5000xf32, #tpu.memory_space<vmem>>) offsets(%arg8 : memref<5000xi32, #tpu.memory_space<vmem>>) semaphore(%arg33 : memref<!tpu.dma_semaphore, #tpu.memory_space<semaphore_mem>>)
    %dma_wait3A_164 = arith.constant 0 : i32
    %dma_wait3A_165 = tpu.memref_slice %arg23[%dma_wait3A_164] : memref<102400xf32, #tpu.memory_space<vmem_shared>> -> memref<102400xf32, #tpu.memory_space<vmem_shared>>
    tpu.wait_indirect_dma semaphore(%arg37 : memref<!tpu.dma_semaphore, #tpu.memory_space<semaphore_mem>>) src(%arg15 : memref<5000xf32, #tpu.memory_space<vmem>>) dst(%dma_wait3A_165 : memref<102400xf32, #tpu.memory_space<vmem_shared>>)
    %dma_wait3A_166 = arith.constant 0 : i32
    %dma_wait3A_167 = tpu.memref_slice %arg24[%dma_wait3A_166] : memref<102400xf32, #tpu.memory_space<vmem_shared>> -> memref<102400xf32, #tpu.memory_space<vmem_shared>>
    tpu.wait_indirect_dma semaphore(%arg37 : memref<!tpu.dma_semaphore, #tpu.memory_space<semaphore_mem>>) src(%arg18 : memref<5000xf32, #tpu.memory_space<vmem>>) dst(%dma_wait3A_167 : memref<102400xf32, #tpu.memory_space<vmem_shared>>)
    %dma_wait3A_168 = arith.constant 0 : i32
    %dma_wait3A_169 = tpu.memref_slice %arg25[%dma_wait3A_168] : memref<102400xf32, #tpu.memory_space<vmem_shared>> -> memref<102400xf32, #tpu.memory_space<vmem_shared>>
    tpu.wait_indirect_dma semaphore(%arg37 : memref<!tpu.dma_semaphore, #tpu.memory_space<semaphore_mem>>) src(%arg21 : memref<5000xf32, #tpu.memory_space<vmem>>) dst(%dma_wait3A_169 : memref<102400xf32, #tpu.memory_space<vmem_shared>>)
    %add3A_170 = arith.constant 25000 : i32
    %add3A_171 = arith.addi %mul3A_11, %add3A_170 : i32
    %multiple_of3A_172 = tpu.assume_multiple %add3A_171, 8 : i32
    %dma_start3A_173 = tpu.memref_slice %arg2[%multiple_of3A_172] : memref<3200000xi32, #tpu.memory_space<hbm>> -> memref<5000xi32, #tpu.memory_space<hbm>>
    %dma_start3A_174 = tpu.memref_slice %arg2[%multiple_of3A_172] : memref<3200000xi32, #tpu.memory_space<hbm>> -> memref<5000xi32, #tpu.memory_space<hbm>>
    tpu.enqueue_dma source(%dma_start3A_174 : memref<5000xi32, #tpu.memory_space<hbm>>) target(%arg9 : memref<5000xi32, #tpu.memory_space<vmem>>) target_semaphore(%arg31 : memref<!tpu.dma_semaphore, #tpu.memory_space<semaphore_mem>>)
    %add3A_175 = arith.constant 1600000 : i32
    %add3A_176 = arith.addi %multiple_of3A_172, %add3A_175 : i32
    %dma_start3A_177 = tpu.memref_slice %arg2[%add3A_176] : memref<3200000xi32, #tpu.memory_space<hbm>> -> memref<5000xi32, #tpu.memory_space<hbm>>
    %dma_start3A_178 = tpu.memref_slice %arg2[%add3A_176] : memref<3200000xi32, #tpu.memory_space<hbm>> -> memref<5000xi32, #tpu.memory_space<hbm>>
    tpu.enqueue_dma source(%dma_start3A_178 : memref<5000xi32, #tpu.memory_space<hbm>>) target(%arg12 : memref<5000xi32, #tpu.memory_space<vmem>>) target_semaphore(%arg31 : memref<!tpu.dma_semaphore, #tpu.memory_space<semaphore_mem>>)
    %dma_wait3A_179 = arith.constant 0 : i32
    %dma_wait3A_180 = tpu.memref_slice %arg26[%dma_wait3A_179] : memref<102400xf32, #tpu.memory_space<vmem_shared>> -> memref<102400xf32, #tpu.memory_space<vmem_shared>>
    tpu.wait_indirect_dma semaphore(%arg33 : memref<!tpu.dma_semaphore, #tpu.memory_space<semaphore_mem>>) src(%dma_wait3A_180 : memref<102400xf32, #tpu.memory_space<vmem_shared>>) dst(%arg14 : memref<5000xf32, #tpu.memory_space<vmem>>)
    %dma_wait3A_181 = arith.constant 0 : i32
    %dma_wait3A_182 = tpu.memref_slice %arg27[%dma_wait3A_181] : memref<102400xf32, #tpu.memory_space<vmem_shared>> -> memref<102400xf32, #tpu.memory_space<vmem_shared>>
    tpu.wait_indirect_dma semaphore(%arg33 : memref<!tpu.dma_semaphore, #tpu.memory_space<semaphore_mem>>) src(%dma_wait3A_182 : memref<102400xf32, #tpu.memory_space<vmem_shared>>) dst(%arg17 : memref<5000xf32, #tpu.memory_space<vmem>>)
    %dma_wait3A_183 = arith.constant 0 : i32
    %dma_wait3A_184 = tpu.memref_slice %arg28[%dma_wait3A_183] : memref<102400xf32, #tpu.memory_space<vmem_shared>> -> memref<102400xf32, #tpu.memory_space<vmem_shared>>
    tpu.wait_indirect_dma semaphore(%arg33 : memref<!tpu.dma_semaphore, #tpu.memory_space<semaphore_mem>>) src(%dma_wait3A_184 : memref<102400xf32, #tpu.memory_space<vmem_shared>>) dst(%arg20 : memref<5000xf32, #tpu.memory_space<vmem>>)
    %dma_start3A_185 = arith.constant 0 : i32
    %dma_start3A_186 = tpu.memref_slice %arg23[%dma_start3A_185] : memref<102400xf32, #tpu.memory_space<vmem_shared>> -> memref<102400xf32, #tpu.memory_space<vmem_shared>>
    tpu.enqueue_indirect_dma source(%arg14 : memref<5000xf32, #tpu.memory_space<vmem>>) target(%dma_start3A_186 : memref<102400xf32, #tpu.memory_space<vmem_shared>>) offsets(%arg11 : memref<5000xi32, #tpu.memory_space<vmem>>) semaphore(%arg36 : memref<!tpu.dma_semaphore, #tpu.memory_space<semaphore_mem>>) {add = true}
    %dma_start3A_187 = arith.constant 0 : i32
    %dma_start3A_188 = tpu.memref_slice %arg24[%dma_start3A_187] : memref<102400xf32, #tpu.memory_space<vmem_shared>> -> memref<102400xf32, #tpu.memory_space<vmem_shared>>
    tpu.enqueue_indirect_dma source(%arg17 : memref<5000xf32, #tpu.memory_space<vmem>>) target(%dma_start3A_188 : memref<102400xf32, #tpu.memory_space<vmem_shared>>) offsets(%arg11 : memref<5000xi32, #tpu.memory_space<vmem>>) semaphore(%arg36 : memref<!tpu.dma_semaphore, #tpu.memory_space<semaphore_mem>>) {add = true}
    %dma_start3A_189 = arith.constant 0 : i32
    %dma_start3A_190 = tpu.memref_slice %arg25[%dma_start3A_189] : memref<102400xf32, #tpu.memory_space<vmem_shared>> -> memref<102400xf32, #tpu.memory_space<vmem_shared>>
    tpu.enqueue_indirect_dma source(%arg20 : memref<5000xf32, #tpu.memory_space<vmem>>) target(%dma_start3A_190 : memref<102400xf32, #tpu.memory_space<vmem_shared>>) offsets(%arg11 : memref<5000xi32, #tpu.memory_space<vmem>>) semaphore(%arg36 : memref<!tpu.dma_semaphore, #tpu.memory_space<semaphore_mem>>) {add = true}
    %dma_wait3A_191 = tpu.memref_slice %arg2[%multiple_of3A_172] : memref<3200000xi32, #tpu.memory_space<hbm>> -> memref<5000xi32, #tpu.memory_space<hbm>>
    %dma_wait3A_192 = tpu.memref_slice %arg2[%multiple_of3A_172] : memref<3200000xi32, #tpu.memory_space<hbm>> -> memref<5000xi32, #tpu.memory_space<hbm>>
    tpu.wait_dma2 semaphore(%arg31 : memref<!tpu.dma_semaphore, #tpu.memory_space<semaphore_mem>>) src(%dma_wait3A_192 : memref<5000xi32, #tpu.memory_space<hbm>>) dst(%arg9 : memref<5000xi32, #tpu.memory_space<vmem>>)
    %dma_wait3A_193 = tpu.memref_slice %arg2[%add3A_176] : memref<3200000xi32, #tpu.memory_space<hbm>> -> memref<5000xi32, #tpu.memory_space<hbm>>
    %dma_wait3A_194 = tpu.memref_slice %arg2[%add3A_176] : memref<3200000xi32, #tpu.memory_space<hbm>> -> memref<5000xi32, #tpu.memory_space<hbm>>
    tpu.wait_dma2 semaphore(%arg31 : memref<!tpu.dma_semaphore, #tpu.memory_space<semaphore_mem>>) src(%dma_wait3A_194 : memref<5000xi32, #tpu.memory_space<hbm>>) dst(%arg12 : memref<5000xi32, #tpu.memory_space<vmem>>)
    %dma_start3A_195 = arith.constant 0 : i32
    %dma_start3A_196 = tpu.memref_slice %arg26[%dma_start3A_195] : memref<102400xf32, #tpu.memory_space<vmem_shared>> -> memref<102400xf32, #tpu.memory_space<vmem_shared>>
    tpu.enqueue_indirect_dma source(%dma_start3A_196 : memref<102400xf32, #tpu.memory_space<vmem_shared>>) target(%arg15 : memref<5000xf32, #tpu.memory_space<vmem>>) offsets(%arg9 : memref<5000xi32, #tpu.memory_space<vmem>>) semaphore(%arg34 : memref<!tpu.dma_semaphore, #tpu.memory_space<semaphore_mem>>)
    %dma_start3A_197 = arith.constant 0 : i32
    %dma_start3A_198 = tpu.memref_slice %arg27[%dma_start3A_197] : memref<102400xf32, #tpu.memory_space<vmem_shared>> -> memref<102400xf32, #tpu.memory_space<vmem_shared>>
    tpu.enqueue_indirect_dma source(%dma_start3A_198 : memref<102400xf32, #tpu.memory_space<vmem_shared>>) target(%arg18 : memref<5000xf32, #tpu.memory_space<vmem>>) offsets(%arg9 : memref<5000xi32, #tpu.memory_space<vmem>>) semaphore(%arg34 : memref<!tpu.dma_semaphore, #tpu.memory_space<semaphore_mem>>)
    %dma_start3A_199 = arith.constant 0 : i32
    %dma_start3A_200 = tpu.memref_slice %arg28[%dma_start3A_199] : memref<102400xf32, #tpu.memory_space<vmem_shared>> -> memref<102400xf32, #tpu.memory_space<vmem_shared>>
    tpu.enqueue_indirect_dma source(%dma_start3A_200 : memref<102400xf32, #tpu.memory_space<vmem_shared>>) target(%arg21 : memref<5000xf32, #tpu.memory_space<vmem>>) offsets(%arg9 : memref<5000xi32, #tpu.memory_space<vmem>>) semaphore(%arg34 : memref<!tpu.dma_semaphore, #tpu.memory_space<semaphore_mem>>)
    %dma_wait3A_201 = arith.constant 0 : i32
    %dma_wait3A_202 = tpu.memref_slice %arg23[%dma_wait3A_201] : memref<102400xf32, #tpu.memory_space<vmem_shared>> -> memref<102400xf32, #tpu.memory_space<vmem_shared>>
    tpu.wait_indirect_dma semaphore(%arg35 : memref<!tpu.dma_semaphore, #tpu.memory_space<semaphore_mem>>) src(%arg13 : memref<5000xf32, #tpu.memory_space<vmem>>) dst(%dma_wait3A_202 : memref<102400xf32, #tpu.memory_space<vmem_shared>>)
    %dma_wait3A_203 = arith.constant 0 : i32
    %dma_wait3A_204 = tpu.memref_slice %arg24[%dma_wait3A_203] : memref<102400xf32, #tpu.memory_space<vmem_shared>> -> memref<102400xf32, #tpu.memory_space<vmem_shared>>
    tpu.wait_indirect_dma semaphore(%arg35 : memref<!tpu.dma_semaphore, #tpu.memory_space<semaphore_mem>>) src(%arg16 : memref<5000xf32, #tpu.memory_space<vmem>>) dst(%dma_wait3A_204 : memref<102400xf32, #tpu.memory_space<vmem_shared>>)
    %dma_wait3A_205 = arith.constant 0 : i32
    %dma_wait3A_206 = tpu.memref_slice %arg25[%dma_wait3A_205] : memref<102400xf32, #tpu.memory_space<vmem_shared>> -> memref<102400xf32, #tpu.memory_space<vmem_shared>>
    tpu.wait_indirect_dma semaphore(%arg35 : memref<!tpu.dma_semaphore, #tpu.memory_space<semaphore_mem>>) src(%arg19 : memref<5000xf32, #tpu.memory_space<vmem>>) dst(%dma_wait3A_206 : memref<102400xf32, #tpu.memory_space<vmem_shared>>)
    %add3A_207 = arith.constant 30000 : i32
    %add3A_208 = arith.addi %mul3A_11, %add3A_207 : i32
    %multiple_of3A_209 = tpu.assume_multiple %add3A_208, 8 : i32
    %dma_start3A_210 = tpu.memref_slice %arg2[%multiple_of3A_209] : memref<3200000xi32, #tpu.memory_space<hbm>> -> memref<5000xi32, #tpu.memory_space<hbm>>
    %dma_start3A_211 = tpu.memref_slice %arg2[%multiple_of3A_209] : memref<3200000xi32, #tpu.memory_space<hbm>> -> memref<5000xi32, #tpu.memory_space<hbm>>
    tpu.enqueue_dma source(%dma_start3A_211 : memref<5000xi32, #tpu.memory_space<hbm>>) target(%arg7 : memref<5000xi32, #tpu.memory_space<vmem>>) target_semaphore(%arg29 : memref<!tpu.dma_semaphore, #tpu.memory_space<semaphore_mem>>)
    %add3A_212 = arith.constant 1600000 : i32
    %add3A_213 = arith.addi %multiple_of3A_209, %add3A_212 : i32
    %dma_start3A_214 = tpu.memref_slice %arg2[%add3A_213] : memref<3200000xi32, #tpu.memory_space<hbm>> -> memref<5000xi32, #tpu.memory_space<hbm>>
    %dma_start3A_215 = tpu.memref_slice %arg2[%add3A_213] : memref<3200000xi32, #tpu.memory_space<hbm>> -> memref<5000xi32, #tpu.memory_space<hbm>>
    tpu.enqueue_dma source(%dma_start3A_215 : memref<5000xi32, #tpu.memory_space<hbm>>) target(%arg10 : memref<5000xi32, #tpu.memory_space<vmem>>) target_semaphore(%arg29 : memref<!tpu.dma_semaphore, #tpu.memory_space<semaphore_mem>>)
    %dma_wait3A_216 = arith.constant 0 : i32
    %dma_wait3A_217 = tpu.memref_slice %arg26[%dma_wait3A_216] : memref<102400xf32, #tpu.memory_space<vmem_shared>> -> memref<102400xf32, #tpu.memory_space<vmem_shared>>
    tpu.wait_indirect_dma semaphore(%arg34 : memref<!tpu.dma_semaphore, #tpu.memory_space<semaphore_mem>>) src(%dma_wait3A_217 : memref<102400xf32, #tpu.memory_space<vmem_shared>>) dst(%arg15 : memref<5000xf32, #tpu.memory_space<vmem>>)
    %dma_wait3A_218 = arith.constant 0 : i32
    %dma_wait3A_219 = tpu.memref_slice %arg27[%dma_wait3A_218] : memref<102400xf32, #tpu.memory_space<vmem_shared>> -> memref<102400xf32, #tpu.memory_space<vmem_shared>>
    tpu.wait_indirect_dma semaphore(%arg34 : memref<!tpu.dma_semaphore, #tpu.memory_space<semaphore_mem>>) src(%dma_wait3A_219 : memref<102400xf32, #tpu.memory_space<vmem_shared>>) dst(%arg18 : memref<5000xf32, #tpu.memory_space<vmem>>)
    %dma_wait3A_220 = arith.constant 0 : i32
    %dma_wait3A_221 = tpu.memref_slice %arg28[%dma_wait3A_220] : memref<102400xf32, #tpu.memory_space<vmem_shared>> -> memref<102400xf32, #tpu.memory_space<vmem_shared>>
    tpu.wait_indirect_dma semaphore(%arg34 : memref<!tpu.dma_semaphore, #tpu.memory_space<semaphore_mem>>) src(%dma_wait3A_221 : memref<102400xf32, #tpu.memory_space<vmem_shared>>) dst(%arg21 : memref<5000xf32, #tpu.memory_space<vmem>>)
    %dma_start3A_222 = arith.constant 0 : i32
    %dma_start3A_223 = tpu.memref_slice %arg23[%dma_start3A_222] : memref<102400xf32, #tpu.memory_space<vmem_shared>> -> memref<102400xf32, #tpu.memory_space<vmem_shared>>
    tpu.enqueue_indirect_dma source(%arg15 : memref<5000xf32, #tpu.memory_space<vmem>>) target(%dma_start3A_223 : memref<102400xf32, #tpu.memory_space<vmem_shared>>) offsets(%arg12 : memref<5000xi32, #tpu.memory_space<vmem>>) semaphore(%arg37 : memref<!tpu.dma_semaphore, #tpu.memory_space<semaphore_mem>>) {add = true}
    %dma_start3A_224 = arith.constant 0 : i32
    %dma_start3A_225 = tpu.memref_slice %arg24[%dma_start3A_224] : memref<102400xf32, #tpu.memory_space<vmem_shared>> -> memref<102400xf32, #tpu.memory_space<vmem_shared>>
    tpu.enqueue_indirect_dma source(%arg18 : memref<5000xf32, #tpu.memory_space<vmem>>) target(%dma_start3A_225 : memref<102400xf32, #tpu.memory_space<vmem_shared>>) offsets(%arg12 : memref<5000xi32, #tpu.memory_space<vmem>>) semaphore(%arg37 : memref<!tpu.dma_semaphore, #tpu.memory_space<semaphore_mem>>) {add = true}
    %dma_start3A_226 = arith.constant 0 : i32
    %dma_start3A_227 = tpu.memref_slice %arg25[%dma_start3A_226] : memref<102400xf32, #tpu.memory_space<vmem_shared>> -> memref<102400xf32, #tpu.memory_space<vmem_shared>>
    tpu.enqueue_indirect_dma source(%arg21 : memref<5000xf32, #tpu.memory_space<vmem>>) target(%dma_start3A_227 : memref<102400xf32, #tpu.memory_space<vmem_shared>>) offsets(%arg12 : memref<5000xi32, #tpu.memory_space<vmem>>) semaphore(%arg37 : memref<!tpu.dma_semaphore, #tpu.memory_space<semaphore_mem>>) {add = true}
    %dma_wait3A_228 = tpu.memref_slice %arg2[%multiple_of3A_209] : memref<3200000xi32, #tpu.memory_space<hbm>> -> memref<5000xi32, #tpu.memory_space<hbm>>
    %dma_wait3A_229 = tpu.memref_slice %arg2[%multiple_of3A_209] : memref<3200000xi32, #tpu.memory_space<hbm>> -> memref<5000xi32, #tpu.memory_space<hbm>>
    tpu.wait_dma2 semaphore(%arg29 : memref<!tpu.dma_semaphore, #tpu.memory_space<semaphore_mem>>) src(%dma_wait3A_229 : memref<5000xi32, #tpu.memory_space<hbm>>) dst(%arg7 : memref<5000xi32, #tpu.memory_space<vmem>>)
    %dma_wait3A_230 = tpu.memref_slice %arg2[%add3A_213] : memref<3200000xi32, #tpu.memory_space<hbm>> -> memref<5000xi32, #tpu.memory_space<hbm>>
    %dma_wait3A_231 = tpu.memref_slice %arg2[%add3A_213] : memref<3200000xi32, #tpu.memory_space<hbm>> -> memref<5000xi32, #tpu.memory_space<hbm>>
    tpu.wait_dma2 semaphore(%arg29 : memref<!tpu.dma_semaphore, #tpu.memory_space<semaphore_mem>>) src(%dma_wait3A_231 : memref<5000xi32, #tpu.memory_space<hbm>>) dst(%arg10 : memref<5000xi32, #tpu.memory_space<vmem>>)
    %dma_start3A_232 = arith.constant 0 : i32
    %dma_start3A_233 = tpu.memref_slice %arg26[%dma_start3A_232] : memref<102400xf32, #tpu.memory_space<vmem_shared>> -> memref<102400xf32, #tpu.memory_space<vmem_shared>>
    tpu.enqueue_indirect_dma source(%dma_start3A_233 : memref<102400xf32, #tpu.memory_space<vmem_shared>>) target(%arg13 : memref<5000xf32, #tpu.memory_space<vmem>>) offsets(%arg7 : memref<5000xi32, #tpu.memory_space<vmem>>) semaphore(%arg32 : memref<!tpu.dma_semaphore, #tpu.memory_space<semaphore_mem>>)
    %dma_start3A_234 = arith.constant 0 : i32
    %dma_start3A_235 = tpu.memref_slice %arg27[%dma_start3A_234] : memref<102400xf32, #tpu.memory_space<vmem_shared>> -> memref<102400xf32, #tpu.memory_space<vmem_shared>>
    tpu.enqueue_indirect_dma source(%dma_start3A_235 : memref<102400xf32, #tpu.memory_space<vmem_shared>>) target(%arg16 : memref<5000xf32, #tpu.memory_space<vmem>>) offsets(%arg7 : memref<5000xi32, #tpu.memory_space<vmem>>) semaphore(%arg32 : memref<!tpu.dma_semaphore, #tpu.memory_space<semaphore_mem>>)
    %dma_start3A_236 = arith.constant 0 : i32
    %dma_start3A_237 = tpu.memref_slice %arg28[%dma_start3A_236] : memref<102400xf32, #tpu.memory_space<vmem_shared>> -> memref<102400xf32, #tpu.memory_space<vmem_shared>>
    tpu.enqueue_indirect_dma source(%dma_start3A_237 : memref<102400xf32, #tpu.memory_space<vmem_shared>>) target(%arg19 : memref<5000xf32, #tpu.memory_space<vmem>>) offsets(%arg7 : memref<5000xi32, #tpu.memory_space<vmem>>) semaphore(%arg32 : memref<!tpu.dma_semaphore, #tpu.memory_space<semaphore_mem>>)
    %dma_wait3A_238 = arith.constant 0 : i32
    %dma_wait3A_239 = tpu.memref_slice %arg23[%dma_wait3A_238] : memref<102400xf32, #tpu.memory_space<vmem_shared>> -> memref<102400xf32, #tpu.memory_space<vmem_shared>>
    tpu.wait_indirect_dma semaphore(%arg36 : memref<!tpu.dma_semaphore, #tpu.memory_space<semaphore_mem>>) src(%arg14 : memref<5000xf32, #tpu.memory_space<vmem>>) dst(%dma_wait3A_239 : memref<102400xf32, #tpu.memory_space<vmem_shared>>)
    %dma_wait3A_240 = arith.constant 0 : i32
    %dma_wait3A_241 = tpu.memref_slice %arg24[%dma_wait3A_240] : memref<102400xf32, #tpu.memory_space<vmem_shared>> -> memref<102400xf32, #tpu.memory_space<vmem_shared>>
    tpu.wait_indirect_dma semaphore(%arg36 : memref<!tpu.dma_semaphore, #tpu.memory_space<semaphore_mem>>) src(%arg17 : memref<5000xf32, #tpu.memory_space<vmem>>) dst(%dma_wait3A_241 : memref<102400xf32, #tpu.memory_space<vmem_shared>>)
    %dma_wait3A_242 = arith.constant 0 : i32
    %dma_wait3A_243 = tpu.memref_slice %arg25[%dma_wait3A_242] : memref<102400xf32, #tpu.memory_space<vmem_shared>> -> memref<102400xf32, #tpu.memory_space<vmem_shared>>
    tpu.wait_indirect_dma semaphore(%arg36 : memref<!tpu.dma_semaphore, #tpu.memory_space<semaphore_mem>>) src(%arg20 : memref<5000xf32, #tpu.memory_space<vmem>>) dst(%dma_wait3A_243 : memref<102400xf32, #tpu.memory_space<vmem_shared>>)
    %add3A_244 = arith.constant 35000 : i32
    %add3A_245 = arith.addi %mul3A_11, %add3A_244 : i32
    %multiple_of3A_246 = tpu.assume_multiple %add3A_245, 8 : i32
    %dma_start3A_247 = tpu.memref_slice %arg2[%multiple_of3A_246] : memref<3200000xi32, #tpu.memory_space<hbm>> -> memref<5000xi32, #tpu.memory_space<hbm>>
    %dma_start3A_248 = tpu.memref_slice %arg2[%multiple_of3A_246] : memref<3200000xi32, #tpu.memory_space<hbm>> -> memref<5000xi32, #tpu.memory_space<hbm>>
    tpu.enqueue_dma source(%dma_start3A_248 : memref<5000xi32, #tpu.memory_space<hbm>>) target(%arg8 : memref<5000xi32, #tpu.memory_space<vmem>>) target_semaphore(%arg30 : memref<!tpu.dma_semaphore, #tpu.memory_space<semaphore_mem>>)
    %add3A_249 = arith.constant 1600000 : i32
    %add3A_250 = arith.addi %multiple_of3A_246, %add3A_249 : i32
    %dma_start3A_251 = tpu.memref_slice %arg2[%add3A_250] : memref<3200000xi32, #tpu.memory_space<hbm>> -> memref<5000xi32, #tpu.memory_space<hbm>>
    %dma_start3A_252 = tpu.memref_slice %arg2[%add3A_250] : memref<3200000xi32, #tpu.memory_space<hbm>> -> memref<5000xi32, #tpu.memory_space<hbm>>
    tpu.enqueue_dma source(%dma_start3A_252 : memref<5000xi32, #tpu.memory_space<hbm>>) target(%arg11 : memref<5000xi32, #tpu.memory_space<vmem>>) target_semaphore(%arg30 : memref<!tpu.dma_semaphore, #tpu.memory_space<semaphore_mem>>)
    %dma_wait3A_253 = arith.constant 0 : i32
    %dma_wait3A_254 = tpu.memref_slice %arg26[%dma_wait3A_253] : memref<102400xf32, #tpu.memory_space<vmem_shared>> -> memref<102400xf32, #tpu.memory_space<vmem_shared>>
    tpu.wait_indirect_dma semaphore(%arg32 : memref<!tpu.dma_semaphore, #tpu.memory_space<semaphore_mem>>) src(%dma_wait3A_254 : memref<102400xf32, #tpu.memory_space<vmem_shared>>) dst(%arg13 : memref<5000xf32, #tpu.memory_space<vmem>>)
    %dma_wait3A_255 = arith.constant 0 : i32
    %dma_wait3A_256 = tpu.memref_slice %arg27[%dma_wait3A_255] : memref<102400xf32, #tpu.memory_space<vmem_shared>> -> memref<102400xf32, #tpu.memory_space<vmem_shared>>
    tpu.wait_indirect_dma semaphore(%arg32 : memref<!tpu.dma_semaphore, #tpu.memory_space<semaphore_mem>>) src(%dma_wait3A_256 : memref<102400xf32, #tpu.memory_space<vmem_shared>>) dst(%arg16 : memref<5000xf32, #tpu.memory_space<vmem>>)
    %dma_wait3A_257 = arith.constant 0 : i32
    %dma_wait3A_258 = tpu.memref_slice %arg28[%dma_wait3A_257] : memref<102400xf32, #tpu.memory_space<vmem_shared>> -> memref<102400xf32, #tpu.memory_space<vmem_shared>>
    tpu.wait_indirect_dma semaphore(%arg32 : memref<!tpu.dma_semaphore, #tpu.memory_space<semaphore_mem>>) src(%dma_wait3A_258 : memref<102400xf32, #tpu.memory_space<vmem_shared>>) dst(%arg19 : memref<5000xf32, #tpu.memory_space<vmem>>)
    %dma_start3A_259 = arith.constant 0 : i32
    %dma_start3A_260 = tpu.memref_slice %arg23[%dma_start3A_259] : memref<102400xf32, #tpu.memory_space<vmem_shared>> -> memref<102400xf32, #tpu.memory_space<vmem_shared>>
    tpu.enqueue_indirect_dma source(%arg13 : memref<5000xf32, #tpu.memory_space<vmem>>) target(%dma_start3A_260 : memref<102400xf32, #tpu.memory_space<vmem_shared>>) offsets(%arg10 : memref<5000xi32, #tpu.memory_space<vmem>>) semaphore(%arg35 : memref<!tpu.dma_semaphore, #tpu.memory_space<semaphore_mem>>) {add = true}
    %dma_start3A_261 = arith.constant 0 : i32
    %dma_start3A_262 = tpu.memref_slice %arg24[%dma_start3A_261] : memref<102400xf32, #tpu.memory_space<vmem_shared>> -> memref<102400xf32, #tpu.memory_space<vmem_shared>>
    tpu.enqueue_indirect_dma source(%arg16 : memref<5000xf32, #tpu.memory_space<vmem>>) target(%dma_start3A_262 : memref<102400xf32, #tpu.memory_space<vmem_shared>>) offsets(%arg10 : memref<5000xi32, #tpu.memory_space<vmem>>) semaphore(%arg35 : memref<!tpu.dma_semaphore, #tpu.memory_space<semaphore_mem>>) {add = true}
    %dma_start3A_263 = arith.constant 0 : i32
    %dma_start3A_264 = tpu.memref_slice %arg25[%dma_start3A_263] : memref<102400xf32, #tpu.memory_space<vmem_shared>> -> memref<102400xf32, #tpu.memory_space<vmem_shared>>
    tpu.enqueue_indirect_dma source(%arg19 : memref<5000xf32, #tpu.memory_space<vmem>>) target(%dma_start3A_264 : memref<102400xf32, #tpu.memory_space<vmem_shared>>) offsets(%arg10 : memref<5000xi32, #tpu.memory_space<vmem>>) semaphore(%arg35 : memref<!tpu.dma_semaphore, #tpu.memory_space<semaphore_mem>>) {add = true}
    %dma_wait3A_265 = tpu.memref_slice %arg2[%multiple_of3A_246] : memref<3200000xi32, #tpu.memory_space<hbm>> -> memref<5000xi32, #tpu.memory_space<hbm>>
    %dma_wait3A_266 = tpu.memref_slice %arg2[%multiple_of3A_246] : memref<3200000xi32, #tpu.memory_space<hbm>> -> memref<5000xi32, #tpu.memory_space<hbm>>
    tpu.wait_dma2 semaphore(%arg30 : memref<!tpu.dma_semaphore, #tpu.memory_space<semaphore_mem>>) src(%dma_wait3A_266 : memref<5000xi32, #tpu.memory_space<hbm>>) dst(%arg8 : memref<5000xi32, #tpu.memory_space<vmem>>)
    %dma_wait3A_267 = tpu.memref_slice %arg2[%add3A_250] : memref<3200000xi32, #tpu.memory_space<hbm>> -> memref<5000xi32, #tpu.memory_space<hbm>>
    %dma_wait3A_268 = tpu.memref_slice %arg2[%add3A_250] : memref<3200000xi32, #tpu.memory_space<hbm>> -> memref<5000xi32, #tpu.memory_space<hbm>>
    tpu.wait_dma2 semaphore(%arg30 : memref<!tpu.dma_semaphore, #tpu.memory_space<semaphore_mem>>) src(%dma_wait3A_268 : memref<5000xi32, #tpu.memory_space<hbm>>) dst(%arg11 : memref<5000xi32, #tpu.memory_space<vmem>>)
    %dma_start3A_269 = arith.constant 0 : i32
    %dma_start3A_270 = tpu.memref_slice %arg26[%dma_start3A_269] : memref<102400xf32, #tpu.memory_space<vmem_shared>> -> memref<102400xf32, #tpu.memory_space<vmem_shared>>
    tpu.enqueue_indirect_dma source(%dma_start3A_270 : memref<102400xf32, #tpu.memory_space<vmem_shared>>) target(%arg14 : memref<5000xf32, #tpu.memory_space<vmem>>) offsets(%arg8 : memref<5000xi32, #tpu.memory_space<vmem>>) semaphore(%arg33 : memref<!tpu.dma_semaphore, #tpu.memory_space<semaphore_mem>>)
    %dma_start3A_271 = arith.constant 0 : i32
    %dma_start3A_272 = tpu.memref_slice %arg27[%dma_start3A_271] : memref<102400xf32, #tpu.memory_space<vmem_shared>> -> memref<102400xf32, #tpu.memory_space<vmem_shared>>
    tpu.enqueue_indirect_dma source(%dma_start3A_272 : memref<102400xf32, #tpu.memory_space<vmem_shared>>) target(%arg17 : memref<5000xf32, #tpu.memory_space<vmem>>) offsets(%arg8 : memref<5000xi32, #tpu.memory_space<vmem>>) semaphore(%arg33 : memref<!tpu.dma_semaphore, #tpu.memory_space<semaphore_mem>>)
    %dma_start3A_273 = arith.constant 0 : i32
    %dma_start3A_274 = tpu.memref_slice %arg28[%dma_start3A_273] : memref<102400xf32, #tpu.memory_space<vmem_shared>> -> memref<102400xf32, #tpu.memory_space<vmem_shared>>
    tpu.enqueue_indirect_dma source(%dma_start3A_274 : memref<102400xf32, #tpu.memory_space<vmem_shared>>) target(%arg20 : memref<5000xf32, #tpu.memory_space<vmem>>) offsets(%arg8 : memref<5000xi32, #tpu.memory_space<vmem>>) semaphore(%arg33 : memref<!tpu.dma_semaphore, #tpu.memory_space<semaphore_mem>>)
    %dma_wait3A_275 = arith.constant 0 : i32
    %dma_wait3A_276 = tpu.memref_slice %arg23[%dma_wait3A_275] : memref<102400xf32, #tpu.memory_space<vmem_shared>> -> memref<102400xf32, #tpu.memory_space<vmem_shared>>
    tpu.wait_indirect_dma semaphore(%arg37 : memref<!tpu.dma_semaphore, #tpu.memory_space<semaphore_mem>>) src(%arg15 : memref<5000xf32, #tpu.memory_space<vmem>>) dst(%dma_wait3A_276 : memref<102400xf32, #tpu.memory_space<vmem_shared>>)
    %dma_wait3A_277 = arith.constant 0 : i32
    %dma_wait3A_278 = tpu.memref_slice %arg24[%dma_wait3A_277] : memref<102400xf32, #tpu.memory_space<vmem_shared>> -> memref<102400xf32, #tpu.memory_space<vmem_shared>>
    tpu.wait_indirect_dma semaphore(%arg37 : memref<!tpu.dma_semaphore, #tpu.memory_space<semaphore_mem>>) src(%arg18 : memref<5000xf32, #tpu.memory_space<vmem>>) dst(%dma_wait3A_278 : memref<102400xf32, #tpu.memory_space<vmem_shared>>)
    %dma_wait3A_279 = arith.constant 0 : i32
    %dma_wait3A_280 = tpu.memref_slice %arg25[%dma_wait3A_279] : memref<102400xf32, #tpu.memory_space<vmem_shared>> -> memref<102400xf32, #tpu.memory_space<vmem_shared>>
    tpu.wait_indirect_dma semaphore(%arg37 : memref<!tpu.dma_semaphore, #tpu.memory_space<semaphore_mem>>) src(%arg21 : memref<5000xf32, #tpu.memory_space<vmem>>) dst(%dma_wait3A_280 : memref<102400xf32, #tpu.memory_space<vmem_shared>>)
    %add3A_281 = arith.constant 40000 : i32
    %add3A_282 = arith.addi %mul3A_11, %add3A_281 : i32
    %multiple_of3A_283 = tpu.assume_multiple %add3A_282, 8 : i32
    %dma_start3A_284 = tpu.memref_slice %arg2[%multiple_of3A_283] : memref<3200000xi32, #tpu.memory_space<hbm>> -> memref<5000xi32, #tpu.memory_space<hbm>>
    %dma_start3A_285 = tpu.memref_slice %arg2[%multiple_of3A_283] : memref<3200000xi32, #tpu.memory_space<hbm>> -> memref<5000xi32, #tpu.memory_space<hbm>>
    tpu.enqueue_dma source(%dma_start3A_285 : memref<5000xi32, #tpu.memory_space<hbm>>) target(%arg9 : memref<5000xi32, #tpu.memory_space<vmem>>) target_semaphore(%arg31 : memref<!tpu.dma_semaphore, #tpu.memory_space<semaphore_mem>>)
    %add3A_286 = arith.constant 1600000 : i32
    %add3A_287 = arith.addi %multiple_of3A_283, %add3A_286 : i32
    %dma_start3A_288 = tpu.memref_slice %arg2[%add3A_287] : memref<3200000xi32, #tpu.memory_space<hbm>> -> memref<5000xi32, #tpu.memory_space<hbm>>
    %dma_start3A_289 = tpu.memref_slice %arg2[%add3A_287] : memref<3200000xi32, #tpu.memory_space<hbm>> -> memref<5000xi32, #tpu.memory_space<hbm>>
    tpu.enqueue_dma source(%dma_start3A_289 : memref<5000xi32, #tpu.memory_space<hbm>>) target(%arg12 : memref<5000xi32, #tpu.memory_space<vmem>>) target_semaphore(%arg31 : memref<!tpu.dma_semaphore, #tpu.memory_space<semaphore_mem>>)
    %dma_wait3A_290 = arith.constant 0 : i32
    %dma_wait3A_291 = tpu.memref_slice %arg26[%dma_wait3A_290] : memref<102400xf32, #tpu.memory_space<vmem_shared>> -> memref<102400xf32, #tpu.memory_space<vmem_shared>>
    tpu.wait_indirect_dma semaphore(%arg33 : memref<!tpu.dma_semaphore, #tpu.memory_space<semaphore_mem>>) src(%dma_wait3A_291 : memref<102400xf32, #tpu.memory_space<vmem_shared>>) dst(%arg14 : memref<5000xf32, #tpu.memory_space<vmem>>)
    %dma_wait3A_292 = arith.constant 0 : i32
    %dma_wait3A_293 = tpu.memref_slice %arg27[%dma_wait3A_292] : memref<102400xf32, #tpu.memory_space<vmem_shared>> -> memref<102400xf32, #tpu.memory_space<vmem_shared>>
    tpu.wait_indirect_dma semaphore(%arg33 : memref<!tpu.dma_semaphore, #tpu.memory_space<semaphore_mem>>) src(%dma_wait3A_293 : memref<102400xf32, #tpu.memory_space<vmem_shared>>) dst(%arg17 : memref<5000xf32, #tpu.memory_space<vmem>>)
    %dma_wait3A_294 = arith.constant 0 : i32
    %dma_wait3A_295 = tpu.memref_slice %arg28[%dma_wait3A_294] : memref<102400xf32, #tpu.memory_space<vmem_shared>> -> memref<102400xf32, #tpu.memory_space<vmem_shared>>
    tpu.wait_indirect_dma semaphore(%arg33 : memref<!tpu.dma_semaphore, #tpu.memory_space<semaphore_mem>>) src(%dma_wait3A_295 : memref<102400xf32, #tpu.memory_space<vmem_shared>>) dst(%arg20 : memref<5000xf32, #tpu.memory_space<vmem>>)
    %dma_start3A_296 = arith.constant 0 : i32
    %dma_start3A_297 = tpu.memref_slice %arg23[%dma_start3A_296] : memref<102400xf32, #tpu.memory_space<vmem_shared>> -> memref<102400xf32, #tpu.memory_space<vmem_shared>>
    tpu.enqueue_indirect_dma source(%arg14 : memref<5000xf32, #tpu.memory_space<vmem>>) target(%dma_start3A_297 : memref<102400xf32, #tpu.memory_space<vmem_shared>>) offsets(%arg11 : memref<5000xi32, #tpu.memory_space<vmem>>) semaphore(%arg36 : memref<!tpu.dma_semaphore, #tpu.memory_space<semaphore_mem>>) {add = true}
    %dma_start3A_298 = arith.constant 0 : i32
    %dma_start3A_299 = tpu.memref_slice %arg24[%dma_start3A_298] : memref<102400xf32, #tpu.memory_space<vmem_shared>> -> memref<102400xf32, #tpu.memory_space<vmem_shared>>
    tpu.enqueue_indirect_dma source(%arg17 : memref<5000xf32, #tpu.memory_space<vmem>>) target(%dma_start3A_299 : memref<102400xf32, #tpu.memory_space<vmem_shared>>) offsets(%arg11 : memref<5000xi32, #tpu.memory_space<vmem>>) semaphore(%arg36 : memref<!tpu.dma_semaphore, #tpu.memory_space<semaphore_mem>>) {add = true}
    %dma_start3A_300 = arith.constant 0 : i32
    %dma_start3A_301 = tpu.memref_slice %arg25[%dma_start3A_300] : memref<102400xf32, #tpu.memory_space<vmem_shared>> -> memref<102400xf32, #tpu.memory_space<vmem_shared>>
    tpu.enqueue_indirect_dma source(%arg20 : memref<5000xf32, #tpu.memory_space<vmem>>) target(%dma_start3A_301 : memref<102400xf32, #tpu.memory_space<vmem_shared>>) offsets(%arg11 : memref<5000xi32, #tpu.memory_space<vmem>>) semaphore(%arg36 : memref<!tpu.dma_semaphore, #tpu.memory_space<semaphore_mem>>) {add = true}
    %dma_wait3A_302 = tpu.memref_slice %arg2[%multiple_of3A_283] : memref<3200000xi32, #tpu.memory_space<hbm>> -> memref<5000xi32, #tpu.memory_space<hbm>>
    %dma_wait3A_303 = tpu.memref_slice %arg2[%multiple_of3A_283] : memref<3200000xi32, #tpu.memory_space<hbm>> -> memref<5000xi32, #tpu.memory_space<hbm>>
    tpu.wait_dma2 semaphore(%arg31 : memref<!tpu.dma_semaphore, #tpu.memory_space<semaphore_mem>>) src(%dma_wait3A_303 : memref<5000xi32, #tpu.memory_space<hbm>>) dst(%arg9 : memref<5000xi32, #tpu.memory_space<vmem>>)
    %dma_wait3A_304 = tpu.memref_slice %arg2[%add3A_287] : memref<3200000xi32, #tpu.memory_space<hbm>> -> memref<5000xi32, #tpu.memory_space<hbm>>
    %dma_wait3A_305 = tpu.memref_slice %arg2[%add3A_287] : memref<3200000xi32, #tpu.memory_space<hbm>> -> memref<5000xi32, #tpu.memory_space<hbm>>
    tpu.wait_dma2 semaphore(%arg31 : memref<!tpu.dma_semaphore, #tpu.memory_space<semaphore_mem>>) src(%dma_wait3A_305 : memref<5000xi32, #tpu.memory_space<hbm>>) dst(%arg12 : memref<5000xi32, #tpu.memory_space<vmem>>)
    %dma_start3A_306 = arith.constant 0 : i32
    %dma_start3A_307 = tpu.memref_slice %arg26[%dma_start3A_306] : memref<102400xf32, #tpu.memory_space<vmem_shared>> -> memref<102400xf32, #tpu.memory_space<vmem_shared>>
    tpu.enqueue_indirect_dma source(%dma_start3A_307 : memref<102400xf32, #tpu.memory_space<vmem_shared>>) target(%arg15 : memref<5000xf32, #tpu.memory_space<vmem>>) offsets(%arg9 : memref<5000xi32, #tpu.memory_space<vmem>>) semaphore(%arg34 : memref<!tpu.dma_semaphore, #tpu.memory_space<semaphore_mem>>)
    %dma_start3A_308 = arith.constant 0 : i32
    %dma_start3A_309 = tpu.memref_slice %arg27[%dma_start3A_308] : memref<102400xf32, #tpu.memory_space<vmem_shared>> -> memref<102400xf32, #tpu.memory_space<vmem_shared>>
    tpu.enqueue_indirect_dma source(%dma_start3A_309 : memref<102400xf32, #tpu.memory_space<vmem_shared>>) target(%arg18 : memref<5000xf32, #tpu.memory_space<vmem>>) offsets(%arg9 : memref<5000xi32, #tpu.memory_space<vmem>>) semaphore(%arg34 : memref<!tpu.dma_semaphore, #tpu.memory_space<semaphore_mem>>)
    %dma_start3A_310 = arith.constant 0 : i32
    %dma_start3A_311 = tpu.memref_slice %arg28[%dma_start3A_310] : memref<102400xf32, #tpu.memory_space<vmem_shared>> -> memref<102400xf32, #tpu.memory_space<vmem_shared>>
    tpu.enqueue_indirect_dma source(%dma_start3A_311 : memref<102400xf32, #tpu.memory_space<vmem_shared>>) target(%arg21 : memref<5000xf32, #tpu.memory_space<vmem>>) offsets(%arg9 : memref<5000xi32, #tpu.memory_space<vmem>>) semaphore(%arg34 : memref<!tpu.dma_semaphore, #tpu.memory_space<semaphore_mem>>)
    %dma_wait3A_312 = arith.constant 0 : i32
    %dma_wait3A_313 = tpu.memref_slice %arg23[%dma_wait3A_312] : memref<102400xf32, #tpu.memory_space<vmem_shared>> -> memref<102400xf32, #tpu.memory_space<vmem_shared>>
    tpu.wait_indirect_dma semaphore(%arg35 : memref<!tpu.dma_semaphore, #tpu.memory_space<semaphore_mem>>) src(%arg13 : memref<5000xf32, #tpu.memory_space<vmem>>) dst(%dma_wait3A_313 : memref<102400xf32, #tpu.memory_space<vmem_shared>>)
    %dma_wait3A_314 = arith.constant 0 : i32
    %dma_wait3A_315 = tpu.memref_slice %arg24[%dma_wait3A_314] : memref<102400xf32, #tpu.memory_space<vmem_shared>> -> memref<102400xf32, #tpu.memory_space<vmem_shared>>
    tpu.wait_indirect_dma semaphore(%arg35 : memref<!tpu.dma_semaphore, #tpu.memory_space<semaphore_mem>>) src(%arg16 : memref<5000xf32, #tpu.memory_space<vmem>>) dst(%dma_wait3A_315 : memref<102400xf32, #tpu.memory_space<vmem_shared>>)
    %dma_wait3A_316 = arith.constant 0 : i32
    %dma_wait3A_317 = tpu.memref_slice %arg25[%dma_wait3A_316] : memref<102400xf32, #tpu.memory_space<vmem_shared>> -> memref<102400xf32, #tpu.memory_space<vmem_shared>>
    tpu.wait_indirect_dma semaphore(%arg35 : memref<!tpu.dma_semaphore, #tpu.memory_space<semaphore_mem>>) src(%arg19 : memref<5000xf32, #tpu.memory_space<vmem>>) dst(%dma_wait3A_317 : memref<102400xf32, #tpu.memory_space<vmem_shared>>)
    %add3A_318 = arith.constant 45000 : i32
    %add3A_319 = arith.addi %mul3A_11, %add3A_318 : i32
    %multiple_of3A_320 = tpu.assume_multiple %add3A_319, 8 : i32
    %dma_start3A_321 = tpu.memref_slice %arg2[%multiple_of3A_320] : memref<3200000xi32, #tpu.memory_space<hbm>> -> memref<5000xi32, #tpu.memory_space<hbm>>
    %dma_start3A_322 = tpu.memref_slice %arg2[%multiple_of3A_320] : memref<3200000xi32, #tpu.memory_space<hbm>> -> memref<5000xi32, #tpu.memory_space<hbm>>
    tpu.enqueue_dma source(%dma_start3A_322 : memref<5000xi32, #tpu.memory_space<hbm>>) target(%arg7 : memref<5000xi32, #tpu.memory_space<vmem>>) target_semaphore(%arg29 : memref<!tpu.dma_semaphore, #tpu.memory_space<semaphore_mem>>)
    %add3A_323 = arith.constant 1600000 : i32
    %add3A_324 = arith.addi %multiple_of3A_320, %add3A_323 : i32
    %dma_start3A_325 = tpu.memref_slice %arg2[%add3A_324] : memref<3200000xi32, #tpu.memory_space<hbm>> -> memref<5000xi32, #tpu.memory_space<hbm>>
    %dma_start3A_326 = tpu.memref_slice %arg2[%add3A_324] : memref<3200000xi32, #tpu.memory_space<hbm>> -> memref<5000xi32, #tpu.memory_space<hbm>>
    tpu.enqueue_dma source(%dma_start3A_326 : memref<5000xi32, #tpu.memory_space<hbm>>) target(%arg10 : memref<5000xi32, #tpu.memory_space<vmem>>) target_semaphore(%arg29 : memref<!tpu.dma_semaphore, #tpu.memory_space<semaphore_mem>>)
    %dma_wait3A_327 = arith.constant 0 : i32
    %dma_wait3A_328 = tpu.memref_slice %arg26[%dma_wait3A_327] : memref<102400xf32, #tpu.memory_space<vmem_shared>> -> memref<102400xf32, #tpu.memory_space<vmem_shared>>
    tpu.wait_indirect_dma semaphore(%arg34 : memref<!tpu.dma_semaphore, #tpu.memory_space<semaphore_mem>>) src(%dma_wait3A_328 : memref<102400xf32, #tpu.memory_space<vmem_shared>>) dst(%arg15 : memref<5000xf32, #tpu.memory_space<vmem>>)
    %dma_wait3A_329 = arith.constant 0 : i32
    %dma_wait3A_330 = tpu.memref_slice %arg27[%dma_wait3A_329] : memref<102400xf32, #tpu.memory_space<vmem_shared>> -> memref<102400xf32, #tpu.memory_space<vmem_shared>>
    tpu.wait_indirect_dma semaphore(%arg34 : memref<!tpu.dma_semaphore, #tpu.memory_space<semaphore_mem>>) src(%dma_wait3A_330 : memref<102400xf32, #tpu.memory_space<vmem_shared>>) dst(%arg18 : memref<5000xf32, #tpu.memory_space<vmem>>)
    %dma_wait3A_331 = arith.constant 0 : i32
    %dma_wait3A_332 = tpu.memref_slice %arg28[%dma_wait3A_331] : memref<102400xf32, #tpu.memory_space<vmem_shared>> -> memref<102400xf32, #tpu.memory_space<vmem_shared>>
    tpu.wait_indirect_dma semaphore(%arg34 : memref<!tpu.dma_semaphore, #tpu.memory_space<semaphore_mem>>) src(%dma_wait3A_332 : memref<102400xf32, #tpu.memory_space<vmem_shared>>) dst(%arg21 : memref<5000xf32, #tpu.memory_space<vmem>>)
    %dma_start3A_333 = arith.constant 0 : i32
    %dma_start3A_334 = tpu.memref_slice %arg23[%dma_start3A_333] : memref<102400xf32, #tpu.memory_space<vmem_shared>> -> memref<102400xf32, #tpu.memory_space<vmem_shared>>
    tpu.enqueue_indirect_dma source(%arg15 : memref<5000xf32, #tpu.memory_space<vmem>>) target(%dma_start3A_334 : memref<102400xf32, #tpu.memory_space<vmem_shared>>) offsets(%arg12 : memref<5000xi32, #tpu.memory_space<vmem>>) semaphore(%arg37 : memref<!tpu.dma_semaphore, #tpu.memory_space<semaphore_mem>>) {add = true}
    %dma_start3A_335 = arith.constant 0 : i32
    %dma_start3A_336 = tpu.memref_slice %arg24[%dma_start3A_335] : memref<102400xf32, #tpu.memory_space<vmem_shared>> -> memref<102400xf32, #tpu.memory_space<vmem_shared>>
    tpu.enqueue_indirect_dma source(%arg18 : memref<5000xf32, #tpu.memory_space<vmem>>) target(%dma_start3A_336 : memref<102400xf32, #tpu.memory_space<vmem_shared>>) offsets(%arg12 : memref<5000xi32, #tpu.memory_space<vmem>>) semaphore(%arg37 : memref<!tpu.dma_semaphore, #tpu.memory_space<semaphore_mem>>) {add = true}
    %dma_start3A_337 = arith.constant 0 : i32
    %dma_start3A_338 = tpu.memref_slice %arg25[%dma_start3A_337] : memref<102400xf32, #tpu.memory_space<vmem_shared>> -> memref<102400xf32, #tpu.memory_space<vmem_shared>>
    tpu.enqueue_indirect_dma source(%arg21 : memref<5000xf32, #tpu.memory_space<vmem>>) target(%dma_start3A_338 : memref<102400xf32, #tpu.memory_space<vmem_shared>>) offsets(%arg12 : memref<5000xi32, #tpu.memory_space<vmem>>) semaphore(%arg37 : memref<!tpu.dma_semaphore, #tpu.memory_space<semaphore_mem>>) {add = true}
    %dma_wait3A_339 = tpu.memref_slice %arg2[%multiple_of3A_320] : memref<3200000xi32, #tpu.memory_space<hbm>> -> memref<5000xi32, #tpu.memory_space<hbm>>
    %dma_wait3A_340 = tpu.memref_slice %arg2[%multiple_of3A_320] : memref<3200000xi32, #tpu.memory_space<hbm>> -> memref<5000xi32, #tpu.memory_space<hbm>>
    tpu.wait_dma2 semaphore(%arg29 : memref<!tpu.dma_semaphore, #tpu.memory_space<semaphore_mem>>) src(%dma_wait3A_340 : memref<5000xi32, #tpu.memory_space<hbm>>) dst(%arg7 : memref<5000xi32, #tpu.memory_space<vmem>>)
    %dma_wait3A_341 = tpu.memref_slice %arg2[%add3A_324] : memref<3200000xi32, #tpu.memory_space<hbm>> -> memref<5000xi32, #tpu.memory_space<hbm>>
    %dma_wait3A_342 = tpu.memref_slice %arg2[%add3A_324] : memref<3200000xi32, #tpu.memory_space<hbm>> -> memref<5000xi32, #tpu.memory_space<hbm>>
    tpu.wait_dma2 semaphore(%arg29 : memref<!tpu.dma_semaphore, #tpu.memory_space<semaphore_mem>>) src(%dma_wait3A_342 : memref<5000xi32, #tpu.memory_space<hbm>>) dst(%arg10 : memref<5000xi32, #tpu.memory_space<vmem>>)
    %dma_start3A_343 = arith.constant 0 : i32
    %dma_start3A_344 = tpu.memref_slice %arg26[%dma_start3A_343] : memref<102400xf32, #tpu.memory_space<vmem_shared>> -> memref<102400xf32, #tpu.memory_space<vmem_shared>>
    tpu.enqueue_indirect_dma source(%dma_start3A_344 : memref<102400xf32, #tpu.memory_space<vmem_shared>>) target(%arg13 : memref<5000xf32, #tpu.memory_space<vmem>>) offsets(%arg7 : memref<5000xi32, #tpu.memory_space<vmem>>) semaphore(%arg32 : memref<!tpu.dma_semaphore, #tpu.memory_space<semaphore_mem>>)
    %dma_start3A_345 = arith.constant 0 : i32
    %dma_start3A_346 = tpu.memref_slice %arg27[%dma_start3A_345] : memref<102400xf32, #tpu.memory_space<vmem_shared>> -> memref<102400xf32, #tpu.memory_space<vmem_shared>>
    tpu.enqueue_indirect_dma source(%dma_start3A_346 : memref<102400xf32, #tpu.memory_space<vmem_shared>>) target(%arg16 : memref<5000xf32, #tpu.memory_space<vmem>>) offsets(%arg7 : memref<5000xi32, #tpu.memory_space<vmem>>) semaphore(%arg32 : memref<!tpu.dma_semaphore, #tpu.memory_space<semaphore_mem>>)
    %dma_start3A_347 = arith.constant 0 : i32
    %dma_start3A_348 = tpu.memref_slice %arg28[%dma_start3A_347] : memref<102400xf32, #tpu.memory_space<vmem_shared>> -> memref<102400xf32, #tpu.memory_space<vmem_shared>>
    tpu.enqueue_indirect_dma source(%dma_start3A_348 : memref<102400xf32, #tpu.memory_space<vmem_shared>>) target(%arg19 : memref<5000xf32, #tpu.memory_space<vmem>>) offsets(%arg7 : memref<5000xi32, #tpu.memory_space<vmem>>) semaphore(%arg32 : memref<!tpu.dma_semaphore, #tpu.memory_space<semaphore_mem>>)
    %dma_wait3A_349 = arith.constant 0 : i32
    %dma_wait3A_350 = tpu.memref_slice %arg23[%dma_wait3A_349] : memref<102400xf32, #tpu.memory_space<vmem_shared>> -> memref<102400xf32, #tpu.memory_space<vmem_shared>>
    tpu.wait_indirect_dma semaphore(%arg36 : memref<!tpu.dma_semaphore, #tpu.memory_space<semaphore_mem>>) src(%arg14 : memref<5000xf32, #tpu.memory_space<vmem>>) dst(%dma_wait3A_350 : memref<102400xf32, #tpu.memory_space<vmem_shared>>)
    %dma_wait3A_351 = arith.constant 0 : i32
    %dma_wait3A_352 = tpu.memref_slice %arg24[%dma_wait3A_351] : memref<102400xf32, #tpu.memory_space<vmem_shared>> -> memref<102400xf32, #tpu.memory_space<vmem_shared>>
    tpu.wait_indirect_dma semaphore(%arg36 : memref<!tpu.dma_semaphore, #tpu.memory_space<semaphore_mem>>) src(%arg17 : memref<5000xf32, #tpu.memory_space<vmem>>) dst(%dma_wait3A_352 : memref<102400xf32, #tpu.memory_space<vmem_shared>>)
    %dma_wait3A_353 = arith.constant 0 : i32
    %dma_wait3A_354 = tpu.memref_slice %arg25[%dma_wait3A_353] : memref<102400xf32, #tpu.memory_space<vmem_shared>> -> memref<102400xf32, #tpu.memory_space<vmem_shared>>
    tpu.wait_indirect_dma semaphore(%arg36 : memref<!tpu.dma_semaphore, #tpu.memory_space<semaphore_mem>>) src(%arg20 : memref<5000xf32, #tpu.memory_space<vmem>>) dst(%dma_wait3A_354 : memref<102400xf32, #tpu.memory_space<vmem_shared>>)
    %dma_wait3A_355 = arith.constant 0 : i32
    %dma_wait3A_356 = tpu.memref_slice %arg26[%dma_wait3A_355] : memref<102400xf32, #tpu.memory_space<vmem_shared>> -> memref<102400xf32, #tpu.memory_space<vmem_shared>>
    tpu.wait_indirect_dma semaphore(%arg32 : memref<!tpu.dma_semaphore, #tpu.memory_space<semaphore_mem>>) src(%dma_wait3A_356 : memref<102400xf32, #tpu.memory_space<vmem_shared>>) dst(%arg13 : memref<5000xf32, #tpu.memory_space<vmem>>)
    %dma_wait3A_357 = arith.constant 0 : i32
    %dma_wait3A_358 = tpu.memref_slice %arg27[%dma_wait3A_357] : memref<102400xf32, #tpu.memory_space<vmem_shared>> -> memref<102400xf32, #tpu.memory_space<vmem_shared>>
    tpu.wait_indirect_dma semaphore(%arg32 : memref<!tpu.dma_semaphore, #tpu.memory_space<semaphore_mem>>) src(%dma_wait3A_358 : memref<102400xf32, #tpu.memory_space<vmem_shared>>) dst(%arg16 : memref<5000xf32, #tpu.memory_space<vmem>>)
    %dma_wait3A_359 = arith.constant 0 : i32
    %dma_wait3A_360 = tpu.memref_slice %arg28[%dma_wait3A_359] : memref<102400xf32, #tpu.memory_space<vmem_shared>> -> memref<102400xf32, #tpu.memory_space<vmem_shared>>
    tpu.wait_indirect_dma semaphore(%arg32 : memref<!tpu.dma_semaphore, #tpu.memory_space<semaphore_mem>>) src(%dma_wait3A_360 : memref<102400xf32, #tpu.memory_space<vmem_shared>>) dst(%arg19 : memref<5000xf32, #tpu.memory_space<vmem>>)
    %dma_start3A_361 = arith.constant 0 : i32
    %dma_start3A_362 = tpu.memref_slice %arg23[%dma_start3A_361] : memref<102400xf32, #tpu.memory_space<vmem_shared>> -> memref<102400xf32, #tpu.memory_space<vmem_shared>>
    tpu.enqueue_indirect_dma source(%arg13 : memref<5000xf32, #tpu.memory_space<vmem>>) target(%dma_start3A_362 : memref<102400xf32, #tpu.memory_space<vmem_shared>>) offsets(%arg10 : memref<5000xi32, #tpu.memory_space<vmem>>) semaphore(%arg35 : memref<!tpu.dma_semaphore, #tpu.memory_space<semaphore_mem>>) {add = true}
    %dma_start3A_363 = arith.constant 0 : i32
    %dma_start3A_364 = tpu.memref_slice %arg24[%dma_start3A_363] : memref<102400xf32, #tpu.memory_space<vmem_shared>> -> memref<102400xf32, #tpu.memory_space<vmem_shared>>
    tpu.enqueue_indirect_dma source(%arg16 : memref<5000xf32, #tpu.memory_space<vmem>>) target(%dma_start3A_364 : memref<102400xf32, #tpu.memory_space<vmem_shared>>) offsets(%arg10 : memref<5000xi32, #tpu.memory_space<vmem>>) semaphore(%arg35 : memref<!tpu.dma_semaphore, #tpu.memory_space<semaphore_mem>>) {add = true}
    %dma_start3A_365 = arith.constant 0 : i32
    %dma_start3A_366 = tpu.memref_slice %arg25[%dma_start3A_365] : memref<102400xf32, #tpu.memory_space<vmem_shared>> -> memref<102400xf32, #tpu.memory_space<vmem_shared>>
    tpu.enqueue_indirect_dma source(%arg19 : memref<5000xf32, #tpu.memory_space<vmem>>) target(%dma_start3A_366 : memref<102400xf32, #tpu.memory_space<vmem_shared>>) offsets(%arg10 : memref<5000xi32, #tpu.memory_space<vmem>>) semaphore(%arg35 : memref<!tpu.dma_semaphore, #tpu.memory_space<semaphore_mem>>) {add = true}
    %dma_wait3A_367 = arith.constant 0 : i32
    %dma_wait3A_368 = tpu.memref_slice %arg23[%dma_wait3A_367] : memref<102400xf32, #tpu.memory_space<vmem_shared>> -> memref<102400xf32, #tpu.memory_space<vmem_shared>>
    tpu.wait_indirect_dma semaphore(%arg37 : memref<!tpu.dma_semaphore, #tpu.memory_space<semaphore_mem>>) src(%arg15 : memref<5000xf32, #tpu.memory_space<vmem>>) dst(%dma_wait3A_368 : memref<102400xf32, #tpu.memory_space<vmem_shared>>)
    %dma_wait3A_369 = arith.constant 0 : i32
    %dma_wait3A_370 = tpu.memref_slice %arg24[%dma_wait3A_369] : memref<102400xf32, #tpu.memory_space<vmem_shared>> -> memref<102400xf32, #tpu.memory_space<vmem_shared>>
    tpu.wait_indirect_dma semaphore(%arg37 : memref<!tpu.dma_semaphore, #tpu.memory_space<semaphore_mem>>) src(%arg18 : memref<5000xf32, #tpu.memory_space<vmem>>) dst(%dma_wait3A_370 : memref<102400xf32, #tpu.memory_space<vmem_shared>>)
    %dma_wait3A_371 = arith.constant 0 : i32
    %dma_wait3A_372 = tpu.memref_slice %arg25[%dma_wait3A_371] : memref<102400xf32, #tpu.memory_space<vmem_shared>> -> memref<102400xf32, #tpu.memory_space<vmem_shared>>
    tpu.wait_indirect_dma semaphore(%arg37 : memref<!tpu.dma_semaphore, #tpu.memory_space<semaphore_mem>>) src(%arg21 : memref<5000xf32, #tpu.memory_space<vmem>>) dst(%dma_wait3A_372 : memref<102400xf32, #tpu.memory_space<vmem_shared>>)
    %dma_wait3A_373 = arith.constant 0 : i32
    %dma_wait3A_374 = tpu.memref_slice %arg23[%dma_wait3A_373] : memref<102400xf32, #tpu.memory_space<vmem_shared>> -> memref<102400xf32, #tpu.memory_space<vmem_shared>>
    tpu.wait_indirect_dma semaphore(%arg35 : memref<!tpu.dma_semaphore, #tpu.memory_space<semaphore_mem>>) src(%arg13 : memref<5000xf32, #tpu.memory_space<vmem>>) dst(%dma_wait3A_374 : memref<102400xf32, #tpu.memory_space<vmem_shared>>)
    %dma_wait3A_375 = arith.constant 0 : i32
    %dma_wait3A_376 = tpu.memref_slice %arg24[%dma_wait3A_375] : memref<102400xf32, #tpu.memory_space<vmem_shared>> -> memref<102400xf32, #tpu.memory_space<vmem_shared>>
    tpu.wait_indirect_dma semaphore(%arg35 : memref<!tpu.dma_semaphore, #tpu.memory_space<semaphore_mem>>) src(%arg16 : memref<5000xf32, #tpu.memory_space<vmem>>) dst(%dma_wait3A_376 : memref<102400xf32, #tpu.memory_space<vmem_shared>>)
    %dma_wait3A_377 = arith.constant 0 : i32
    %dma_wait3A_378 = tpu.memref_slice %arg25[%dma_wait3A_377] : memref<102400xf32, #tpu.memory_space<vmem_shared>> -> memref<102400xf32, #tpu.memory_space<vmem_shared>>
    tpu.wait_indirect_dma semaphore(%arg35 : memref<!tpu.dma_semaphore, #tpu.memory_space<semaphore_mem>>) src(%arg19 : memref<5000xf32, #tpu.memory_space<vmem>>) dst(%dma_wait3A_378 : memref<102400xf32, #tpu.memory_space<vmem_shared>>)
    %barrier3A_379 = arith.constant 0 : index
    tpu.barrier barrier_id(%barrier3A_379)
    %mul3A_380 = arith.constant 3 : i32
    %mul3A_381 = arith.muli %arg0, %mul3A_380 : i32
    %mul3A_382 = arith.constant 102400 : i32
    %mul3A_383 = arith.muli %mul3A_381, %mul3A_382 : i32
    %mul3A_384 = arith.constant 6400 : i32
    %mul3A_385 = arith.muli %arg1, %mul3A_384 : i32
    %add3A_386 = arith.addi %mul3A_383, %mul3A_385 : i32
    %multiple_of3A_387 = tpu.assume_multiple %add3A_386, 8 : i32
    %add3A_388 = arith.constant 0 : i32
    %add3A_389 = arith.addi %multiple_of3A_387, %add3A_388 : i32
    "tpu.region"() ({
      %run_scoped3A = tpu.sem_alloc : memref<!tpu.dma_semaphore, #tpu.memory_space<semaphore_mem>>
      %dma_start3A_394 = tpu.memref_slice %arg6[%add3A_389] : memref<614400xf32, #tpu.memory_space<hbm>> -> memref<6400xf32, #tpu.memory_space<hbm>>
      %dma_start3A_395 = tpu.memref_slice %arg23[%mul3A_7] : memref<102400xf32, #tpu.memory_space<vmem_shared>> -> memref<6400xf32, #tpu.memory_space<vmem_shared>>
      tpu.enqueue_dma source(%dma_start3A_395 : memref<6400xf32, #tpu.memory_space<vmem_shared>>) target(%dma_start3A_394 : memref<6400xf32, #tpu.memory_space<hbm>>) target_semaphore(%run_scoped3A : memref<!tpu.dma_semaphore, #tpu.memory_space<semaphore_mem>>)
      %dma_wait3A_396 = tpu.memref_slice %arg6[%add3A_389] : memref<614400xf32, #tpu.memory_space<hbm>> -> memref<6400xf32, #tpu.memory_space<hbm>>
      %dma_wait3A_397 = tpu.memref_slice %arg23[%mul3A_7] : memref<102400xf32, #tpu.memory_space<vmem_shared>> -> memref<6400xf32, #tpu.memory_space<vmem_shared>>
      tpu.wait_dma2 semaphore(%run_scoped3A : memref<!tpu.dma_semaphore, #tpu.memory_space<semaphore_mem>>) src(%dma_wait3A_397 : memref<6400xf32, #tpu.memory_space<vmem_shared>>) dst(%dma_wait3A_396 : memref<6400xf32, #tpu.memory_space<hbm>>)
      tpu.yield
    }) : () -> ()
    %add3A_390 = arith.constant 102400 : i32
    %add3A_391 = arith.addi %multiple_of3A_387, %add3A_390 : i32
    "tpu.region"() ({
      %run_scoped3A = tpu.sem_alloc : memref<!tpu.dma_semaphore, #tpu.memory_space<semaphore_mem>>
      %dma_start3A_394 = tpu.memref_slice %arg6[%add3A_391] : memref<614400xf32, #tpu.memory_space<hbm>> -> memref<6400xf32, #tpu.memory_space<hbm>>
      %dma_start3A_395 = tpu.memref_slice %arg24[%mul3A_7] : memref<102400xf32, #tpu.memory_space<vmem_shared>> -> memref<6400xf32, #tpu.memory_space<vmem_shared>>
      tpu.enqueue_dma source(%dma_start3A_395 : memref<6400xf32, #tpu.memory_space<vmem_shared>>) target(%dma_start3A_394 : memref<6400xf32, #tpu.memory_space<hbm>>) target_semaphore(%run_scoped3A : memref<!tpu.dma_semaphore, #tpu.memory_space<semaphore_mem>>)
      %dma_wait3A_396 = tpu.memref_slice %arg6[%add3A_391] : memref<614400xf32, #tpu.memory_space<hbm>> -> memref<6400xf32, #tpu.memory_space<hbm>>
      %dma_wait3A_397 = tpu.memref_slice %arg24[%mul3A_7] : memref<102400xf32, #tpu.memory_space<vmem_shared>> -> memref<6400xf32, #tpu.memory_space<vmem_shared>>
      tpu.wait_dma2 semaphore(%run_scoped3A : memref<!tpu.dma_semaphore, #tpu.memory_space<semaphore_mem>>) src(%dma_wait3A_397 : memref<6400xf32, #tpu.memory_space<vmem_shared>>) dst(%dma_wait3A_396 : memref<6400xf32, #tpu.memory_space<hbm>>)
      tpu.yield
    }) : () -> ()
    %add3A_392 = arith.constant 204800 : i32
    %add3A_393 = arith.addi %multiple_of3A_387, %add3A_392 : i32
    "tpu.region"() ({
      %run_scoped3A = tpu.sem_alloc : memref<!tpu.dma_semaphore, #tpu.memory_space<semaphore_mem>>
      %dma_start3A_394 = tpu.memref_slice %arg6[%add3A_393] : memref<614400xf32, #tpu.memory_space<hbm>> -> memref<6400xf32, #tpu.memory_space<hbm>>
      %dma_start3A_395 = tpu.memref_slice %arg25[%mul3A_7] : memref<102400xf32, #tpu.memory_space<vmem_shared>> -> memref<6400xf32, #tpu.memory_space<vmem_shared>>
      tpu.enqueue_dma source(%dma_start3A_395 : memref<6400xf32, #tpu.memory_space<vmem_shared>>) target(%dma_start3A_394 : memref<6400xf32, #tpu.memory_space<hbm>>) target_semaphore(%run_scoped3A : memref<!tpu.dma_semaphore, #tpu.memory_space<semaphore_mem>>)
      %dma_wait3A_396 = tpu.memref_slice %arg6[%add3A_393] : memref<614400xf32, #tpu.memory_space<hbm>> -> memref<6400xf32, #tpu.memory_space<hbm>>
      %dma_wait3A_397 = tpu.memref_slice %arg25[%mul3A_7] : memref<102400xf32, #tpu.memory_space<vmem_shared>> -> memref<6400xf32, #tpu.memory_space<vmem_shared>>
      tpu.wait_dma2 semaphore(%run_scoped3A : memref<!tpu.dma_semaphore, #tpu.memory_space<semaphore_mem>>) src(%dma_wait3A_397 : memref<6400xf32, #tpu.memory_space<vmem_shared>>) dst(%dma_wait3A_396 : memref<6400xf32, #tpu.memory_space<hbm>>)
      tpu.yield
    }) : () -> ()
    return
  }
}

#map = affine_map<(d0, d1) -> (0)>
module attributes {stable_mosaic.version = 14 : i64} {
  func.func @k(%arg0: i32, %arg1: i32, %arg2: memref<3200000xi32, #tpu.memory_space<hbm>>, %arg3: memref<409600xf32, #tpu.memory_space<hbm>>, %arg4: memref<5000xi32, #tpu.memory_space<vmem>>, %arg5: memref<5000xi32, #tpu.memory_space<vmem>>, %arg6: memref<5000xi32, #tpu.memory_space<vmem>>, %arg7: memref<5000xi32, #tpu.memory_space<vmem>>, %arg8: memref<5000xi32, #tpu.memory_space<vmem>>, %arg9: memref<5000xi32, #tpu.memory_space<vmem>>, %arg10: memref<5000xf32, #tpu.memory_space<vmem>>, %arg11: memref<6400xf32, #tpu.memory_space<vmem>>, %arg12: memref<102400xf32, #tpu.memory_space<vmem_shared>>, %arg13: memref<102400xf32, #tpu.memory_space<vmem_shared>>, %arg14: memref<!tpu.dma_semaphore, #tpu.memory_space<semaphore_mem>>, %arg15: memref<!tpu.dma_semaphore, #tpu.memory_space<semaphore_mem>>, %arg16: memref<!tpu.dma_semaphore, #tpu.memory_space<semaphore_mem>>, %arg17: memref<!tpu.dma_semaphore, #tpu.memory_space<semaphore_mem>>, %arg18: memref<!tpu.dma_semaphore, #tpu.memory_space<semaphore_mem>>, %arg19: memref<!tpu.dma_semaphore, #tpu.memory_space<semaphore_mem>>) attributes {dimension_semantics = [#tpu.dimension_semantics<core_parallel>, #tpu.dimension_semantics<subcore_parallel>], iteration_bounds = array<i64: 2, 16>, scalar_prefetch = 0 : i64, scratch_operands = 16 : i64, tpu.core_type = #tpu.core_type<sc_vector_subcore>, window_params = [{transform_indices = #map}, {transform_indices = #map}]} {
    %broadcast_in_dim3A = arith.constant 1.000000e+00 : f32
    %broadcast_in_dim3A_0 = vector.broadcast %broadcast_in_dim3A : f32 to vector<16xf32>
    %scan3A = arith.constant 0 : i32
    %scan3A_1 = arith.constant 0 : i32
    %scan3A_2 = arith.constant 312 : i32
    %scan3A_3 = arith.addi %scan3A_1, %scan3A_2 : i32
    %scan3A_4 = arith.constant 1 : i32
    %scan3A_5 = scf.for %scan3A_239 = %scan3A_1 to %scan3A_3 step %scan3A_4 iter_args(%scan3A_240 = %scan3A) -> (i32)  : i32 {
      %mul3A_241 = arith.constant 16 : i32
      %mul3A_242 = arith.muli %scan3A_239, %mul3A_241 : i32
      %swap3A = arith.index_cast %mul3A_242 : i32 to index
      %swap3A_243 = tpu.vector_load %arg10[%swap3A] {strides = array<i32>} : memref<5000xf32, #tpu.memory_space<vmem>>, vector<16xf32>,
      %swap3A_244 = vector.shape_cast %swap3A_243 : vector<16xf32> to vector<16xf32>
      %swap3A_245 = vector.shape_cast %broadcast_in_dim3A_0 : vector<16xf32> to vector<16xf32>
      tpu.vector_store %arg10[%swap3A], %swap3A_245 {strides = array<i32>} : memref<5000xf32, #tpu.memory_space<vmem>>, vector<16xf32>,
      %scan3A_246 = arith.constant 0 : i32
      scf.yield %scan3A_246 : i32
    }
    %scan3A_6 = arith.constant 312 : i32
    %broadcast_in_dim3A_7 = arith.constant 0.000000e+00 : f32
    %broadcast_in_dim3A_8 = vector.broadcast %broadcast_in_dim3A_7 : f32 to vector<16xf32>
    %scan3A_9 = arith.constant 0 : i32
    %scan3A_10 = arith.constant 0 : i32
    %scan3A_11 = arith.constant 400 : i32
    %scan3A_12 = arith.addi %scan3A_10, %scan3A_11 : i32
    %scan3A_13 = arith.constant 1 : i32
    %scan3A_14 = scf.for %scan3A_239 = %scan3A_10 to %scan3A_12 step %scan3A_13 iter_args(%scan3A_240 = %scan3A_9) -> (i32)  : i32 {
      %mul3A_241 = arith.constant 16 : i32
      %mul3A_242 = arith.muli %scan3A_239, %mul3A_241 : i32
      %swap3A = arith.index_cast %mul3A_242 : i32 to index
      %swap3A_243 = tpu.vector_load %arg11[%swap3A] {strides = array<i32>} : memref<6400xf32, #tpu.memory_space<vmem>>, vector<16xf32>,
      %swap3A_244 = vector.shape_cast %swap3A_243 : vector<16xf32> to vector<16xf32>
      %swap3A_245 = vector.shape_cast %broadcast_in_dim3A_8 : vector<16xf32> to vector<16xf32>
      tpu.vector_store %arg11[%swap3A], %swap3A_245 {strides = array<i32>} : memref<6400xf32, #tpu.memory_space<vmem>>, vector<16xf32>,
      %scan3A_246 = arith.constant 0 : i32
      scf.yield %scan3A_246 : i32
    }
    %scan3A_15 = arith.constant 400 : i32
    %mul3A = arith.constant 6400 : i32
    %mul3A_16 = arith.muli %arg1, %mul3A : i32
    "tpu.region"() ({
      %run_scoped3A = tpu.sem_alloc : memref<!tpu.dma_semaphore, #tpu.memory_space<semaphore_mem>>
      %dma_start3A_239 = tpu.memref_slice %arg12[%mul3A_16] : memref<102400xf32, #tpu.memory_space<vmem_shared>> -> memref<6400xf32, #tpu.memory_space<vmem_shared>>
      %dma_start3A_240 = tpu.memref_slice %arg12[%mul3A_16] : memref<102400xf32, #tpu.memory_space<vmem_shared>> -> memref<6400xf32, #tpu.memory_space<vmem_shared>>
      tpu.enqueue_dma source(%arg11 : memref<6400xf32, #tpu.memory_space<vmem>>) target(%dma_start3A_240 : memref<6400xf32, #tpu.memory_space<vmem_shared>>) target_semaphore(%run_scoped3A : memref<!tpu.dma_semaphore, #tpu.memory_space<semaphore_mem>>)
      %dma_wait3A_241 = tpu.memref_slice %arg12[%mul3A_16] : memref<102400xf32, #tpu.memory_space<vmem_shared>> -> memref<6400xf32, #tpu.memory_space<vmem_shared>>
      %dma_wait3A_242 = tpu.memref_slice %arg12[%mul3A_16] : memref<102400xf32, #tpu.memory_space<vmem_shared>> -> memref<6400xf32, #tpu.memory_space<vmem_shared>>
      tpu.wait_dma2 semaphore(%run_scoped3A : memref<!tpu.dma_semaphore, #tpu.memory_space<semaphore_mem>>) src(%arg11 : memref<6400xf32, #tpu.memory_space<vmem>>) dst(%dma_wait3A_242 : memref<6400xf32, #tpu.memory_space<vmem_shared>>)
      tpu.yield
    }) : () -> ()
    "tpu.region"() ({
      %run_scoped3A = tpu.sem_alloc : memref<!tpu.dma_semaphore, #tpu.memory_space<semaphore_mem>>
      %dma_start3A_239 = tpu.memref_slice %arg13[%mul3A_16] : memref<102400xf32, #tpu.memory_space<vmem_shared>> -> memref<6400xf32, #tpu.memory_space<vmem_shared>>
      %dma_start3A_240 = tpu.memref_slice %arg13[%mul3A_16] : memref<102400xf32, #tpu.memory_space<vmem_shared>> -> memref<6400xf32, #tpu.memory_space<vmem_shared>>
      tpu.enqueue_dma source(%arg11 : memref<6400xf32, #tpu.memory_space<vmem>>) target(%dma_start3A_240 : memref<6400xf32, #tpu.memory_space<vmem_shared>>) target_semaphore(%run_scoped3A : memref<!tpu.dma_semaphore, #tpu.memory_space<semaphore_mem>>)
      %dma_wait3A_241 = tpu.memref_slice %arg13[%mul3A_16] : memref<102400xf32, #tpu.memory_space<vmem_shared>> -> memref<6400xf32, #tpu.memory_space<vmem_shared>>
      %dma_wait3A_242 = tpu.memref_slice %arg13[%mul3A_16] : memref<102400xf32, #tpu.memory_space<vmem_shared>> -> memref<6400xf32, #tpu.memory_space<vmem_shared>>
      tpu.wait_dma2 semaphore(%run_scoped3A : memref<!tpu.dma_semaphore, #tpu.memory_space<semaphore_mem>>) src(%arg11 : memref<6400xf32, #tpu.memory_space<vmem>>) dst(%dma_wait3A_242 : memref<6400xf32, #tpu.memory_space<vmem_shared>>)
      tpu.yield
    }) : () -> ()
    %barrier3A = arith.constant 0 : index
    tpu.barrier barrier_id(%barrier3A)
    %mul3A_17 = arith.constant 16 : i32
    %mul3A_18 = arith.muli %arg0, %mul3A_17 : i32
    %add3A = arith.addi %mul3A_18, %arg1 : i32
    %mul3A_19 = arith.constant 50000 : i32
    %mul3A_20 = arith.muli %add3A, %mul3A_19 : i32
    %add3A_21 = arith.constant 0 : i32
    %add3A_22 = arith.addi %mul3A_20, %add3A_21 : i32
    %multiple_of3A = tpu.assume_multiple %add3A_22, 8 : i32
    %dma_start3A = tpu.memref_slice %arg2[%multiple_of3A] : memref<3200000xi32, #tpu.memory_space<hbm>> -> memref<5000xi32, #tpu.memory_space<hbm>>
    %dma_start3A_23 = tpu.memref_slice %arg2[%multiple_of3A] : memref<3200000xi32, #tpu.memory_space<hbm>> -> memref<5000xi32, #tpu.memory_space<hbm>>
    tpu.enqueue_dma source(%dma_start3A_23 : memref<5000xi32, #tpu.memory_space<hbm>>) target(%arg4 : memref<5000xi32, #tpu.memory_space<vmem>>) target_semaphore(%arg14 : memref<!tpu.dma_semaphore, #tpu.memory_space<semaphore_mem>>)
    %add3A_24 = arith.constant 1600000 : i32
    %add3A_25 = arith.addi %multiple_of3A, %add3A_24 : i32
    %dma_start3A_26 = tpu.memref_slice %arg2[%add3A_25] : memref<3200000xi32, #tpu.memory_space<hbm>> -> memref<5000xi32, #tpu.memory_space<hbm>>
    %dma_start3A_27 = tpu.memref_slice %arg2[%add3A_25] : memref<3200000xi32, #tpu.memory_space<hbm>> -> memref<5000xi32, #tpu.memory_space<hbm>>
    tpu.enqueue_dma source(%dma_start3A_27 : memref<5000xi32, #tpu.memory_space<hbm>>) target(%arg7 : memref<5000xi32, #tpu.memory_space<vmem>>) target_semaphore(%arg14 : memref<!tpu.dma_semaphore, #tpu.memory_space<semaphore_mem>>)
    %add3A_28 = arith.constant 5000 : i32
    %add3A_29 = arith.addi %mul3A_20, %add3A_28 : i32
    %multiple_of3A_30 = tpu.assume_multiple %add3A_29, 8 : i32
    %dma_start3A_31 = tpu.memref_slice %arg2[%multiple_of3A_30] : memref<3200000xi32, #tpu.memory_space<hbm>> -> memref<5000xi32, #tpu.memory_space<hbm>>
    %dma_start3A_32 = tpu.memref_slice %arg2[%multiple_of3A_30] : memref<3200000xi32, #tpu.memory_space<hbm>> -> memref<5000xi32, #tpu.memory_space<hbm>>
    tpu.enqueue_dma source(%dma_start3A_32 : memref<5000xi32, #tpu.memory_space<hbm>>) target(%arg5 : memref<5000xi32, #tpu.memory_space<vmem>>) target_semaphore(%arg15 : memref<!tpu.dma_semaphore, #tpu.memory_space<semaphore_mem>>)
    %add3A_33 = arith.constant 1600000 : i32
    %add3A_34 = arith.addi %multiple_of3A_30, %add3A_33 : i32
    %dma_start3A_35 = tpu.memref_slice %arg2[%add3A_34] : memref<3200000xi32, #tpu.memory_space<hbm>> -> memref<5000xi32, #tpu.memory_space<hbm>>
    %dma_start3A_36 = tpu.memref_slice %arg2[%add3A_34] : memref<3200000xi32, #tpu.memory_space<hbm>> -> memref<5000xi32, #tpu.memory_space<hbm>>
    tpu.enqueue_dma source(%dma_start3A_36 : memref<5000xi32, #tpu.memory_space<hbm>>) target(%arg8 : memref<5000xi32, #tpu.memory_space<vmem>>) target_semaphore(%arg15 : memref<!tpu.dma_semaphore, #tpu.memory_space<semaphore_mem>>)
    %dma_wait3A = tpu.memref_slice %arg2[%multiple_of3A] : memref<3200000xi32, #tpu.memory_space<hbm>> -> memref<5000xi32, #tpu.memory_space<hbm>>
    %dma_wait3A_37 = tpu.memref_slice %arg2[%multiple_of3A] : memref<3200000xi32, #tpu.memory_space<hbm>> -> memref<5000xi32, #tpu.memory_space<hbm>>
    tpu.wait_dma2 semaphore(%arg14 : memref<!tpu.dma_semaphore, #tpu.memory_space<semaphore_mem>>) src(%dma_wait3A_37 : memref<5000xi32, #tpu.memory_space<hbm>>) dst(%arg4 : memref<5000xi32, #tpu.memory_space<vmem>>)
    %dma_wait3A_38 = tpu.memref_slice %arg2[%add3A_25] : memref<3200000xi32, #tpu.memory_space<hbm>> -> memref<5000xi32, #tpu.memory_space<hbm>>
    %dma_wait3A_39 = tpu.memref_slice %arg2[%add3A_25] : memref<3200000xi32, #tpu.memory_space<hbm>> -> memref<5000xi32, #tpu.memory_space<hbm>>
    tpu.wait_dma2 semaphore(%arg14 : memref<!tpu.dma_semaphore, #tpu.memory_space<semaphore_mem>>) src(%dma_wait3A_39 : memref<5000xi32, #tpu.memory_space<hbm>>) dst(%arg7 : memref<5000xi32, #tpu.memory_space<vmem>>)
    %dma_start3A_40 = arith.constant 0 : i32
    %dma_start3A_41 = tpu.memref_slice %arg12[%dma_start3A_40] : memref<102400xf32, #tpu.memory_space<vmem_shared>> -> memref<102400xf32, #tpu.memory_space<vmem_shared>>
    tpu.enqueue_indirect_dma source(%arg10 : memref<5000xf32, #tpu.memory_space<vmem>>) target(%dma_start3A_41 : memref<102400xf32, #tpu.memory_space<vmem_shared>>) offsets(%arg4 : memref<5000xi32, #tpu.memory_space<vmem>>) semaphore(%arg17 : memref<!tpu.dma_semaphore, #tpu.memory_space<semaphore_mem>>) {add = true}
    %dma_start3A_42 = arith.constant 0 : i32
    %dma_start3A_43 = tpu.memref_slice %arg13[%dma_start3A_42] : memref<102400xf32, #tpu.memory_space<vmem_shared>> -> memref<102400xf32, #tpu.memory_space<vmem_shared>>
    tpu.enqueue_indirect_dma source(%arg10 : memref<5000xf32, #tpu.memory_space<vmem>>) target(%dma_start3A_43 : memref<102400xf32, #tpu.memory_space<vmem_shared>>) offsets(%arg7 : memref<5000xi32, #tpu.memory_space<vmem>>) semaphore(%arg17 : memref<!tpu.dma_semaphore, #tpu.memory_space<semaphore_mem>>) {add = true}
    %add3A_44 = arith.constant 10000 : i32
    %add3A_45 = arith.addi %mul3A_20, %add3A_44 : i32
    %multiple_of3A_46 = tpu.assume_multiple %add3A_45, 8 : i32
    %dma_start3A_47 = tpu.memref_slice %arg2[%multiple_of3A_46] : memref<3200000xi32, #tpu.memory_space<hbm>> -> memref<5000xi32, #tpu.memory_space<hbm>>
    %dma_start3A_48 = tpu.memref_slice %arg2[%multiple_of3A_46] : memref<3200000xi32, #tpu.memory_space<hbm>> -> memref<5000xi32, #tpu.memory_space<hbm>>
    tpu.enqueue_dma source(%dma_start3A_48 : memref<5000xi32, #tpu.memory_space<hbm>>) target(%arg6 : memref<5000xi32, #tpu.memory_space<vmem>>) target_semaphore(%arg16 : memref<!tpu.dma_semaphore, #tpu.memory_space<semaphore_mem>>)
    %add3A_49 = arith.constant 1600000 : i32
    %add3A_50 = arith.addi %multiple_of3A_46, %add3A_49 : i32
    %dma_start3A_51 = tpu.memref_slice %arg2[%add3A_50] : memref<3200000xi32, #tpu.memory_space<hbm>> -> memref<5000xi32, #tpu.memory_space<hbm>>
    %dma_start3A_52 = tpu.memref_slice %arg2[%add3A_50] : memref<3200000xi32, #tpu.memory_space<hbm>> -> memref<5000xi32, #tpu.memory_space<hbm>>
    tpu.enqueue_dma source(%dma_start3A_52 : memref<5000xi32, #tpu.memory_space<hbm>>) target(%arg9 : memref<5000xi32, #tpu.memory_space<vmem>>) target_semaphore(%arg16 : memref<!tpu.dma_semaphore, #tpu.memory_space<semaphore_mem>>)
    %dma_wait3A_53 = tpu.memref_slice %arg2[%multiple_of3A_30] : memref<3200000xi32, #tpu.memory_space<hbm>> -> memref<5000xi32, #tpu.memory_space<hbm>>
    %dma_wait3A_54 = tpu.memref_slice %arg2[%multiple_of3A_30] : memref<3200000xi32, #tpu.memory_space<hbm>> -> memref<5000xi32, #tpu.memory_space<hbm>>
    tpu.wait_dma2 semaphore(%arg15 : memref<!tpu.dma_semaphore, #tpu.memory_space<semaphore_mem>>) src(%dma_wait3A_54 : memref<5000xi32, #tpu.memory_space<hbm>>) dst(%arg5 : memref<5000xi32, #tpu.memory_space<vmem>>)
    %dma_wait3A_55 = tpu.memref_slice %arg2[%add3A_34] : memref<3200000xi32, #tpu.memory_space<hbm>> -> memref<5000xi32, #tpu.memory_space<hbm>>
    %dma_wait3A_56 = tpu.memref_slice %arg2[%add3A_34] : memref<3200000xi32, #tpu.memory_space<hbm>> -> memref<5000xi32, #tpu.memory_space<hbm>>
    tpu.wait_dma2 semaphore(%arg15 : memref<!tpu.dma_semaphore, #tpu.memory_space<semaphore_mem>>) src(%dma_wait3A_56 : memref<5000xi32, #tpu.memory_space<hbm>>) dst(%arg8 : memref<5000xi32, #tpu.memory_space<vmem>>)
    %dma_start3A_57 = arith.constant 0 : i32
    %dma_start3A_58 = tpu.memref_slice %arg12[%dma_start3A_57] : memref<102400xf32, #tpu.memory_space<vmem_shared>> -> memref<102400xf32, #tpu.memory_space<vmem_shared>>
    tpu.enqueue_indirect_dma source(%arg10 : memref<5000xf32, #tpu.memory_space<vmem>>) target(%dma_start3A_58 : memref<102400xf32, #tpu.memory_space<vmem_shared>>) offsets(%arg5 : memref<5000xi32, #tpu.memory_space<vmem>>) semaphore(%arg18 : memref<!tpu.dma_semaphore, #tpu.memory_space<semaphore_mem>>) {add = true}
    %dma_start3A_59 = arith.constant 0 : i32
    %dma_start3A_60 = tpu.memref_slice %arg13[%dma_start3A_59] : memref<102400xf32, #tpu.memory_space<vmem_shared>> -> memref<102400xf32, #tpu.memory_space<vmem_shared>>
    tpu.enqueue_indirect_dma source(%arg10 : memref<5000xf32, #tpu.memory_space<vmem>>) target(%dma_start3A_60 : memref<102400xf32, #tpu.memory_space<vmem_shared>>) offsets(%arg8 : memref<5000xi32, #tpu.memory_space<vmem>>) semaphore(%arg18 : memref<!tpu.dma_semaphore, #tpu.memory_space<semaphore_mem>>) {add = true}
    %dma_wait3A_61 = arith.constant 0 : i32
    %dma_wait3A_62 = tpu.memref_slice %arg12[%dma_wait3A_61] : memref<102400xf32, #tpu.memory_space<vmem_shared>> -> memref<102400xf32, #tpu.memory_space<vmem_shared>>
    tpu.wait_indirect_dma semaphore(%arg17 : memref<!tpu.dma_semaphore, #tpu.memory_space<semaphore_mem>>) src(%arg10 : memref<5000xf32, #tpu.memory_space<vmem>>) dst(%dma_wait3A_62 : memref<102400xf32, #tpu.memory_space<vmem_shared>>)
    %dma_wait3A_63 = arith.constant 0 : i32
    %dma_wait3A_64 = tpu.memref_slice %arg13[%dma_wait3A_63] : memref<102400xf32, #tpu.memory_space<vmem_shared>> -> memref<102400xf32, #tpu.memory_space<vmem_shared>>
    tpu.wait_indirect_dma semaphore(%arg17 : memref<!tpu.dma_semaphore, #tpu.memory_space<semaphore_mem>>) src(%arg10 : memref<5000xf32, #tpu.memory_space<vmem>>) dst(%dma_wait3A_64 : memref<102400xf32, #tpu.memory_space<vmem_shared>>)
    %add3A_65 = arith.constant 15000 : i32
    %add3A_66 = arith.addi %mul3A_20, %add3A_65 : i32
    %multiple_of3A_67 = tpu.assume_multiple %add3A_66, 8 : i32
    %dma_start3A_68 = tpu.memref_slice %arg2[%multiple_of3A_67] : memref<3200000xi32, #tpu.memory_space<hbm>> -> memref<5000xi32, #tpu.memory_space<hbm>>
    %dma_start3A_69 = tpu.memref_slice %arg2[%multiple_of3A_67] : memref<3200000xi32, #tpu.memory_space<hbm>> -> memref<5000xi32, #tpu.memory_space<hbm>>
    tpu.enqueue_dma source(%dma_start3A_69 : memref<5000xi32, #tpu.memory_space<hbm>>) target(%arg4 : memref<5000xi32, #tpu.memory_space<vmem>>) target_semaphore(%arg14 : memref<!tpu.dma_semaphore, #tpu.memory_space<semaphore_mem>>)
    %add3A_70 = arith.constant 1600000 : i32
    %add3A_71 = arith.addi %multiple_of3A_67, %add3A_70 : i32
    %dma_start3A_72 = tpu.memref_slice %arg2[%add3A_71] : memref<3200000xi32, #tpu.memory_space<hbm>> -> memref<5000xi32, #tpu.memory_space<hbm>>
    %dma_start3A_73 = tpu.memref_slice %arg2[%add3A_71] : memref<3200000xi32, #tpu.memory_space<hbm>> -> memref<5000xi32, #tpu.memory_space<hbm>>
    tpu.enqueue_dma source(%dma_start3A_73 : memref<5000xi32, #tpu.memory_space<hbm>>) target(%arg7 : memref<5000xi32, #tpu.memory_space<vmem>>) target_semaphore(%arg14 : memref<!tpu.dma_semaphore, #tpu.memory_space<semaphore_mem>>)
    %dma_wait3A_74 = tpu.memref_slice %arg2[%multiple_of3A_46] : memref<3200000xi32, #tpu.memory_space<hbm>> -> memref<5000xi32, #tpu.memory_space<hbm>>
    %dma_wait3A_75 = tpu.memref_slice %arg2[%multiple_of3A_46] : memref<3200000xi32, #tpu.memory_space<hbm>> -> memref<5000xi32, #tpu.memory_space<hbm>>
    tpu.wait_dma2 semaphore(%arg16 : memref<!tpu.dma_semaphore, #tpu.memory_space<semaphore_mem>>) src(%dma_wait3A_75 : memref<5000xi32, #tpu.memory_space<hbm>>) dst(%arg6 : memref<5000xi32, #tpu.memory_space<vmem>>)
    %dma_wait3A_76 = tpu.memref_slice %arg2[%add3A_50] : memref<3200000xi32, #tpu.memory_space<hbm>> -> memref<5000xi32, #tpu.memory_space<hbm>>
    %dma_wait3A_77 = tpu.memref_slice %arg2[%add3A_50] : memref<3200000xi32, #tpu.memory_space<hbm>> -> memref<5000xi32, #tpu.memory_space<hbm>>
    tpu.wait_dma2 semaphore(%arg16 : memref<!tpu.dma_semaphore, #tpu.memory_space<semaphore_mem>>) src(%dma_wait3A_77 : memref<5000xi32, #tpu.memory_space<hbm>>) dst(%arg9 : memref<5000xi32, #tpu.memory_space<vmem>>)
    %dma_start3A_78 = arith.constant 0 : i32
    %dma_start3A_79 = tpu.memref_slice %arg12[%dma_start3A_78] : memref<102400xf32, #tpu.memory_space<vmem_shared>> -> memref<102400xf32, #tpu.memory_space<vmem_shared>>
    tpu.enqueue_indirect_dma source(%arg10 : memref<5000xf32, #tpu.memory_space<vmem>>) target(%dma_start3A_79 : memref<102400xf32, #tpu.memory_space<vmem_shared>>) offsets(%arg6 : memref<5000xi32, #tpu.memory_space<vmem>>) semaphore(%arg19 : memref<!tpu.dma_semaphore, #tpu.memory_space<semaphore_mem>>) {add = true}
    %dma_start3A_80 = arith.constant 0 : i32
    %dma_start3A_81 = tpu.memref_slice %arg13[%dma_start3A_80] : memref<102400xf32, #tpu.memory_space<vmem_shared>> -> memref<102400xf32, #tpu.memory_space<vmem_shared>>
    tpu.enqueue_indirect_dma source(%arg10 : memref<5000xf32, #tpu.memory_space<vmem>>) target(%dma_start3A_81 : memref<102400xf32, #tpu.memory_space<vmem_shared>>) offsets(%arg9 : memref<5000xi32, #tpu.memory_space<vmem>>) semaphore(%arg19 : memref<!tpu.dma_semaphore, #tpu.memory_space<semaphore_mem>>) {add = true}
    %dma_wait3A_82 = arith.constant 0 : i32
    %dma_wait3A_83 = tpu.memref_slice %arg12[%dma_wait3A_82] : memref<102400xf32, #tpu.memory_space<vmem_shared>> -> memref<102400xf32, #tpu.memory_space<vmem_shared>>
    tpu.wait_indirect_dma semaphore(%arg18 : memref<!tpu.dma_semaphore, #tpu.memory_space<semaphore_mem>>) src(%arg10 : memref<5000xf32, #tpu.memory_space<vmem>>) dst(%dma_wait3A_83 : memref<102400xf32, #tpu.memory_space<vmem_shared>>)
    %dma_wait3A_84 = arith.constant 0 : i32
    %dma_wait3A_85 = tpu.memref_slice %arg13[%dma_wait3A_84] : memref<102400xf32, #tpu.memory_space<vmem_shared>> -> memref<102400xf32, #tpu.memory_space<vmem_shared>>
    tpu.wait_indirect_dma semaphore(%arg18 : memref<!tpu.dma_semaphore, #tpu.memory_space<semaphore_mem>>) src(%arg10 : memref<5000xf32, #tpu.memory_space<vmem>>) dst(%dma_wait3A_85 : memref<102400xf32, #tpu.memory_space<vmem_shared>>)
    %add3A_86 = arith.constant 20000 : i32
    %add3A_87 = arith.addi %mul3A_20, %add3A_86 : i32
    %multiple_of3A_88 = tpu.assume_multiple %add3A_87, 8 : i32
    %dma_start3A_89 = tpu.memref_slice %arg2[%multiple_of3A_88] : memref<3200000xi32, #tpu.memory_space<hbm>> -> memref<5000xi32, #tpu.memory_space<hbm>>
    %dma_start3A_90 = tpu.memref_slice %arg2[%multiple_of3A_88] : memref<3200000xi32, #tpu.memory_space<hbm>> -> memref<5000xi32, #tpu.memory_space<hbm>>
    tpu.enqueue_dma source(%dma_start3A_90 : memref<5000xi32, #tpu.memory_space<hbm>>) target(%arg5 : memref<5000xi32, #tpu.memory_space<vmem>>) target_semaphore(%arg15 : memref<!tpu.dma_semaphore, #tpu.memory_space<semaphore_mem>>)
    %add3A_91 = arith.constant 1600000 : i32
    %add3A_92 = arith.addi %multiple_of3A_88, %add3A_91 : i32
    %dma_start3A_93 = tpu.memref_slice %arg2[%add3A_92] : memref<3200000xi32, #tpu.memory_space<hbm>> -> memref<5000xi32, #tpu.memory_space<hbm>>
    %dma_start3A_94 = tpu.memref_slice %arg2[%add3A_92] : memref<3200000xi32, #tpu.memory_space<hbm>> -> memref<5000xi32, #tpu.memory_space<hbm>>
    tpu.enqueue_dma source(%dma_start3A_94 : memref<5000xi32, #tpu.memory_space<hbm>>) target(%arg8 : memref<5000xi32, #tpu.memory_space<vmem>>) target_semaphore(%arg15 : memref<!tpu.dma_semaphore, #tpu.memory_space<semaphore_mem>>)
    %dma_wait3A_95 = tpu.memref_slice %arg2[%multiple_of3A_67] : memref<3200000xi32, #tpu.memory_space<hbm>> -> memref<5000xi32, #tpu.memory_space<hbm>>
    %dma_wait3A_96 = tpu.memref_slice %arg2[%multiple_of3A_67] : memref<3200000xi32, #tpu.memory_space<hbm>> -> memref<5000xi32, #tpu.memory_space<hbm>>
    tpu.wait_dma2 semaphore(%arg14 : memref<!tpu.dma_semaphore, #tpu.memory_space<semaphore_mem>>) src(%dma_wait3A_96 : memref<5000xi32, #tpu.memory_space<hbm>>) dst(%arg4 : memref<5000xi32, #tpu.memory_space<vmem>>)
    %dma_wait3A_97 = tpu.memref_slice %arg2[%add3A_71] : memref<3200000xi32, #tpu.memory_space<hbm>> -> memref<5000xi32, #tpu.memory_space<hbm>>
    %dma_wait3A_98 = tpu.memref_slice %arg2[%add3A_71] : memref<3200000xi32, #tpu.memory_space<hbm>> -> memref<5000xi32, #tpu.memory_space<hbm>>
    tpu.wait_dma2 semaphore(%arg14 : memref<!tpu.dma_semaphore, #tpu.memory_space<semaphore_mem>>) src(%dma_wait3A_98 : memref<5000xi32, #tpu.memory_space<hbm>>) dst(%arg7 : memref<5000xi32, #tpu.memory_space<vmem>>)
    %dma_start3A_99 = arith.constant 0 : i32
    %dma_start3A_100 = tpu.memref_slice %arg12[%dma_start3A_99] : memref<102400xf32, #tpu.memory_space<vmem_shared>> -> memref<102400xf32, #tpu.memory_space<vmem_shared>>
    tpu.enqueue_indirect_dma source(%arg10 : memref<5000xf32, #tpu.memory_space<vmem>>) target(%dma_start3A_100 : memref<102400xf32, #tpu.memory_space<vmem_shared>>) offsets(%arg4 : memref<5000xi32, #tpu.memory_space<vmem>>) semaphore(%arg17 : memref<!tpu.dma_semaphore, #tpu.memory_space<semaphore_mem>>) {add = true}
    %dma_start3A_101 = arith.constant 0 : i32
    %dma_start3A_102 = tpu.memref_slice %arg13[%dma_start3A_101] : memref<102400xf32, #tpu.memory_space<vmem_shared>> -> memref<102400xf32, #tpu.memory_space<vmem_shared>>
    tpu.enqueue_indirect_dma source(%arg10 : memref<5000xf32, #tpu.memory_space<vmem>>) target(%dma_start3A_102 : memref<102400xf32, #tpu.memory_space<vmem_shared>>) offsets(%arg7 : memref<5000xi32, #tpu.memory_space<vmem>>) semaphore(%arg17 : memref<!tpu.dma_semaphore, #tpu.memory_space<semaphore_mem>>) {add = true}
    %dma_wait3A_103 = arith.constant 0 : i32
    %dma_wait3A_104 = tpu.memref_slice %arg12[%dma_wait3A_103] : memref<102400xf32, #tpu.memory_space<vmem_shared>> -> memref<102400xf32, #tpu.memory_space<vmem_shared>>
    tpu.wait_indirect_dma semaphore(%arg19 : memref<!tpu.dma_semaphore, #tpu.memory_space<semaphore_mem>>) src(%arg10 : memref<5000xf32, #tpu.memory_space<vmem>>) dst(%dma_wait3A_104 : memref<102400xf32, #tpu.memory_space<vmem_shared>>)
    %dma_wait3A_105 = arith.constant 0 : i32
    %dma_wait3A_106 = tpu.memref_slice %arg13[%dma_wait3A_105] : memref<102400xf32, #tpu.memory_space<vmem_shared>> -> memref<102400xf32, #tpu.memory_space<vmem_shared>>
    tpu.wait_indirect_dma semaphore(%arg19 : memref<!tpu.dma_semaphore, #tpu.memory_space<semaphore_mem>>) src(%arg10 : memref<5000xf32, #tpu.memory_space<vmem>>) dst(%dma_wait3A_106 : memref<102400xf32, #tpu.memory_space<vmem_shared>>)
    %add3A_107 = arith.constant 25000 : i32
    %add3A_108 = arith.addi %mul3A_20, %add3A_107 : i32
    %multiple_of3A_109 = tpu.assume_multiple %add3A_108, 8 : i32
    %dma_start3A_110 = tpu.memref_slice %arg2[%multiple_of3A_109] : memref<3200000xi32, #tpu.memory_space<hbm>> -> memref<5000xi32, #tpu.memory_space<hbm>>
    %dma_start3A_111 = tpu.memref_slice %arg2[%multiple_of3A_109] : memref<3200000xi32, #tpu.memory_space<hbm>> -> memref<5000xi32, #tpu.memory_space<hbm>>
    tpu.enqueue_dma source(%dma_start3A_111 : memref<5000xi32, #tpu.memory_space<hbm>>) target(%arg6 : memref<5000xi32, #tpu.memory_space<vmem>>) target_semaphore(%arg16 : memref<!tpu.dma_semaphore, #tpu.memory_space<semaphore_mem>>)
    %add3A_112 = arith.constant 1600000 : i32
    %add3A_113 = arith.addi %multiple_of3A_109, %add3A_112 : i32
    %dma_start3A_114 = tpu.memref_slice %arg2[%add3A_113] : memref<3200000xi32, #tpu.memory_space<hbm>> -> memref<5000xi32, #tpu.memory_space<hbm>>
    %dma_start3A_115 = tpu.memref_slice %arg2[%add3A_113] : memref<3200000xi32, #tpu.memory_space<hbm>> -> memref<5000xi32, #tpu.memory_space<hbm>>
    tpu.enqueue_dma source(%dma_start3A_115 : memref<5000xi32, #tpu.memory_space<hbm>>) target(%arg9 : memref<5000xi32, #tpu.memory_space<vmem>>) target_semaphore(%arg16 : memref<!tpu.dma_semaphore, #tpu.memory_space<semaphore_mem>>)
    %dma_wait3A_116 = tpu.memref_slice %arg2[%multiple_of3A_88] : memref<3200000xi32, #tpu.memory_space<hbm>> -> memref<5000xi32, #tpu.memory_space<hbm>>
    %dma_wait3A_117 = tpu.memref_slice %arg2[%multiple_of3A_88] : memref<3200000xi32, #tpu.memory_space<hbm>> -> memref<5000xi32, #tpu.memory_space<hbm>>
    tpu.wait_dma2 semaphore(%arg15 : memref<!tpu.dma_semaphore, #tpu.memory_space<semaphore_mem>>) src(%dma_wait3A_117 : memref<5000xi32, #tpu.memory_space<hbm>>) dst(%arg5 : memref<5000xi32, #tpu.memory_space<vmem>>)
    %dma_wait3A_118 = tpu.memref_slice %arg2[%add3A_92] : memref<3200000xi32, #tpu.memory_space<hbm>> -> memref<5000xi32, #tpu.memory_space<hbm>>
    %dma_wait3A_119 = tpu.memref_slice %arg2[%add3A_92] : memref<3200000xi32, #tpu.memory_space<hbm>> -> memref<5000xi32, #tpu.memory_space<hbm>>
    tpu.wait_dma2 semaphore(%arg15 : memref<!tpu.dma_semaphore, #tpu.memory_space<semaphore_mem>>) src(%dma_wait3A_119 : memref<5000xi32, #tpu.memory_space<hbm>>) dst(%arg8 : memref<5000xi32, #tpu.memory_space<vmem>>)
    %dma_start3A_120 = arith.constant 0 : i32
    %dma_start3A_121 = tpu.memref_slice %arg12[%dma_start3A_120] : memref<102400xf32, #tpu.memory_space<vmem_shared>> -> memref<102400xf32, #tpu.memory_space<vmem_shared>>
    tpu.enqueue_indirect_dma source(%arg10 : memref<5000xf32, #tpu.memory_space<vmem>>) target(%dma_start3A_121 : memref<102400xf32, #tpu.memory_space<vmem_shared>>) offsets(%arg5 : memref<5000xi32, #tpu.memory_space<vmem>>) semaphore(%arg18 : memref<!tpu.dma_semaphore, #tpu.memory_space<semaphore_mem>>) {add = true}
    %dma_start3A_122 = arith.constant 0 : i32
    %dma_start3A_123 = tpu.memref_slice %arg13[%dma_start3A_122] : memref<102400xf32, #tpu.memory_space<vmem_shared>> -> memref<102400xf32, #tpu.memory_space<vmem_shared>>
    tpu.enqueue_indirect_dma source(%arg10 : memref<5000xf32, #tpu.memory_space<vmem>>) target(%dma_start3A_123 : memref<102400xf32, #tpu.memory_space<vmem_shared>>) offsets(%arg8 : memref<5000xi32, #tpu.memory_space<vmem>>) semaphore(%arg18 : memref<!tpu.dma_semaphore, #tpu.memory_space<semaphore_mem>>) {add = true}
    %dma_wait3A_124 = arith.constant 0 : i32
    %dma_wait3A_125 = tpu.memref_slice %arg12[%dma_wait3A_124] : memref<102400xf32, #tpu.memory_space<vmem_shared>> -> memref<102400xf32, #tpu.memory_space<vmem_shared>>
    tpu.wait_indirect_dma semaphore(%arg17 : memref<!tpu.dma_semaphore, #tpu.memory_space<semaphore_mem>>) src(%arg10 : memref<5000xf32, #tpu.memory_space<vmem>>) dst(%dma_wait3A_125 : memref<102400xf32, #tpu.memory_space<vmem_shared>>)
    %dma_wait3A_126 = arith.constant 0 : i32
    %dma_wait3A_127 = tpu.memref_slice %arg13[%dma_wait3A_126] : memref<102400xf32, #tpu.memory_space<vmem_shared>> -> memref<102400xf32, #tpu.memory_space<vmem_shared>>
    tpu.wait_indirect_dma semaphore(%arg17 : memref<!tpu.dma_semaphore, #tpu.memory_space<semaphore_mem>>) src(%arg10 : memref<5000xf32, #tpu.memory_space<vmem>>) dst(%dma_wait3A_127 : memref<102400xf32, #tpu.memory_space<vmem_shared>>)
    %add3A_128 = arith.constant 30000 : i32
    %add3A_129 = arith.addi %mul3A_20, %add3A_128 : i32
    %multiple_of3A_130 = tpu.assume_multiple %add3A_129, 8 : i32
    %dma_start3A_131 = tpu.memref_slice %arg2[%multiple_of3A_130] : memref<3200000xi32, #tpu.memory_space<hbm>> -> memref<5000xi32, #tpu.memory_space<hbm>>
    %dma_start3A_132 = tpu.memref_slice %arg2[%multiple_of3A_130] : memref<3200000xi32, #tpu.memory_space<hbm>> -> memref<5000xi32, #tpu.memory_space<hbm>>
    tpu.enqueue_dma source(%dma_start3A_132 : memref<5000xi32, #tpu.memory_space<hbm>>) target(%arg4 : memref<5000xi32, #tpu.memory_space<vmem>>) target_semaphore(%arg14 : memref<!tpu.dma_semaphore, #tpu.memory_space<semaphore_mem>>)
    %add3A_133 = arith.constant 1600000 : i32
    %add3A_134 = arith.addi %multiple_of3A_130, %add3A_133 : i32
    %dma_start3A_135 = tpu.memref_slice %arg2[%add3A_134] : memref<3200000xi32, #tpu.memory_space<hbm>> -> memref<5000xi32, #tpu.memory_space<hbm>>
    %dma_start3A_136 = tpu.memref_slice %arg2[%add3A_134] : memref<3200000xi32, #tpu.memory_space<hbm>> -> memref<5000xi32, #tpu.memory_space<hbm>>
    tpu.enqueue_dma source(%dma_start3A_136 : memref<5000xi32, #tpu.memory_space<hbm>>) target(%arg7 : memref<5000xi32, #tpu.memory_space<vmem>>) target_semaphore(%arg14 : memref<!tpu.dma_semaphore, #tpu.memory_space<semaphore_mem>>)
    %dma_wait3A_137 = tpu.memref_slice %arg2[%multiple_of3A_109] : memref<3200000xi32, #tpu.memory_space<hbm>> -> memref<5000xi32, #tpu.memory_space<hbm>>
    %dma_wait3A_138 = tpu.memref_slice %arg2[%multiple_of3A_109] : memref<3200000xi32, #tpu.memory_space<hbm>> -> memref<5000xi32, #tpu.memory_space<hbm>>
    tpu.wait_dma2 semaphore(%arg16 : memref<!tpu.dma_semaphore, #tpu.memory_space<semaphore_mem>>) src(%dma_wait3A_138 : memref<5000xi32, #tpu.memory_space<hbm>>) dst(%arg6 : memref<5000xi32, #tpu.memory_space<vmem>>)
    %dma_wait3A_139 = tpu.memref_slice %arg2[%add3A_113] : memref<3200000xi32, #tpu.memory_space<hbm>> -> memref<5000xi32, #tpu.memory_space<hbm>>
    %dma_wait3A_140 = tpu.memref_slice %arg2[%add3A_113] : memref<3200000xi32, #tpu.memory_space<hbm>> -> memref<5000xi32, #tpu.memory_space<hbm>>
    tpu.wait_dma2 semaphore(%arg16 : memref<!tpu.dma_semaphore, #tpu.memory_space<semaphore_mem>>) src(%dma_wait3A_140 : memref<5000xi32, #tpu.memory_space<hbm>>) dst(%arg9 : memref<5000xi32, #tpu.memory_space<vmem>>)
    %dma_start3A_141 = arith.constant 0 : i32
    %dma_start3A_142 = tpu.memref_slice %arg12[%dma_start3A_141] : memref<102400xf32, #tpu.memory_space<vmem_shared>> -> memref<102400xf32, #tpu.memory_space<vmem_shared>>
    tpu.enqueue_indirect_dma source(%arg10 : memref<5000xf32, #tpu.memory_space<vmem>>) target(%dma_start3A_142 : memref<102400xf32, #tpu.memory_space<vmem_shared>>) offsets(%arg6 : memref<5000xi32, #tpu.memory_space<vmem>>) semaphore(%arg19 : memref<!tpu.dma_semaphore, #tpu.memory_space<semaphore_mem>>) {add = true}
    %dma_start3A_143 = arith.constant 0 : i32
    %dma_start3A_144 = tpu.memref_slice %arg13[%dma_start3A_143] : memref<102400xf32, #tpu.memory_space<vmem_shared>> -> memref<102400xf32, #tpu.memory_space<vmem_shared>>
    tpu.enqueue_indirect_dma source(%arg10 : memref<5000xf32, #tpu.memory_space<vmem>>) target(%dma_start3A_144 : memref<102400xf32, #tpu.memory_space<vmem_shared>>) offsets(%arg9 : memref<5000xi32, #tpu.memory_space<vmem>>) semaphore(%arg19 : memref<!tpu.dma_semaphore, #tpu.memory_space<semaphore_mem>>) {add = true}
    %dma_wait3A_145 = arith.constant 0 : i32
    %dma_wait3A_146 = tpu.memref_slice %arg12[%dma_wait3A_145] : memref<102400xf32, #tpu.memory_space<vmem_shared>> -> memref<102400xf32, #tpu.memory_space<vmem_shared>>
    tpu.wait_indirect_dma semaphore(%arg18 : memref<!tpu.dma_semaphore, #tpu.memory_space<semaphore_mem>>) src(%arg10 : memref<5000xf32, #tpu.memory_space<vmem>>) dst(%dma_wait3A_146 : memref<102400xf32, #tpu.memory_space<vmem_shared>>)
    %dma_wait3A_147 = arith.constant 0 : i32
    %dma_wait3A_148 = tpu.memref_slice %arg13[%dma_wait3A_147] : memref<102400xf32, #tpu.memory_space<vmem_shared>> -> memref<102400xf32, #tpu.memory_space<vmem_shared>>
    tpu.wait_indirect_dma semaphore(%arg18 : memref<!tpu.dma_semaphore, #tpu.memory_space<semaphore_mem>>) src(%arg10 : memref<5000xf32, #tpu.memory_space<vmem>>) dst(%dma_wait3A_148 : memref<102400xf32, #tpu.memory_space<vmem_shared>>)
    %add3A_149 = arith.constant 35000 : i32
    %add3A_150 = arith.addi %mul3A_20, %add3A_149 : i32
    %multiple_of3A_151 = tpu.assume_multiple %add3A_150, 8 : i32
    %dma_start3A_152 = tpu.memref_slice %arg2[%multiple_of3A_151] : memref<3200000xi32, #tpu.memory_space<hbm>> -> memref<5000xi32, #tpu.memory_space<hbm>>
    %dma_start3A_153 = tpu.memref_slice %arg2[%multiple_of3A_151] : memref<3200000xi32, #tpu.memory_space<hbm>> -> memref<5000xi32, #tpu.memory_space<hbm>>
    tpu.enqueue_dma source(%dma_start3A_153 : memref<5000xi32, #tpu.memory_space<hbm>>) target(%arg5 : memref<5000xi32, #tpu.memory_space<vmem>>) target_semaphore(%arg15 : memref<!tpu.dma_semaphore, #tpu.memory_space<semaphore_mem>>)
    %add3A_154 = arith.constant 1600000 : i32
    %add3A_155 = arith.addi %multiple_of3A_151, %add3A_154 : i32
    %dma_start3A_156 = tpu.memref_slice %arg2[%add3A_155] : memref<3200000xi32, #tpu.memory_space<hbm>> -> memref<5000xi32, #tpu.memory_space<hbm>>
    %dma_start3A_157 = tpu.memref_slice %arg2[%add3A_155] : memref<3200000xi32, #tpu.memory_space<hbm>> -> memref<5000xi32, #tpu.memory_space<hbm>>
    tpu.enqueue_dma source(%dma_start3A_157 : memref<5000xi32, #tpu.memory_space<hbm>>) target(%arg8 : memref<5000xi32, #tpu.memory_space<vmem>>) target_semaphore(%arg15 : memref<!tpu.dma_semaphore, #tpu.memory_space<semaphore_mem>>)
    %dma_wait3A_158 = tpu.memref_slice %arg2[%multiple_of3A_130] : memref<3200000xi32, #tpu.memory_space<hbm>> -> memref<5000xi32, #tpu.memory_space<hbm>>
    %dma_wait3A_159 = tpu.memref_slice %arg2[%multiple_of3A_130] : memref<3200000xi32, #tpu.memory_space<hbm>> -> memref<5000xi32, #tpu.memory_space<hbm>>
    tpu.wait_dma2 semaphore(%arg14 : memref<!tpu.dma_semaphore, #tpu.memory_space<semaphore_mem>>) src(%dma_wait3A_159 : memref<5000xi32, #tpu.memory_space<hbm>>) dst(%arg4 : memref<5000xi32, #tpu.memory_space<vmem>>)
    %dma_wait3A_160 = tpu.memref_slice %arg2[%add3A_134] : memref<3200000xi32, #tpu.memory_space<hbm>> -> memref<5000xi32, #tpu.memory_space<hbm>>
    %dma_wait3A_161 = tpu.memref_slice %arg2[%add3A_134] : memref<3200000xi32, #tpu.memory_space<hbm>> -> memref<5000xi32, #tpu.memory_space<hbm>>
    tpu.wait_dma2 semaphore(%arg14 : memref<!tpu.dma_semaphore, #tpu.memory_space<semaphore_mem>>) src(%dma_wait3A_161 : memref<5000xi32, #tpu.memory_space<hbm>>) dst(%arg7 : memref<5000xi32, #tpu.memory_space<vmem>>)
    %dma_start3A_162 = arith.constant 0 : i32
    %dma_start3A_163 = tpu.memref_slice %arg12[%dma_start3A_162] : memref<102400xf32, #tpu.memory_space<vmem_shared>> -> memref<102400xf32, #tpu.memory_space<vmem_shared>>
    tpu.enqueue_indirect_dma source(%arg10 : memref<5000xf32, #tpu.memory_space<vmem>>) target(%dma_start3A_163 : memref<102400xf32, #tpu.memory_space<vmem_shared>>) offsets(%arg4 : memref<5000xi32, #tpu.memory_space<vmem>>) semaphore(%arg17 : memref<!tpu.dma_semaphore, #tpu.memory_space<semaphore_mem>>) {add = true}
    %dma_start3A_164 = arith.constant 0 : i32
    %dma_start3A_165 = tpu.memref_slice %arg13[%dma_start3A_164] : memref<102400xf32, #tpu.memory_space<vmem_shared>> -> memref<102400xf32, #tpu.memory_space<vmem_shared>>
    tpu.enqueue_indirect_dma source(%arg10 : memref<5000xf32, #tpu.memory_space<vmem>>) target(%dma_start3A_165 : memref<102400xf32, #tpu.memory_space<vmem_shared>>) offsets(%arg7 : memref<5000xi32, #tpu.memory_space<vmem>>) semaphore(%arg17 : memref<!tpu.dma_semaphore, #tpu.memory_space<semaphore_mem>>) {add = true}
    %dma_wait3A_166 = arith.constant 0 : i32
    %dma_wait3A_167 = tpu.memref_slice %arg12[%dma_wait3A_166] : memref<102400xf32, #tpu.memory_space<vmem_shared>> -> memref<102400xf32, #tpu.memory_space<vmem_shared>>
    tpu.wait_indirect_dma semaphore(%arg19 : memref<!tpu.dma_semaphore, #tpu.memory_space<semaphore_mem>>) src(%arg10 : memref<5000xf32, #tpu.memory_space<vmem>>) dst(%dma_wait3A_167 : memref<102400xf32, #tpu.memory_space<vmem_shared>>)
    %dma_wait3A_168 = arith.constant 0 : i32
    %dma_wait3A_169 = tpu.memref_slice %arg13[%dma_wait3A_168] : memref<102400xf32, #tpu.memory_space<vmem_shared>> -> memref<102400xf32, #tpu.memory_space<vmem_shared>>
    tpu.wait_indirect_dma semaphore(%arg19 : memref<!tpu.dma_semaphore, #tpu.memory_space<semaphore_mem>>) src(%arg10 : memref<5000xf32, #tpu.memory_space<vmem>>) dst(%dma_wait3A_169 : memref<102400xf32, #tpu.memory_space<vmem_shared>>)
    %add3A_170 = arith.constant 40000 : i32
    %add3A_171 = arith.addi %mul3A_20, %add3A_170 : i32
    %multiple_of3A_172 = tpu.assume_multiple %add3A_171, 8 : i32
    %dma_start3A_173 = tpu.memref_slice %arg2[%multiple_of3A_172] : memref<3200000xi32, #tpu.memory_space<hbm>> -> memref<5000xi32, #tpu.memory_space<hbm>>
    %dma_start3A_174 = tpu.memref_slice %arg2[%multiple_of3A_172] : memref<3200000xi32, #tpu.memory_space<hbm>> -> memref<5000xi32, #tpu.memory_space<hbm>>
    tpu.enqueue_dma source(%dma_start3A_174 : memref<5000xi32, #tpu.memory_space<hbm>>) target(%arg6 : memref<5000xi32, #tpu.memory_space<vmem>>) target_semaphore(%arg16 : memref<!tpu.dma_semaphore, #tpu.memory_space<semaphore_mem>>)
    %add3A_175 = arith.constant 1600000 : i32
    %add3A_176 = arith.addi %multiple_of3A_172, %add3A_175 : i32
    %dma_start3A_177 = tpu.memref_slice %arg2[%add3A_176] : memref<3200000xi32, #tpu.memory_space<hbm>> -> memref<5000xi32, #tpu.memory_space<hbm>>
    %dma_start3A_178 = tpu.memref_slice %arg2[%add3A_176] : memref<3200000xi32, #tpu.memory_space<hbm>> -> memref<5000xi32, #tpu.memory_space<hbm>>
    tpu.enqueue_dma source(%dma_start3A_178 : memref<5000xi32, #tpu.memory_space<hbm>>) target(%arg9 : memref<5000xi32, #tpu.memory_space<vmem>>) target_semaphore(%arg16 : memref<!tpu.dma_semaphore, #tpu.memory_space<semaphore_mem>>)
    %dma_wait3A_179 = tpu.memref_slice %arg2[%multiple_of3A_151] : memref<3200000xi32, #tpu.memory_space<hbm>> -> memref<5000xi32, #tpu.memory_space<hbm>>
    %dma_wait3A_180 = tpu.memref_slice %arg2[%multiple_of3A_151] : memref<3200000xi32, #tpu.memory_space<hbm>> -> memref<5000xi32, #tpu.memory_space<hbm>>
    tpu.wait_dma2 semaphore(%arg15 : memref<!tpu.dma_semaphore, #tpu.memory_space<semaphore_mem>>) src(%dma_wait3A_180 : memref<5000xi32, #tpu.memory_space<hbm>>) dst(%arg5 : memref<5000xi32, #tpu.memory_space<vmem>>)
    %dma_wait3A_181 = tpu.memref_slice %arg2[%add3A_155] : memref<3200000xi32, #tpu.memory_space<hbm>> -> memref<5000xi32, #tpu.memory_space<hbm>>
    %dma_wait3A_182 = tpu.memref_slice %arg2[%add3A_155] : memref<3200000xi32, #tpu.memory_space<hbm>> -> memref<5000xi32, #tpu.memory_space<hbm>>
    tpu.wait_dma2 semaphore(%arg15 : memref<!tpu.dma_semaphore, #tpu.memory_space<semaphore_mem>>) src(%dma_wait3A_182 : memref<5000xi32, #tpu.memory_space<hbm>>) dst(%arg8 : memref<5000xi32, #tpu.memory_space<vmem>>)
    %dma_start3A_183 = arith.constant 0 : i32
    %dma_start3A_184 = tpu.memref_slice %arg12[%dma_start3A_183] : memref<102400xf32, #tpu.memory_space<vmem_shared>> -> memref<102400xf32, #tpu.memory_space<vmem_shared>>
    tpu.enqueue_indirect_dma source(%arg10 : memref<5000xf32, #tpu.memory_space<vmem>>) target(%dma_start3A_184 : memref<102400xf32, #tpu.memory_space<vmem_shared>>) offsets(%arg5 : memref<5000xi32, #tpu.memory_space<vmem>>) semaphore(%arg18 : memref<!tpu.dma_semaphore, #tpu.memory_space<semaphore_mem>>) {add = true}
    %dma_start3A_185 = arith.constant 0 : i32
    %dma_start3A_186 = tpu.memref_slice %arg13[%dma_start3A_185] : memref<102400xf32, #tpu.memory_space<vmem_shared>> -> memref<102400xf32, #tpu.memory_space<vmem_shared>>
    tpu.enqueue_indirect_dma source(%arg10 : memref<5000xf32, #tpu.memory_space<vmem>>) target(%dma_start3A_186 : memref<102400xf32, #tpu.memory_space<vmem_shared>>) offsets(%arg8 : memref<5000xi32, #tpu.memory_space<vmem>>) semaphore(%arg18 : memref<!tpu.dma_semaphore, #tpu.memory_space<semaphore_mem>>) {add = true}
    %dma_wait3A_187 = arith.constant 0 : i32
    %dma_wait3A_188 = tpu.memref_slice %arg12[%dma_wait3A_187] : memref<102400xf32, #tpu.memory_space<vmem_shared>> -> memref<102400xf32, #tpu.memory_space<vmem_shared>>
    tpu.wait_indirect_dma semaphore(%arg17 : memref<!tpu.dma_semaphore, #tpu.memory_space<semaphore_mem>>) src(%arg10 : memref<5000xf32, #tpu.memory_space<vmem>>) dst(%dma_wait3A_188 : memref<102400xf32, #tpu.memory_space<vmem_shared>>)
    %dma_wait3A_189 = arith.constant 0 : i32
    %dma_wait3A_190 = tpu.memref_slice %arg13[%dma_wait3A_189] : memref<102400xf32, #tpu.memory_space<vmem_shared>> -> memref<102400xf32, #tpu.memory_space<vmem_shared>>
    tpu.wait_indirect_dma semaphore(%arg17 : memref<!tpu.dma_semaphore, #tpu.memory_space<semaphore_mem>>) src(%arg10 : memref<5000xf32, #tpu.memory_space<vmem>>) dst(%dma_wait3A_190 : memref<102400xf32, #tpu.memory_space<vmem_shared>>)
    %add3A_191 = arith.constant 45000 : i32
    %add3A_192 = arith.addi %mul3A_20, %add3A_191 : i32
    %multiple_of3A_193 = tpu.assume_multiple %add3A_192, 8 : i32
    %dma_start3A_194 = tpu.memref_slice %arg2[%multiple_of3A_193] : memref<3200000xi32, #tpu.memory_space<hbm>> -> memref<5000xi32, #tpu.memory_space<hbm>>
    %dma_start3A_195 = tpu.memref_slice %arg2[%multiple_of3A_193] : memref<3200000xi32, #tpu.memory_space<hbm>> -> memref<5000xi32, #tpu.memory_space<hbm>>
    tpu.enqueue_dma source(%dma_start3A_195 : memref<5000xi32, #tpu.memory_space<hbm>>) target(%arg4 : memref<5000xi32, #tpu.memory_space<vmem>>) target_semaphore(%arg14 : memref<!tpu.dma_semaphore, #tpu.memory_space<semaphore_mem>>)
    %add3A_196 = arith.constant 1600000 : i32
    %add3A_197 = arith.addi %multiple_of3A_193, %add3A_196 : i32
    %dma_start3A_198 = tpu.memref_slice %arg2[%add3A_197] : memref<3200000xi32, #tpu.memory_space<hbm>> -> memref<5000xi32, #tpu.memory_space<hbm>>
    %dma_start3A_199 = tpu.memref_slice %arg2[%add3A_197] : memref<3200000xi32, #tpu.memory_space<hbm>> -> memref<5000xi32, #tpu.memory_space<hbm>>
    tpu.enqueue_dma source(%dma_start3A_199 : memref<5000xi32, #tpu.memory_space<hbm>>) target(%arg7 : memref<5000xi32, #tpu.memory_space<vmem>>) target_semaphore(%arg14 : memref<!tpu.dma_semaphore, #tpu.memory_space<semaphore_mem>>)
    %dma_wait3A_200 = tpu.memref_slice %arg2[%multiple_of3A_172] : memref<3200000xi32, #tpu.memory_space<hbm>> -> memref<5000xi32, #tpu.memory_space<hbm>>
    %dma_wait3A_201 = tpu.memref_slice %arg2[%multiple_of3A_172] : memref<3200000xi32, #tpu.memory_space<hbm>> -> memref<5000xi32, #tpu.memory_space<hbm>>
    tpu.wait_dma2 semaphore(%arg16 : memref<!tpu.dma_semaphore, #tpu.memory_space<semaphore_mem>>) src(%dma_wait3A_201 : memref<5000xi32, #tpu.memory_space<hbm>>) dst(%arg6 : memref<5000xi32, #tpu.memory_space<vmem>>)
    %dma_wait3A_202 = tpu.memref_slice %arg2[%add3A_176] : memref<3200000xi32, #tpu.memory_space<hbm>> -> memref<5000xi32, #tpu.memory_space<hbm>>
    %dma_wait3A_203 = tpu.memref_slice %arg2[%add3A_176] : memref<3200000xi32, #tpu.memory_space<hbm>> -> memref<5000xi32, #tpu.memory_space<hbm>>
    tpu.wait_dma2 semaphore(%arg16 : memref<!tpu.dma_semaphore, #tpu.memory_space<semaphore_mem>>) src(%dma_wait3A_203 : memref<5000xi32, #tpu.memory_space<hbm>>) dst(%arg9 : memref<5000xi32, #tpu.memory_space<vmem>>)
    %dma_start3A_204 = arith.constant 0 : i32
    %dma_start3A_205 = tpu.memref_slice %arg12[%dma_start3A_204] : memref<102400xf32, #tpu.memory_space<vmem_shared>> -> memref<102400xf32, #tpu.memory_space<vmem_shared>>
    tpu.enqueue_indirect_dma source(%arg10 : memref<5000xf32, #tpu.memory_space<vmem>>) target(%dma_start3A_205 : memref<102400xf32, #tpu.memory_space<vmem_shared>>) offsets(%arg6 : memref<5000xi32, #tpu.memory_space<vmem>>) semaphore(%arg19 : memref<!tpu.dma_semaphore, #tpu.memory_space<semaphore_mem>>) {add = true}
    %dma_start3A_206 = arith.constant 0 : i32
    %dma_start3A_207 = tpu.memref_slice %arg13[%dma_start3A_206] : memref<102400xf32, #tpu.memory_space<vmem_shared>> -> memref<102400xf32, #tpu.memory_space<vmem_shared>>
    tpu.enqueue_indirect_dma source(%arg10 : memref<5000xf32, #tpu.memory_space<vmem>>) target(%dma_start3A_207 : memref<102400xf32, #tpu.memory_space<vmem_shared>>) offsets(%arg9 : memref<5000xi32, #tpu.memory_space<vmem>>) semaphore(%arg19 : memref<!tpu.dma_semaphore, #tpu.memory_space<semaphore_mem>>) {add = true}
    %dma_wait3A_208 = arith.constant 0 : i32
    %dma_wait3A_209 = tpu.memref_slice %arg12[%dma_wait3A_208] : memref<102400xf32, #tpu.memory_space<vmem_shared>> -> memref<102400xf32, #tpu.memory_space<vmem_shared>>
    tpu.wait_indirect_dma semaphore(%arg18 : memref<!tpu.dma_semaphore, #tpu.memory_space<semaphore_mem>>) src(%arg10 : memref<5000xf32, #tpu.memory_space<vmem>>) dst(%dma_wait3A_209 : memref<102400xf32, #tpu.memory_space<vmem_shared>>)
    %dma_wait3A_210 = arith.constant 0 : i32
    %dma_wait3A_211 = tpu.memref_slice %arg13[%dma_wait3A_210] : memref<102400xf32, #tpu.memory_space<vmem_shared>> -> memref<102400xf32, #tpu.memory_space<vmem_shared>>
    tpu.wait_indirect_dma semaphore(%arg18 : memref<!tpu.dma_semaphore, #tpu.memory_space<semaphore_mem>>) src(%arg10 : memref<5000xf32, #tpu.memory_space<vmem>>) dst(%dma_wait3A_211 : memref<102400xf32, #tpu.memory_space<vmem_shared>>)
    %dma_wait3A_212 = tpu.memref_slice %arg2[%multiple_of3A_193] : memref<3200000xi32, #tpu.memory_space<hbm>> -> memref<5000xi32, #tpu.memory_space<hbm>>
    %dma_wait3A_213 = tpu.memref_slice %arg2[%multiple_of3A_193] : memref<3200000xi32, #tpu.memory_space<hbm>> -> memref<5000xi32, #tpu.memory_space<hbm>>
    tpu.wait_dma2 semaphore(%arg14 : memref<!tpu.dma_semaphore, #tpu.memory_space<semaphore_mem>>) src(%dma_wait3A_213 : memref<5000xi32, #tpu.memory_space<hbm>>) dst(%arg4 : memref<5000xi32, #tpu.memory_space<vmem>>)
    %dma_wait3A_214 = tpu.memref_slice %arg2[%add3A_197] : memref<3200000xi32, #tpu.memory_space<hbm>> -> memref<5000xi32, #tpu.memory_space<hbm>>
    %dma_wait3A_215 = tpu.memref_slice %arg2[%add3A_197] : memref<3200000xi32, #tpu.memory_space<hbm>> -> memref<5000xi32, #tpu.memory_space<hbm>>
    tpu.wait_dma2 semaphore(%arg14 : memref<!tpu.dma_semaphore, #tpu.memory_space<semaphore_mem>>) src(%dma_wait3A_215 : memref<5000xi32, #tpu.memory_space<hbm>>) dst(%arg7 : memref<5000xi32, #tpu.memory_space<vmem>>)
    %dma_start3A_216 = arith.constant 0 : i32
    %dma_start3A_217 = tpu.memref_slice %arg12[%dma_start3A_216] : memref<102400xf32, #tpu.memory_space<vmem_shared>> -> memref<102400xf32, #tpu.memory_space<vmem_shared>>
    tpu.enqueue_indirect_dma source(%arg10 : memref<5000xf32, #tpu.memory_space<vmem>>) target(%dma_start3A_217 : memref<102400xf32, #tpu.memory_space<vmem_shared>>) offsets(%arg4 : memref<5000xi32, #tpu.memory_space<vmem>>) semaphore(%arg17 : memref<!tpu.dma_semaphore, #tpu.memory_space<semaphore_mem>>) {add = true}
    %dma_start3A_218 = arith.constant 0 : i32
    %dma_start3A_219 = tpu.memref_slice %arg13[%dma_start3A_218] : memref<102400xf32, #tpu.memory_space<vmem_shared>> -> memref<102400xf32, #tpu.memory_space<vmem_shared>>
    tpu.enqueue_indirect_dma source(%arg10 : memref<5000xf32, #tpu.memory_space<vmem>>) target(%dma_start3A_219 : memref<102400xf32, #tpu.memory_space<vmem_shared>>) offsets(%arg7 : memref<5000xi32, #tpu.memory_space<vmem>>) semaphore(%arg17 : memref<!tpu.dma_semaphore, #tpu.memory_space<semaphore_mem>>) {add = true}
    %dma_wait3A_220 = arith.constant 0 : i32
    %dma_wait3A_221 = tpu.memref_slice %arg12[%dma_wait3A_220] : memref<102400xf32, #tpu.memory_space<vmem_shared>> -> memref<102400xf32, #tpu.memory_space<vmem_shared>>
    tpu.wait_indirect_dma semaphore(%arg19 : memref<!tpu.dma_semaphore, #tpu.memory_space<semaphore_mem>>) src(%arg10 : memref<5000xf32, #tpu.memory_space<vmem>>) dst(%dma_wait3A_221 : memref<102400xf32, #tpu.memory_space<vmem_shared>>)
    %dma_wait3A_222 = arith.constant 0 : i32
    %dma_wait3A_223 = tpu.memref_slice %arg13[%dma_wait3A_222] : memref<102400xf32, #tpu.memory_space<vmem_shared>> -> memref<102400xf32, #tpu.memory_space<vmem_shared>>
    tpu.wait_indirect_dma semaphore(%arg19 : memref<!tpu.dma_semaphore, #tpu.memory_space<semaphore_mem>>) src(%arg10 : memref<5000xf32, #tpu.memory_space<vmem>>) dst(%dma_wait3A_223 : memref<102400xf32, #tpu.memory_space<vmem_shared>>)
    %dma_wait3A_224 = arith.constant 0 : i32
    %dma_wait3A_225 = tpu.memref_slice %arg12[%dma_wait3A_224] : memref<102400xf32, #tpu.memory_space<vmem_shared>> -> memref<102400xf32, #tpu.memory_space<vmem_shared>>
    tpu.wait_indirect_dma semaphore(%arg17 : memref<!tpu.dma_semaphore, #tpu.memory_space<semaphore_mem>>) src(%arg10 : memref<5000xf32, #tpu.memory_space<vmem>>) dst(%dma_wait3A_225 : memref<102400xf32, #tpu.memory_space<vmem_shared>>)
    %dma_wait3A_226 = arith.constant 0 : i32
    %dma_wait3A_227 = tpu.memref_slice %arg13[%dma_wait3A_226] : memref<102400xf32, #tpu.memory_space<vmem_shared>> -> memref<102400xf32, #tpu.memory_space<vmem_shared>>
    tpu.wait_indirect_dma semaphore(%arg17 : memref<!tpu.dma_semaphore, #tpu.memory_space<semaphore_mem>>) src(%arg10 : memref<5000xf32, #tpu.memory_space<vmem>>) dst(%dma_wait3A_227 : memref<102400xf32, #tpu.memory_space<vmem_shared>>)
    %barrier3A_228 = arith.constant 0 : index
    tpu.barrier barrier_id(%barrier3A_228)
    %mul3A_229 = arith.constant 2 : i32
    %mul3A_230 = arith.muli %arg0, %mul3A_229 : i32
    %mul3A_231 = arith.constant 102400 : i32
    %mul3A_232 = arith.muli %mul3A_230, %mul3A_231 : i32
    %mul3A_233 = arith.constant 6400 : i32
    %mul3A_234 = arith.muli %arg1, %mul3A_233 : i32
    %add3A_235 = arith.addi %mul3A_232, %mul3A_234 : i32
    %multiple_of3A_236 = tpu.assume_multiple %add3A_235, 8 : i32
    "tpu.region"() ({
      %run_scoped3A = tpu.sem_alloc : memref<!tpu.dma_semaphore, #tpu.memory_space<semaphore_mem>>
      %dma_start3A_239 = tpu.memref_slice %arg3[%multiple_of3A_236] : memref<409600xf32, #tpu.memory_space<hbm>> -> memref<6400xf32, #tpu.memory_space<hbm>>
      %dma_start3A_240 = tpu.memref_slice %arg12[%mul3A_16] : memref<102400xf32, #tpu.memory_space<vmem_shared>> -> memref<6400xf32, #tpu.memory_space<vmem_shared>>
      tpu.enqueue_dma source(%dma_start3A_240 : memref<6400xf32, #tpu.memory_space<vmem_shared>>) target(%dma_start3A_239 : memref<6400xf32, #tpu.memory_space<hbm>>) target_semaphore(%run_scoped3A : memref<!tpu.dma_semaphore, #tpu.memory_space<semaphore_mem>>)
      %dma_wait3A_241 = tpu.memref_slice %arg3[%multiple_of3A_236] : memref<409600xf32, #tpu.memory_space<hbm>> -> memref<6400xf32, #tpu.memory_space<hbm>>
      %dma_wait3A_242 = tpu.memref_slice %arg12[%mul3A_16] : memref<102400xf32, #tpu.memory_space<vmem_shared>> -> memref<6400xf32, #tpu.memory_space<vmem_shared>>
      tpu.wait_dma2 semaphore(%run_scoped3A : memref<!tpu.dma_semaphore, #tpu.memory_space<semaphore_mem>>) src(%dma_wait3A_242 : memref<6400xf32, #tpu.memory_space<vmem_shared>>) dst(%dma_wait3A_241 : memref<6400xf32, #tpu.memory_space<hbm>>)
      tpu.yield
    }) : () -> ()
    %add3A_237 = arith.constant 102400 : i32
    %add3A_238 = arith.addi %multiple_of3A_236, %add3A_237 : i32
    "tpu.region"() ({
      %run_scoped3A = tpu.sem_alloc : memref<!tpu.dma_semaphore, #tpu.memory_space<semaphore_mem>>
      %dma_start3A_239 = tpu.memref_slice %arg3[%add3A_238] : memref<409600xf32, #tpu.memory_space<hbm>> -> memref<6400xf32, #tpu.memory_space<hbm>>
      %dma_start3A_240 = tpu.memref_slice %arg13[%mul3A_16] : memref<102400xf32, #tpu.memory_space<vmem_shared>> -> memref<6400xf32, #tpu.memory_space<vmem_shared>>
      tpu.enqueue_dma source(%dma_start3A_240 : memref<6400xf32, #tpu.memory_space<vmem_shared>>) target(%dma_start3A_239 : memref<6400xf32, #tpu.memory_space<hbm>>) target_semaphore(%run_scoped3A : memref<!tpu.dma_semaphore, #tpu.memory_space<semaphore_mem>>)
      %dma_wait3A_241 = tpu.memref_slice %arg3[%add3A_238] : memref<409600xf32, #tpu.memory_space<hbm>> -> memref<6400xf32, #tpu.memory_space<hbm>>
      %dma_wait3A_242 = tpu.memref_slice %arg13[%mul3A_16] : memref<102400xf32, #tpu.memory_space<vmem_shared>> -> memref<6400xf32, #tpu.memory_space<vmem_shared>>
      tpu.wait_dma2 semaphore(%run_scoped3A : memref<!tpu.dma_semaphore, #tpu.memory_space<semaphore_mem>>) src(%dma_wait3A_242 : memref<6400xf32, #tpu.memory_space<vmem_shared>>) dst(%dma_wait3A_241 : memref<6400xf32, #tpu.memory_space<hbm>>)
      tpu.yield
    }) : () -> ()
    return
  }
}

module attributes {stable_mosaic.version = 14 : i64} {
  func.func @body(%arg0: memref<3x102400xf32, #tpu.memory_space<vmem>>, %arg1: memref<4x102400xf32, #tpu.memory_space<vmem>>, %arg2: memref<1x102400xf32, #tpu.memory_space<vmem>>, %arg3: memref<1x102400xf32, #tpu.memory_space<vmem>>, %arg4: memref<1x102400xf32, #tpu.memory_space<vmem>>) attributes {dimension_semantics = [], scalar_prefetch = 0 : i64, scratch_operands = 0 : i64, tpu.core_type = #tpu.core_type<tc>} {
    %get3A = arith.constant 0 : index
    %get3A_0 = arith.constant 0 : index
    %get3A_1 = vector.load %arg1[%get3A, %get3A_0] : memref<4x102400xf32, #tpu.memory_space<vmem>>, vector<1x102400xf32>
    %get3A_2 = arith.constant 2 : index
    %get3A_3 = arith.constant 0 : index
    %get3A_4 = vector.load %arg1[%get3A_2, %get3A_3] : memref<4x102400xf32, #tpu.memory_space<vmem>>, vector<1x102400xf32>
    %add3A = arith.addf %get3A_1, %get3A_4 : vector<1x102400xf32>
    %max3A = arith.constant 1.000000e+00 : f32
    %max3A_5 = vector.broadcast %max3A : f32 to vector<1x102400xf32>
    %max3A_6 = arith.maximumf %add3A, %max3A_5 : vector<1x102400xf32>
    %rsqrt3A = math.rsqrt %max3A_6 : vector<1x102400xf32>
    %get3A_7 = arith.constant 0 : index
    %get3A_8 = arith.constant 0 : index
    %get3A_9 = vector.load %arg0[%get3A_7, %get3A_8] : memref<3x102400xf32, #tpu.memory_space<vmem>>, vector<3x102400xf32>
    %mul3A = vector.broadcast %rsqrt3A : vector<1x102400xf32> to vector<3x102400xf32>
    %mul3A_10 = arith.mulf %get3A_9, %mul3A : vector<3x102400xf32>
    %slice3A = vector.extract_strided_slice %mul3A_10 {offsets = [0, 0], sizes = [1, 102400], strides = [1, 1]} : vector<3x102400xf32> to vector<1x102400xf32>
    %swap3A = arith.constant 0 : index
    %swap3A_11 = arith.constant 0 : index
    %swap3A_12 = vector.load %arg2[%swap3A, %swap3A_11] : memref<1x102400xf32, #tpu.memory_space<vmem>>, vector<1x102400xf32>
    tpu.vector_store %arg2[%swap3A, %swap3A_11], %slice3A {strides = array<i32>} : memref<1x102400xf32, #tpu.memory_space<vmem>>, vector<1x102400xf32>,
    %slice3A_13 = vector.extract_strided_slice %mul3A_10 {offsets = [1, 0], sizes = [1, 102400], strides = [1, 1]} : vector<3x102400xf32> to vector<1x102400xf32>
    %swap3A_14 = arith.constant 0 : index
    %swap3A_15 = arith.constant 0 : index
    %swap3A_16 = vector.load %arg3[%swap3A_14, %swap3A_15] : memref<1x102400xf32, #tpu.memory_space<vmem>>, vector<1x102400xf32>
    tpu.vector_store %arg3[%swap3A_14, %swap3A_15], %slice3A_13 {strides = array<i32>} : memref<1x102400xf32, #tpu.memory_space<vmem>>, vector<1x102400xf32>,
    %slice3A_17 = vector.extract_strided_slice %mul3A_10 {offsets = [2, 0], sizes = [1, 102400], strides = [1, 1]} : vector<3x102400xf32> to vector<1x102400xf32>
    %swap3A_18 = arith.constant 0 : index
    %swap3A_19 = arith.constant 0 : index
    %swap3A_20 = vector.load %arg4[%swap3A_18, %swap3A_19] : memref<1x102400xf32, #tpu.memory_space<vmem>>, vector<1x102400xf32>
    tpu.vector_store %arg4[%swap3A_18, %swap3A_19], %slice3A_17 {strides = array<i32>} : memref<1x102400xf32, #tpu.memory_space<vmem>>, vector<1x102400xf32>,
    return
  }
}

module attributes {stable_mosaic.version = 14 : i64} {
  func.func @body(%arg0: i32, %arg1: memref<2x3x10240xf32, #tpu.memory_space<vmem>>, %arg2: memref<2x1x10240xf32, #tpu.memory_space<vmem>>, %arg3: memref<64x3xf32, #tpu.memory_space<vmem>>, %arg4: memref<64x1xf32, #tpu.memory_space<vmem>>, %arg5: memref<64x10240xf32, #tpu.memory_space<vmem>>, %arg6: memref<1x1xf32, #tpu.memory_space<vmem>>, %arg7: memref<10x8x128xf32, #tpu.memory_space<vmem>>) attributes {dimension_semantics = [#tpu.dimension_semantics<arbitrary>], iteration_bounds = array<i64: 10>, scalar_prefetch = 0 : i64, scratch_operands = 0 : i64, tpu.core_type = #tpu.core_type<tc>, window_params = [{transform_indices = @transform_0, window_bounds = array<i64: 2, 3, 10240>}, {transform_indices = @transform_1, window_bounds = array<i64: 2, 1, 10240>}, {pipeline_mode = #tpu.pipeline_mode<synchronous>, transform_indices = @transform_2, window_bounds = array<i64: 64, 3>}, {pipeline_mode = #tpu.pipeline_mode<synchronous>, transform_indices = @transform_3, window_bounds = array<i64: 64, 1>}, {pipeline_mode = #tpu.pipeline_mode<synchronous>, transform_indices = @transform_4, window_bounds = array<i64: 64, 10240>}, {pipeline_mode = #tpu.pipeline_mode<synchronous>, transform_indices = @transform_5, window_bounds = array<i64: 1, 1>}, {pipeline_mode = #tpu.pipeline_mode<synchronous>, transform_indices = @transform_6, window_bounds = array<i64: 10, 8, 128>}]} {
    %get3A = arith.constant 0 : index
    %get3A_0 = arith.constant 0 : index
    %get3A_1 = arith.constant 0 : index
    %get3A_2 = vector.load %arg1[%get3A, %get3A_0, %get3A_1] : memref<2x3x10240xf32, #tpu.memory_space<vmem>>, vector<1x3x10240xf32>
    %get3A_3 = vector.shape_cast %get3A_2 : vector<1x3x10240xf32> to vector<3x10240xf32>
    %get3A_4 = arith.constant 1 : index
    %get3A_5 = arith.constant 0 : index
    %get3A_6 = arith.constant 0 : index
    %get3A_7 = vector.load %arg1[%get3A_4, %get3A_5, %get3A_6] : memref<2x3x10240xf32, #tpu.memory_space<vmem>>, vector<1x3x10240xf32>
    %get3A_8 = vector.shape_cast %get3A_7 : vector<1x3x10240xf32> to vector<3x10240xf32>
    %add3A = arith.addf %get3A_3, %get3A_8 : vector<3x10240xf32>
    %get3A_9 = arith.constant 0 : index
    %get3A_10 = arith.constant 0 : index
    %get3A_11 = arith.constant 0 : index
    %get3A_12 = vector.load %arg2[%get3A_9, %get3A_10, %get3A_11] : memref<2x1x10240xf32, #tpu.memory_space<vmem>>, vector<1x1x10240xf32>
    %get3A_13 = vector.shape_cast %get3A_12 : vector<1x1x10240xf32> to vector<1x10240xf32>
    %get3A_14 = arith.constant 1 : index
    %get3A_15 = arith.constant 0 : index
    %get3A_16 = arith.constant 0 : index
    %get3A_17 = vector.load %arg2[%get3A_14, %get3A_15, %get3A_16] : memref<2x1x10240xf32, #tpu.memory_space<vmem>>, vector<1x1x10240xf32>
    %get3A_18 = vector.shape_cast %get3A_17 : vector<1x1x10240xf32> to vector<1x10240xf32>
    %add3A_19 = arith.addf %get3A_13, %get3A_18 : vector<1x10240xf32>
    %max3A = arith.constant 1.000000e+00 : f32
    %max3A_20 = vector.broadcast %max3A : f32 to vector<1x10240xf32>
    %max3A_21 = arith.maximumf %add3A_19, %max3A_20 : vector<1x10240xf32>
    %rsqrt3A = math.rsqrt %max3A_21 : vector<1x10240xf32>
    %mul3A = vector.broadcast %rsqrt3A : vector<1x10240xf32> to vector<3x10240xf32>
    %mul3A_22 = arith.mulf %add3A, %mul3A : vector<3x10240xf32>
    %get3A_23 = arith.constant 0 : index
    %get3A_24 = arith.constant 0 : index
    %get3A_25 = vector.load %arg3[%get3A_23, %get3A_24] : memref<64x3xf32, #tpu.memory_space<vmem>>, vector<64x3xf32>
    %dot_general3A = arith.constant dense<0.000000e+00> : vector<64x10240xf32>
    %dot_general3A_26 = tpu.matmul %get3A_25, %mul3A_22, %dot_general3A {dimension_numbers = #tpu.dot_dimension_numbers<[1], [0], [0], [1], [0, 0, 1, 1], [], []>, transpose_lhs_hint = false} : vector<64x3xf32>, vector<3x10240xf32>, vector<64x10240xf32> -> vector<64x10240xf32>
    %get3A_27 = arith.constant 0 : index
    %get3A_28 = arith.constant 0 : index
    %get3A_29 = vector.load %arg4[%get3A_27, %get3A_28] : memref<64x1xf32, #tpu.memory_space<vmem>>, vector<64x1xf32>
    %add3A_30 = vector.broadcast %get3A_29 : vector<64x1xf32> to vector<64x10240xf32>
    %add3A_31 = arith.addf %dot_general3A_26, %add3A_30 : vector<64x10240xf32>
    %max3A_32 = arith.constant 0.000000e+00 : f32
    %max3A_33 = vector.broadcast %max3A_32 : f32 to vector<64x10240xf32>
    %max3A_34 = arith.maximumf %add3A_31, %max3A_33 : vector<64x10240xf32>
    %get3A_35 = arith.constant 0 : index
    %get3A_36 = arith.constant 0 : index
    %get3A_37 = vector.load %arg5[%get3A_35, %get3A_36] : memref<64x10240xf32, #tpu.memory_space<vmem>>, vector<64x10240xf32>
    %mul3A_38 = arith.mulf %max3A_34, %get3A_37 : vector<64x10240xf32>
    %reduce_sum3A = vector.shape_cast %mul3A_38 : vector<64x10240xf32> to vector<1x64x10240xf32>
    %reduce_sum3A_39 = arith.constant dense<0.000000e+00> : vector<1xf32>
    %reduce_sum3A_40 = vector.multi_reduction <add>, %reduce_sum3A, %reduce_sum3A_39 [1, 2] : vector<1x64x10240xf32> to vector<1xf32>
    %reduce_sum3A_41 = vector.shape_cast %reduce_sum3A_40 : vector<1xf32> to vector<1x1x1xf32>
    %reduce_sum3A_42 = vector.extract %reduce_sum3A_41[0, 0, 0] : f32 from vector<1x1x1xf32>
    %get3A_43 = arith.constant 0 : index
    %get3A_44 = arith.constant 0 : index
    %get3A_45 = vector.load %arg6[%get3A_43, %get3A_44] : memref<1x1xf32, #tpu.memory_space<vmem>>, vector<1x1xf32>
    %get3A_46 = vector.extract %get3A_45[0, 0] : f32 from vector<1x1xf32>
    %add3A_47 = arith.addf %reduce_sum3A_42, %get3A_46 : f32
    %logistic3A = arith.negf %add3A_47 : f32
    %logistic3A_48 = math.exp %logistic3A : f32
    %logistic3A_49 = arith.constant 1.000000e+00 : f32
    %logistic3A_50 = arith.addf %logistic3A_49, %logistic3A_48 : f32
    %logistic3A_51 = arith.divf %logistic3A_49, %logistic3A_50 : f32
    %broadcast_in_dim3A = vector.broadcast %logistic3A_51 : f32 to vector<8x128xf32>
    %swap3A = arith.index_cast %arg0 : i32 to index
    %swap3A_52 = arith.constant 0 : index
    %swap3A_53 = arith.constant 0 : index
    %swap3A_54 = vector.load %arg7[%swap3A, %swap3A_52, %swap3A_53] : memref<10x8x128xf32, #tpu.memory_space<vmem>>, vector<1x8x128xf32>
    %swap3A_55 = vector.shape_cast %swap3A_54 : vector<1x8x128xf32> to vector<8x128xf32>
    %swap3A_56 = vector.shape_cast %broadcast_in_dim3A : vector<8x128xf32> to vector<1x8x128xf32>
    tpu.vector_store %arg7[%swap3A, %swap3A_52, %swap3A_53], %swap3A_56 {strides = array<i32>} : memref<10x8x128xf32, #tpu.memory_space<vmem>>, vector<1x8x128xf32>,
    return
  }
  func.func @transform_0(%arg0: i32) -> (i32, i32, i32) {
    %c0_i32 = arith.constant 0 : i32
    %c0_i32_0 = arith.constant 0 : i32
    %c0_i32_1 = arith.constant 0 : i32
    return %c0_i32, %c0_i32_0, %arg0 : i32, i32, i32
  }
  func.func @transform_1(%arg0: i32) -> (i32, i32, i32) {
    %c0_i32 = arith.constant 0 : i32
    %c0_i32_0 = arith.constant 0 : i32
    %c0_i32_1 = arith.constant 0 : i32
    return %c0_i32, %c0_i32_0, %arg0 : i32, i32, i32
  }
  func.func @transform_2(%arg0: i32) -> (i32, i32) {
    %c0_i32 = arith.constant 0 : i32
    %c0_i32_0 = arith.constant 0 : i32
    %c0_i32_1 = arith.constant 0 : i32
    return %c0_i32, %c0_i32_0 : i32, i32
  }
  func.func @transform_3(%arg0: i32) -> (i32, i32) {
    %c0_i32 = arith.constant 0 : i32
    %c0_i32_0 = arith.constant 0 : i32
    %c0_i32_1 = arith.constant 0 : i32
    return %c0_i32, %c0_i32_0 : i32, i32
  }
  func.func @transform_4(%arg0: i32) -> (i32, i32) {
    %c0_i32 = arith.constant 0 : i32
    %c0_i32_0 = arith.constant 0 : i32
    %c0_i32_1 = arith.constant 0 : i32
    return %c0_i32, %c0_i32_0 : i32, i32
  }
  func.func @transform_5(%arg0: i32) -> (i32, i32) {
    %c0_i32 = arith.constant 0 : i32
    %c0_i32_0 = arith.constant 0 : i32
    %c0_i32_1 = arith.constant 0 : i32
    return %c0_i32, %c0_i32_0 : i32, i32
  }
  func.func @transform_6(%arg0: i32) -> (i32, i32, i32) {
    %c0_i32 = arith.constant 0 : i32
    %c0_i32_0 = arith.constant 0 : i32
    %c0_i32_1 = arith.constant 0 : i32
    %c0_i32_2 = arith.constant 0 : i32
    return %c0_i32, %c0_i32_0, %c0_i32_1 : i32, i32, i32
  }
}

</mosaic_0001>

<sc_bundles>
// kernel: kernel.6.cloned.1.call-start
scs
__scs_entry_jumppad:
0x0: {  	(pc) =	sbr.rel $0x88, $3  }
0x1: {  	(tag) =	ssettag $0x0;
	lr =	simm.s32 $0x1  }
0x2: {  	[smem:$0x3F99] =	sst lr;
	_ =	strace $0xD0000000  }
0x3: {  	_ = 	snop  }
0x4: {  	_ = 	snop  }
0x5: {  	_ = 	snop  }
0x6: {  	_ = 	snop  }
0x7: {  	_ = 	snop  }
__scs_overlays_trampoline_lowered:
0x8: {  	[smem:$0x3FA8] =	sst s0  }
0x9: {  	[smem:$0x3FA9] =	sst s1  }
0xa: {  	[smem:$0x3FAA] =	sst s2  }
0xb: {  	[smem:$0x3FAB] =	sst s3  }
0xc: {  	[smem:$0x3FAC] =	sst s4  }
0xd: {  	[smem:$0x3FAD] =	sst s5  }
0xe: {  	[smem:$0x3FAE] =	sst s6  }
0xf: {  	[smem:$0x3FAF] =	sst s7  }
0x10: {  	[smem:$0x3FB0] =	sst s8  }
0x11: {  	[smem:$0x3FB1] =	sst s9;
	s0 =	simm.s32 @!p0 $0x0  }
0x12: {  	s1 =	sld [smem:$0x3F97];
	s0 =	simm.s32 @p0 $0x1  }
0x13: {  	[smem:$0x3FB2] =	sst s0;
	s0 =	simm.s32 @!p1 $0x0  }
0x14: {  	s2 =	sld [smem:$0x3F96];
	s0 =	simm.s32 @p1 $0x1  }
0x15: {  	[smem:$0x3FB3] =	sst s0;
	s0 =	simm.s32 @!p2 $0x0  }
0x16: {  	s3 =	sld [smem:$0x3FDB];
	s0 =	simm.s32 @p2 $0x1  }
0x17: {  	s4 =	simm.s32 $0x1BF5;
	[smem:$0x3FB5] =	sst s0  }
0x18: {  	s0 =	sld [smem:$0x3F98];
	_ =	swait.ge [sflag:s4], $0x0  }
0x19: {  	s7 =	sld [smem:$0x3F99]  }
0x1a: {  	s8 =	sadd.s32 $0xFFFFE003, lr  }
0x1b: {  	s9 =	sadd.s32 $0xFFFFFEF7, lr;
	s5 =	simm.s32 $0xFFFFFFFF;
	p2 =	slt.u32 s8, $0xFFFFF086  }
0x1c: {  	p1 =	slt.u32 s9, $0xF7A;
	s5 =	simm.s32 @!p2 $0x0  }
0x1d: {  	s5 =	simm.s32 @p1 $0x1;
	p0 =	seq.s32 s7, s2  }
0x1e: {  	s7 =	smul.u32 @!p0 $0xF7A, s2;
	p2 =	seq.s32 @!p0 s5, $0x0  }
0x1f: {  	s9 =	smul.u32 $0xF7A, s1;
	s8 =	simm.s32 @!p0 $0x1BF5;
	p2 =	por !p2, p0  }
0x20: {  	[sflag:s8] =	ssyncset.s32 @!p0 $0xFFFFF086;
	s6 =	sadd.s32 @!p0 s3, s7;
	s7 =	simm.s32 @!p0 $0x108  }
0x21: {  	s3 =	sadd.s32 s3, s9;
	s6 =	sadd.s32 @!p0 $0x88, s6;
	s7 =	simm.s32 @p2 $0x1082  }
0x22: {  	[simem:s7], [sflag:s8] =	dma.local @!p0 [hbm:s6], $0xF7A  }
0x23: {  	s9 =	sor.u32 $0xD0000000, s2;
	s6 =	simm.s32 $0x108;
	_ =	swait.ge @!p0 [sflag:s8], $0x0  }
0x24: {  	s3 =	sadd.s32 $0x88, s3;
	s6 =	simm.s32 @!p1 $0x1082;
	[sflag:s4] =	ssyncset.s32 $0xFFFFF086  }
0x25: {  	[simem:s6], [sflag:s4] =	dma.local [hbm:s3], $0xF7A  }
0x26: {  	[smem:$0x3F99] =	sst s1;
	(tag) =	ssettag s2;
	_ =	strace s9  }
0x27: {  	s1 =	sld [smem:$0x3FA9]  }
0x28: {  	s2 =	sld [smem:$0x3FAA]  }
0x29: {  	s4 =	sld [smem:$0x3FAC]  }
0x2a: {  	p0 =	seq.s32 s5, $0x0;
	s5 =	sld [smem:$0x3FAD]  }
0x2b: {  	s6 =	sld [smem:$0x3FAE]  }
0x2c: {  	s7 =	sld [smem:$0x3FAF]  }
0x2d: {  	s3 =	simm.s32 $0x108;
	s8 =	sld [smem:$0x3FB0]  }
0x2e: {  	s3 =	simm.s32 @!p0 $0x1082;
	s9 =	sld [smem:$0x3FB1]  }
0x2f: {  	lr =	sadd.s32 s0, s3;
	s0 =	sld [smem:$0x3FA8]  }
0x30: {  	s3 =	sld [smem:$0x3FAB]  }
0x31: {  	[smem:$0x3FB4] =	sst s10  }
0x32: {  	s10 =	sld [smem:$0x3FB2];
	_ =	sdelay $0x3  }
0x33: {  	p0 =	seq.s32 s10, $0x1;
	s10 =	sld [smem:$0x3FB4];
	_ =	sdelay $0x3  }
0x34: {  	[smem:$0x3FB4] =	sst s10  }
0x35: {  	s10 =	sld [smem:$0x3FB3];
	_ =	sdelay $0x3  }
0x36: {  	p1 =	seq.s32 s10, $0x1;
	s10 =	sld [smem:$0x3FB4];
	_ =	sdelay $0x3  }
0x37: {  	[smem:$0x3FB4] =	sst s10  }
0x38: {  	s10 =	sld [smem:$0x3FB5]  }
0x39: {  	_ = 	snop;
	(pc) =	sbr.ind lr, $3  }
0x3a: {  	_ = 	snop  }
0x3b: {  	_ = 	snop  }
0x3c: {  	p2 =	seq.s32 s10, $0x1;
	s10 =	sld [smem:$0x3FB4]  }
0x3d: {  	_ =	shalt  }
0x3e: {  	_ =	shalt  }
0x3f: {  	_ =	shalt  }
0x40: {  	_ =	shalt  }
0x41: {  	_ =	shalt  }
0x42: {  	_ =	shalt  }
0x43: {  	_ =	shalt  }
0x44: {  	_ =	shalt  }
0x45: {  	_ =	shalt  }
0x46: {  	_ =	shalt  }
0x47: {  	_ =	shalt  }
0x48: {  	_ =	shalt  }
0x49: {  	_ =	shalt  }
0x4a: {  	_ =	shalt  }
0x4b: {  	_ =	shalt  }
0x4c: {  	_ =	shalt  }
0x4d: {  	_ =	shalt  }
0x4e: {  	_ =	shalt  }
0x4f: {  	_ =	shalt  }
0x50: {  	_ =	shalt  }
0x51: {  	_ =	shalt  }
0x52: {  	_ =	shalt  }
0x53: {  	_ =	shalt  }
0x54: {  	_ =	shalt  }
0x55: {  	_ =	shalt  }
0x56: {  	_ =	shalt  }
0x57: {  	_ =	shalt  }
0x58: {  	_ =	shalt  }
0x59: {  	_ =	shalt  }
0x5a: {  	_ =	shalt  }
0x5b: {  	_ =	shalt  }
0x5c: {  	_ =	shalt  }
0x5d: {  	_ =	shalt  }
0x5e: {  	_ =	shalt  }
0x5f: {  	_ =	shalt  }
0x60: {  	_ =	shalt  }
0x61: {  	_ =	shalt  }
0x62: {  	_ =	shalt  }
0x63: {  	_ =	shalt  }
0x64: {  	_ =	shalt  }
0x65: {  	_ =	shalt  }
0x66: {  	_ =	shalt  }
0x67: {  	_ =	shalt  }
0x68: {  	_ =	shalt  }
0x69: {  	_ =	shalt  }
0x6a: {  	_ =	shalt  }
0x6b: {  	_ =	shalt  }
0x6c: {  	_ =	shalt  }
0x6d: {  	_ =	shalt  }
0x6e: {  	_ =	shalt  }
0x6f: {  	_ =	shalt  }
0x70: {  	_ =	shalt  }
0x71: {  	_ =	shalt  }
0x72: {  	_ =	shalt  }
0x73: {  	_ =	shalt  }
0x74: {  	_ =	shalt  }
0x75: {  	_ =	shalt  }
0x76: {  	_ =	shalt  }
0x77: {  	_ =	shalt  }
0x78: {  	_ =	shalt  }
0x79: {  	_ =	shalt  }
0x7a: {  	_ =	shalt  }
0x7b: {  	_ =	shalt  }
0x7c: {  	_ =	shalt  }
0x7d: {  	_ =	shalt  }
0x7e: {  	_ =	shalt  }
0x7f: {  	_ =	shalt  }
0x80: {  	_ =	shalt  }
0x81: {  	_ =	shalt  }
0x82: {  	_ =	shalt  }
0x83: {  	_ =	shalt  }
0x84: {  	_ =	shalt  }
0x85: {  	_ =	shalt  }
0x86: {  	_ =	shalt  }
0x87: {  	_ =	shalt  }
.Lfunc_end0:
.L_simem_size_0:
called_computation_lowered:
.L_overlay_start_0:
0x88: {  	s2 =	sld [smem:$0x3FD9]  }
0x89: {  	s3 =	sld [smem:$0x3FFE];
	_ =	sdelay $0x1  }
0x8a: {  	s1 =	srdreg.scid  }
0x8b: {  	s0 =	sand.u32 $0x1, s1  }
0x8c: {  	s16 =	sshll.u32 s0, $0xA;
	s2 =	sadd.s32 s3, s2  }
0x8d: {  	s2 =	sadd.s32 s2, s16  }
0x8e: {  	[smem:$0x3FC0] =	sst s2  }
0x8f: {  	_ = 	snop  }
0x90: {  	(tm) =	ssettm $0x1  }
0x91: {  	s17 =	sld [smem:$0x3FFB];
	_ =	sdelay $0x3  }
0x92: {  	_ =	strace s17  }
0x93: {  	s2 =	sld [smem:$0x3FFC];
	_ =	sdelay $0x3  }
0x94: {  	_ =	strace s2  }
0x95: {  	s2 =	sld [smem:$0x3FFD];
	_ =	sdelay $0x3  }
0x96: {  	_ =	strace s2  }
0x97: {  	_ =	strace $0x8FFFFFFF  }
0x98: {  	s18 =	sld [smem:$0x3FDB];
	_ =	sdelay $0x1  }
0x99: {  	s19 =	simm.s32 $_scs_section_size  }
0x9a: {  	s4 =	simm.s32 $_size__tile_overlayer_lowered;
	s5 =	simm.s32 $_tile_overlayer_lowered  }
0x9b: {  	s22 =	simm.s32 $0x1BFF;
	s21 =	sshll.u32 s5, $0x1;
	s2 =	sadd.s32 s19, s18  }
0x9c: {  	s6 =	simm.s32 $0x0;
	s20 =	sshll.u32 s4, $0x1;
	s4 =	sadd.s32 s21, s2  }
0x9d: {  	[timem:s6], [sflag:s22] =	dma.local [hbm:s4], s20  }
0x9e: {  	_ =	swait.ge [sflag:s22], s20  }
0x9f: {  	s3 =	ssub.s32 $0x0, s20;
	[sflag:s22] =	ssyncset.done $0x0  }
0xa0: {  	[sflag:s22] =	ssyncadd.s32 s3;
	_ =	sdelay $0x1  }
0xa1: {  	s23 =	simm.s32 $0x1B8B  }
0xa2: {  	_ =	swait.ge [sflag:s23], $0x1  }
0xa3: {  	[sflag:s23] =	ssyncset.done $0x0  }
0xa4: {  	s25 =	simm.s32 $0x1B8E;
	s24 =	sld [smem:$0x3FFE];
	[sflag:s23] =	ssyncadd.s32 $0xFFFFFFFF  }
0xa5: {  	s26 =	simm.s32 $execute0_lowered;
	[smem:$0x3FD2] =	sst s25  }
0xa6: {  	s4 =	sshll.u32 s26, $0x1;
	_ =	strace $0x80000046;
	[dreg:$0x1] =	wrdreg $0xFFFFFFFF  }
0xa7: {  	s28 =	simm.s32 $_size_execute0_lowered;
	s2 =	sadd.s32 s2, s4;
	[dreg:$0x0] =	wrdreg $0x0  }
0xa8: {  	s4 =	sshll.u32 s28, $0x1;
	[dreg:$0x2] =	wrdreg s2  }
0xa9: {  	[dreg:$0x3] =	wrdreg s4  }
0xaa: {  	[dreg:$0x4] =	wrdreg $0xC0  }
0xab: {  	_ =	task [dreg:s6], $0x5FFFF  }
0xac: {  	[dreg:$0x1] =	wrdreg $0xFFFFFFFF  }
0xad: {  	[dreg:$0x0] =	wrdreg $0x60  }
0xae: {  	[dreg:$0x2] =	wrdreg s24  }
0xaf: {  	[dreg:$0x3] =	wrdreg $0xA5000  }
0xb0: {  	[dreg:$0x4] =	wrdreg $0xBE000  }
0xb1: {  	[dreg:$0x5] =	wrdreg $0x9  }
0xb2: {  	_ =	task.clear_ibuf [dreg:s6], $0x6FFFF;
	_ =	strace $0x90000046  }
0xb3: {  	s29 =	simm.s32 $0x9;
	_ =	strace $0x80000048  }
0xb4: {  	_ =	swait.ge [sflag:s29], $0x1  }
0xb5: {  	[sflag:s29] =	ssyncadd.s32 $0xFFFFFFFF  }
0xb6: {  	_ =	strace $0x90000048  }
0xb7: {  	_ =	sfence  }
0xb8: {  	s30 =	sld [smem:$0x0];
	_ =	sdelay $0x2  }
0xb9: {  	s31 =	sshll.u32 s1, $0xD;
	s1 =	sshrl.u32 s1, $0x2  }
0xba: {  	s3 =	sand.u32 $0x4000, s31;
	s1 =	sadd.s32 s1, s30  }
0xbb: {  	s0 =	sor.u32 s3, s0;
	s1 =	sshll.u32 s1, $0x11  }
0xbc: {  	s0 =	sor.u32 s1, s0  }
0xbd: {  	s0 =	sadd.s32 $0x8F2B, s0  }
0xbe: {  	[sflag:s0] =	ssyncadd.remote.s32 $0x1  }
0xbf: {  	_ =	sfence.sel $0xFFFF  }
0xc0: {  	[dreg:$0x0] =	wrdreg $0xFFFFFFFF;
	(pc) =	sbr.abs _section_cstart, $3  }
0xc1: {  	[dreg:$0x1] =	wrdreg $0xFFFFFFFF  }
0xc2: {  	_ =	task.clear_ibuf [dreg:s6], $0x2FFFF;
	_ =	strace $0x9FFFFFFF  }
0xc3: {  	(tm) =	ssettm $0x7FFFFFFF  }
tec
execute0_lowered:
.L_overlay_start_1:
0x0: {  	(tag) =	ssettag $0x1  }
0x1: {  	s0 =	rddreg [dreg:$0x0]  }
0x2: {  	s2 =	rddreg [dreg:$0x1]  }
0x3: {  	s3 =	rddreg [dreg:$0x2]  }
0x4: {  	s1 =	srdreg.scid;
	s9 =	stileid.u32  }
0x5: {  	s4 =	simm.s32 $0x0;
	s1 =	sand.u32 $0x1, s1;
	s6 =	smul.u32 $0x1900, s9  }
0x6: {  	s31 =	simm.s32 $0x8C00;
	[smem:$0x7FF] =	sst s4;
	s5 =	smul.u32 $0x32000, s1  }
0x7: {  	s8 =	sadd.s32 $0xE00, s0;
	_ =	strace $0x80000047;
	s7 =	sshll.u32 s1, $0x4  }
0x8: {  	s1 =	ssub.s32 $0x2, s1;
	s7 =	sor.u32 s9, s7;
	s5 =	sadd.s32 s6, s5  }
0x9: {  	s10 =	sshrl.u32 s1, $0x1;
	s9 =	smul.u32 $0xC350, s7;
	s5 =	sshrl.u32 s5, $0x3  }
0xa: {  	s1 =	ssub.s32 s1, s10;
	s0 =	sadd.s32 s5, s0;
	s5 =	sadd.s32 s6, s2  }
0xb: {  	s6 =	sadd.s32 s6, s3;
	s10 =	sadd.s32 $0x1388, s9;
	s11 =	sadd.s32 $0x187D88, s9  }
0xc: {  	s13 =	sadd.s32 $0x3A98, s9;
	s14 =	sadd.s32 $0x18A498, s9;
	s19 =	sadd.s32 $0x61A8, s9  }
0xd: {  	s7 =	sshrl.u32 s9, $0x3;
	s20 =	sadd.s32 $0x18CBA8, s9;
	s24 =	sadd.s32 $0x18F2B8, s9  }
0xe: {  	s21 =	sadd.s32 $0x88B8, s9;
	s25 =	sadd.s32 $0xAFC8, s9;
	s9 =	sadd.s32 $0x1919C8, s9  }
0xf: {  	s7 =	sadd.s32 s8, s7;
	s10 =	sshrl.u32 s10, $0x3;
	s11 =	sshrl.u32 s11, $0x3  }
0x10: {  	s23 =	sshrl.u32 s21, $0x3;
	s9 =	sshrl.u32 s9, $0x3;
	s12 =	sadd.s32 $0x30D40, s7  }
0x11: {  	s10 =	sadd.s32 s8, s10;
	s11 =	sadd.s32 s8, s11;
	[dreg:$0x4] =	wrdreg s12  }
0x12: {  	s15 =	sadd.s32 $0x31222, s7;
	s17 =	sadd.s32 $0x9C4, s7;
	[dreg:$0x5] =	wrdreg s10  }
0x13: {  	s18 =	sadd.s32 $0x31704, s7;
	s28 =	sadd.s32 $0x31BE6, s7;
	[dreg:$0x6] =	wrdreg s11  }
0x14: {  	s29 =	sadd.s32 $0x1388, s7;
	s30 =	sadd.s32 $0x320C8, s7;
	[dreg:$0x8] =	wrdreg s15  }
0x15: {  	s12 =	sadd.s32 $0x4E2, s7;
	s10 =	sshrl.u32 s13, $0x3;
	[dreg:$0xb] =	wrdreg s17  }
0x16: {  	s11 =	sshrl.u32 s14, $0x3;
	[dreg:$0xc] =	wrdreg s18;
	s13 =	simm.s32 $0x2800  }
0x17: {  	s14 =	simm.s32 $0x6400;
	s15 =	simm.s32 $0x2;
	s17 =	simm.s32 $0x3  }
0x18: {  	s18 =	simm.s32 $0x5;
	[dreg:$0x7] =	wrdreg s12;
	s10 =	sadd.s32 s8, s10  }
0x19: {  	s16 =	sadd.s32 s8, s11;
	s11 =	sshrl.u32 s20, $0x3;
	[dreg:$0x9] =	wrdreg s10  }
0x1a: {  	s12 =	simm.s32 $0x7800;
	s20 =	simm.s32 $0x0;
	[dreg:$0xa] =	wrdreg s16  }
0x1b: {  	s10 =	sshrl.u32 s19, $0x3;
	s22 =	sadd.s32 s8, s11;
	s11 =	sshrl.u32 s25, $0x3  }
0x1c: {  	s25 =	smax.u32 s1, $0x1;
	s1 =	simm.s32 $0x3C00;
	s16 =	simm.s32 $0x4  }
0x1d: {  	s19 =	simm.s32 $0x6;
	s10 =	sadd.s32 s8, s10;
	[dreg:$0xe] =	wrdreg s22  }
0x1e: {  	s26 =	sadd.s32 s8, s11;
	s11 =	simm.s32 $0x1388;
	[dreg:$0xd] =	wrdreg s10  }
0x1f: {  	s10 =	sadd.s32 s8, s23;
	[dreg:$0x11] =	wrdreg s26;
	s23 =	sadd.s32 $0x62A00, s0  }
0x20: {  	s26 =	sadd.s32 $0xEA6, s7;
	[dreg:$0xf] =	wrdreg s10;
	s10 =	sshrl.u32 s24, $0x3  }
0x21: {  	s24 =	sadd.s32 $0x65C00, s0;
	s0 =	simm.s32 $0x7;
	s10 =	sadd.s32 s8, s10  }
0x22: {  	s8 =	sadd.s32 s8, s9;
	s9 =	simm.s32 $0x5000;
	[dreg:$0x10] =	wrdreg s10  }
0x23: {  	v0 =	vimm.f32 $1.000000000e+00;
	v1 =	vimm.f32 $0.0e+00;
	[dreg:$0x12] =	wrdreg s8;
	s8 =	simm.s32 $0x1400;
	s10 =	simm.s32 $0x1  }
.LBB2_1:
0x24: {  	s21 =	simm.s32 $0x0  }
.LBB2_2:
0x25: {  	p0 =	sne.s32 s21, $0x4DC0  }
.Ltmp0:
0x26: {  	_ = 	snop;
	(pc) =	sbr.rel @p0 .LBB2_2-.Ltmp0, $3  }
0x27: {  	_ =	sdelay $0x1  }
0x28: {  	s22 =	sshra.s32 s21, $0x2  }
0x29: {  	s21 =	sadd.s32 $0x40, s21;
	[tilespmem:s22+$0x7800] =	vst v0  }
0x2a: {  	s21 =	simm.s32 $0x40;
	s22 =	simm.s32 $0x0  }
.LBB2_4:
0x2b: {  	p0 =	sne.s32 s21, $0x63C0;
	[tilespmem:s22+$0x8C00] =	vst v1;
	s22 =	smov.u32 s21;
	s21 =	sadd.s32 $0x40, s21  }
.Ltmp1:
0x2c: {  	(pc) =	sbr.rel @p0 .LBB2_4-.Ltmp1, $2  }
0x2d: {  	_ =	sdelay $0x2  }
0x2e: {  	s22 =	sshra.s32 s22, $0x2  }
0x2f: {  	[tilespmem:s22+$0x8C00] =	vst v1  }
0x30: {  	[spmem:s5] =	stream.linear.scatter [tilespmem:s31], [sflag:$0x7], $0x1900, $0x38;
	[tilespmem:$0xD700] =	vst v63  }
0x31: {  	_ =	swait.ge [sflag:s0], $0x1900  }
0x32: {  	[sflag:s0] =	ssyncset.done $0x0  }
0x33: {  	[sflag:s0] =	ssyncadd.s32 $0xFFFFE700  }
0x34: {  	[spmem:s6] =	stream.linear.scatter [tilespmem:s31], [sflag:$0x7], $0x1900, $0x38;
	[tilespmem:$0xD700] =	vst v63  }
0x35: {  	_ =	swait.ge [sflag:s0], $0x1900  }
0x36: {  	[sflag:s0] =	ssyncset.done $0x0  }
0x37: {  	[sflag:s0] =	ssyncadd.s32 $0xFFFFE700  }
0x38: {  	[bflag:$0x0] =	sbarrier.arrive $0xFFFF  }
0x39: {  	[tilespmem:s4], [sflag:$0x1] =	stream.linear.gather [hbm4b:s7+s4], $0x1388, $0x38;
	[tilespmem:$0xD700] =	vst v63  }
0x3a: {  	s21 =	rddreg [dreg:$0x4]  }
0x3b: {  	[tilespmem:s1], [sflag:$0x1] =	stream.linear.gather [hbm4b:s21+s4], $0x1388, $0x38;
	[tilespmem:$0xD700] =	vst v63  }
0x3c: {  	s22 =	rddreg [dreg:$0x5]  }
0x3d: {  	[tilespmem:s8], [sflag:$0x2] =	stream.linear.gather [hbm4b:s22+s4], $0x1388, $0x38;
	[tilespmem:$0xD700] =	vst v63  }
0x3e: {  	s22 =	rddreg [dreg:$0x6]  }
0x3f: {  	[tilespmem:s9], [sflag:$0x2] =	stream.linear.gather [hbm4b:s22+s4], $0x1388, $0x38;
	[tilespmem:$0xD700] =	vst v63  }
0x40: {  	_ =	swait.ge [sflag:s10], $0x1388  }
0x41: {  	[sflag:s10] =	ssyncset.done $0x0  }
0x42: {  	[sflag:s10] =	ssyncadd.s32 $0xFFFFEC78  }
0x43: {  	_ =	swait.ge [sflag:s10], $0x1388  }
0x44: {  	[sflag:s10] =	ssyncset.done $0x0  }
0x45: {  	[sflag:s10] =	ssyncadd.s32 $0xFFFFEC78  }
0x46: {  	[spmem:s2] =	stream.indirect.scatter.add.f32 [tilespmem:s12], [sflag:$0x4], $0x1, s4, s11, $0xb8;
	[tilespmem:$0xD700] =	vst v63  }
0x47: {  	_ = 	snop  }
0x48: {  	[spmem:s3] =	stream.indirect.scatter.add.f32 [tilespmem:s12], [sflag:$0x4], $0x1, s1, s11, $0xb8;
	[tilespmem:$0xD700] =	vst v63  }
0x49: {  	s22 =	rddreg [dreg:$0x7]  }
0x4a: {  	[tilespmem:s13], [sflag:$0x3] =	stream.linear.gather [hbm4b:s22+s4], $0x1388, $0x38;
	[tilespmem:$0xD700] =	vst v63  }
0x4b: {  	s22 =	rddreg [dreg:$0x8]  }
0x4c: {  	[tilespmem:s14], [sflag:$0x3] =	stream.linear.gather [hbm4b:s22+s4], $0x1388, $0x38;
	[tilespmem:$0xD700] =	vst v63  }
0x4d: {  	_ =	swait.ge [sflag:s15], $0x1388  }
0x4e: {  	[sflag:s15] =	ssyncset.done $0x0  }
0x4f: {  	[sflag:s15] =	ssyncadd.s32 $0xFFFFEC78  }
0x50: {  	_ =	swait.ge [sflag:s15], $0x1388  }
0x51: {  	[sflag:s15] =	ssyncset.done $0x0  }
0x52: {  	[sflag:s15] =	ssyncadd.s32 $0xFFFFEC78  }
0x53: {  	[spmem:s2] =	stream.indirect.scatter.add.f32 [tilespmem:s12], [sflag:$0x5], $0x1, s8, s11, $0xb8;
	[tilespmem:$0xD700] =	vst v63  }
0x54: {  	_ = 	snop  }
0x55: {  	[spmem:s3] =	stream.indirect.scatter.add.f32 [tilespmem:s12], [sflag:$0x5], $0x1, s9, s11, $0xb8;
	[tilespmem:$0xD700] =	vst v63  }
0x56: {  	_ =	swait.ge [sflag:s16], $0x1388  }
0x57: {  	[sflag:s16] =	ssyncset.done $0x0  }
0x58: {  	[sflag:s16] =	ssyncadd.s32 $0xFFFFEC78  }
0x59: {  	_ =	swait.ge [sflag:s16], $0x1388  }
0x5a: {  	[sflag:s16] =	ssyncset.done $0x0  }
0x5b: {  	s22 =	rddreg [dreg:$0x9];
	[sflag:s16] =	ssyncadd.s32 $0xFFFFEC78  }
0x5c: {  	[tilespmem:s4], [sflag:$0x1] =	stream.linear.gather [hbm4b:s22+s4], $0x1388, $0x38;
	[tilespmem:$0xD700] =	vst v63  }
0x5d: {  	s22 =	rddreg [dreg:$0xa]  }
0x5e: {  	[tilespmem:s1], [sflag:$0x1] =	stream.linear.gather [hbm4b:s22+s4], $0x1388, $0x38;
	[tilespmem:$0xD700] =	vst v63  }
0x5f: {  	_ =	swait.ge [sflag:s17], $0x1388  }
0x60: {  	[sflag:s17] =	ssyncset.done $0x0  }
0x61: {  	[sflag:s17] =	ssyncadd.s32 $0xFFFFEC78  }
0x62: {  	_ =	swait.ge [sflag:s17], $0x1388  }
0x63: {  	[sflag:s17] =	ssyncset.done $0x0  }
0x64: {  	[sflag:s17] =	ssyncadd.s32 $0xFFFFEC78  }
0x65: {  	[spmem:s2] =	stream.indirect.scatter.add.f32 [tilespmem:s12], [sflag:$0x6], $0x1, s13, s11, $0xb8;
	[tilespmem:$0xD700] =	vst v63  }
0x66: {  	_ = 	snop  }
0x67: {  	[spmem:s3] =	stream.indirect.scatter.add.f32 [tilespmem:s12], [sflag:$0x6], $0x1, s14, s11, $0xb8;
	[tilespmem:$0xD700] =	vst v63  }
0x68: {  	_ =	swait.ge [sflag:s18], $0x1388  }
0x69: {  	[sflag:s18] =	ssyncset.done $0x0  }
0x6a: {  	[sflag:s18] =	ssyncadd.s32 $0xFFFFEC78  }
0x6b: {  	_ =	swait.ge [sflag:s18], $0x1388  }
0x6c: {  	[sflag:s18] =	ssyncset.done $0x0  }
0x6d: {  	s22 =	rddreg [dreg:$0xb];
	[sflag:s18] =	ssyncadd.s32 $0xFFFFEC78  }
0x6e: {  	[tilespmem:s8], [sflag:$0x2] =	stream.linear.gather [hbm4b:s22+s4], $0x1388, $0x38;
	[tilespmem:$0xD700] =	vst v63  }
0x6f: {  	s22 =	rddreg [dreg:$0xc]  }
0x70: {  	[tilespmem:s9], [sflag:$0x2] =	stream.linear.gather [hbm4b:s22+s4], $0x1388, $0x38;
	[tilespmem:$0xD700] =	vst v63  }
0x71: {  	_ =	swait.ge [sflag:s10], $0x1388  }
0x72: {  	[sflag:s10] =	ssyncset.done $0x0  }
0x73: {  	[sflag:s10] =	ssyncadd.s32 $0xFFFFEC78  }
0x74: {  	_ =	swait.ge [sflag:s10], $0x1388  }
0x75: {  	[sflag:s10] =	ssyncset.done $0x0  }
0x76: {  	[sflag:s10] =	ssyncadd.s32 $0xFFFFEC78  }
0x77: {  	[spmem:s2] =	stream.indirect.scatter.add.f32 [tilespmem:s12], [sflag:$0x4], $0x1, s4, s11, $0xb8;
	[tilespmem:$0xD700] =	vst v63  }
0x78: {  	_ = 	snop  }
0x79: {  	[spmem:s3] =	stream.indirect.scatter.add.f32 [tilespmem:s12], [sflag:$0x4], $0x1, s1, s11, $0xb8;
	[tilespmem:$0xD700] =	vst v63  }
0x7a: {  	_ =	swait.ge [sflag:s19], $0x1388  }
0x7b: {  	[sflag:s19] =	ssyncset.done $0x0  }
0x7c: {  	[sflag:s19] =	ssyncadd.s32 $0xFFFFEC78  }
0x7d: {  	_ =	swait.ge [sflag:s19], $0x1388  }
0x7e: {  	[sflag:s19] =	ssyncset.done $0x0  }
0x7f: {  	s22 =	rddreg [dreg:$0xd];
	[sflag:s19] =	ssyncadd.s32 $0xFFFFEC78  }
0x80: {  	[tilespmem:s13], [sflag:$0x3] =	stream.linear.gather [hbm4b:s22+s4], $0x1388, $0x38;
	[tilespmem:$0xD700] =	vst v63  }
0x81: {  	s22 =	rddreg [dreg:$0xe]  }
0x82: {  	[tilespmem:s14], [sflag:$0x3] =	stream.linear.gather [hbm4b:s22+s4], $0x1388, $0x38;
	[tilespmem:$0xD700] =	vst v63  }
0x83: {  	_ =	swait.ge [sflag:s15], $0x1388  }
0x84: {  	[sflag:s15] =	ssyncset.done $0x0  }
0x85: {  	[sflag:s15] =	ssyncadd.s32 $0xFFFFEC78  }
0x86: {  	_ =	swait.ge [sflag:s15], $0x1388  }
0x87: {  	[sflag:s15] =	ssyncset.done $0x0  }
0x88: {  	[sflag:s15] =	ssyncadd.s32 $0xFFFFEC78  }
0x89: {  	[spmem:s2] =	stream.indirect.scatter.add.f32 [tilespmem:s12], [sflag:$0x5], $0x1, s8, s11, $0xb8;
	[tilespmem:$0xD700] =	vst v63  }
0x8a: {  	_ = 	snop  }
0x8b: {  	[spmem:s3] =	stream.indirect.scatter.add.f32 [tilespmem:s12], [sflag:$0x5], $0x1, s9, s11, $0xb8;
	[tilespmem:$0xD700] =	vst v63  }
0x8c: {  	_ =	swait.ge [sflag:s16], $0x1388  }
0x8d: {  	[sflag:s16] =	ssyncset.done $0x0  }
0x8e: {  	[sflag:s16] =	ssyncadd.s32 $0xFFFFEC78  }
0x8f: {  	_ =	swait.ge [sflag:s16], $0x1388  }
0x90: {  	[sflag:s16] =	ssyncset.done $0x0  }
0x91: {  	[sflag:s16] =	ssyncadd.s32 $0xFFFFEC78  }
0x92: {  	[tilespmem:s4], [sflag:$0x1] =	stream.linear.gather [hbm4b:s26+s4], $0x1388, $0x38;
	[tilespmem:$0xD700] =	vst v63  }
0x93: {  	_ = 	snop  }
0x94: {  	[tilespmem:s1], [sflag:$0x1] =	stream.linear.gather [hbm4b:s28+s4], $0x1388, $0x38;
	[tilespmem:$0xD700] =	vst v63  }
0x95: {  	_ =	swait.ge [sflag:s17], $0x1388  }
0x96: {  	[sflag:s17] =	ssyncset.done $0x0  }
0x97: {  	[sflag:s17] =	ssyncadd.s32 $0xFFFFEC78  }
0x98: {  	_ =	swait.ge [sflag:s17], $0x1388  }
0x99: {  	[sflag:s17] =	ssyncset.done $0x0  }
0x9a: {  	[sflag:s17] =	ssyncadd.s32 $0xFFFFEC78  }
0x9b: {  	[spmem:s2] =	stream.indirect.scatter.add.f32 [tilespmem:s12], [sflag:$0x6], $0x1, s13, s11, $0xb8;
	[tilespmem:$0xD700] =	vst v63  }
0x9c: {  	_ = 	snop  }
0x9d: {  	[spmem:s3] =	stream.indirect.scatter.add.f32 [tilespmem:s12], [sflag:$0x6], $0x1, s14, s11, $0xb8;
	[tilespmem:$0xD700] =	vst v63  }
0x9e: {  	_ =	swait.ge [sflag:s18], $0x1388  }
0x9f: {  	[sflag:s18] =	ssyncset.done $0x0  }
0xa0: {  	[sflag:s18] =	ssyncadd.s32 $0xFFFFEC78  }
0xa1: {  	_ =	swait.ge [sflag:s18], $0x1388  }
0xa2: {  	[sflag:s18] =	ssyncset.done $0x0  }
0xa3: {  	s22 =	rddreg [dreg:$0xf];
	[sflag:s18] =	ssyncadd.s32 $0xFFFFEC78  }
0xa4: {  	[tilespmem:s8], [sflag:$0x2] =	stream.linear.gather [hbm4b:s22+s4], $0x1388, $0x38;
	[tilespmem:$0xD700] =	vst v63  }
0xa5: {  	s22 =	rddreg [dreg:$0x10]  }
0xa6: {  	[tilespmem:s9], [sflag:$0x2] =	stream.linear.gather [hbm4b:s22+s4], $0x1388, $0x38;
	[tilespmem:$0xD700] =	vst v63  }
0xa7: {  	_ =	swait.ge [sflag:s10], $0x1388  }
0xa8: {  	[sflag:s10] =	ssyncset.done $0x0  }
0xa9: {  	[sflag:s10] =	ssyncadd.s32 $0xFFFFEC78  }
0xaa: {  	_ =	swait.ge [sflag:s10], $0x1388  }
0xab: {  	[sflag:s10] =	ssyncset.done $0x0  }
0xac: {  	[sflag:s10] =	ssyncadd.s32 $0xFFFFEC78  }
0xad: {  	[spmem:s2] =	stream.indirect.scatter.add.f32 [tilespmem:s12], [sflag:$0x4], $0x1, s4, s11, $0xb8;
	[tilespmem:$0xD700] =	vst v63  }
0xae: {  	_ = 	snop  }
0xaf: {  	[spmem:s3] =	stream.indirect.scatter.add.f32 [tilespmem:s12], [sflag:$0x4], $0x1, s1, s11, $0xb8;
	[tilespmem:$0xD700] =	vst v63  }
0xb0: {  	_ =	swait.ge [sflag:s19], $0x1388  }
0xb1: {  	[sflag:s19] =	ssyncset.done $0x0  }
0xb2: {  	[sflag:s19] =	ssyncadd.s32 $0xFFFFEC78  }
0xb3: {  	_ =	swait.ge [sflag:s19], $0x1388  }
0xb4: {  	[sflag:s19] =	ssyncset.done $0x0  }
0xb5: {  	[sflag:s19] =	ssyncadd.s32 $0xFFFFEC78  }
0xb6: {  	[tilespmem:s13], [sflag:$0x3] =	stream.linear.gather [hbm4b:s29+s4], $0x1388, $0x38;
	[tilespmem:$0xD700] =	vst v63  }
0xb7: {  	_ = 	snop  }
0xb8: {  	[tilespmem:s14], [sflag:$0x3] =	stream.linear.gather [hbm4b:s30+s4], $0x1388, $0x38;
	[tilespmem:$0xD700] =	vst v63  }
0xb9: {  	_ =	swait.ge [sflag:s15], $0x1388  }
0xba: {  	[sflag:s15] =	ssyncset.done $0x0  }
0xbb: {  	[sflag:s15] =	ssyncadd.s32 $0xFFFFEC78  }
0xbc: {  	_ =	swait.ge [sflag:s15], $0x1388  }
0xbd: {  	[sflag:s15] =	ssyncset.done $0x0  }
0xbe: {  	[sflag:s15] =	ssyncadd.s32 $0xFFFFEC78  }
0xbf: {  	[spmem:s2] =	stream.indirect.scatter.add.f32 [tilespmem:s12], [sflag:$0x5], $0x1, s8, s11, $0xb8;
	[tilespmem:$0xD700] =	vst v63  }
0xc0: {  	_ = 	snop  }
0xc1: {  	[spmem:s3] =	stream.indirect.scatter.add.f32 [tilespmem:s12], [sflag:$0x5], $0x1, s9, s11, $0xb8;
	[tilespmem:$0xD700] =	vst v63  }
0xc2: {  	_ =	swait.ge [sflag:s16], $0x1388  }
0xc3: {  	[sflag:s16] =	ssyncset.done $0x0  }
0xc4: {  	[sflag:s16] =	ssyncadd.s32 $0xFFFFEC78  }
0xc5: {  	_ =	swait.ge [sflag:s16], $0x1388  }
0xc6: {  	[sflag:s16] =	ssyncset.done $0x0  }
0xc7: {  	s22 =	rddreg [dreg:$0x11];
	[sflag:s16] =	ssyncadd.s32 $0xFFFFEC78  }
0xc8: {  	[tilespmem:s4], [sflag:$0x1] =	stream.linear.gather [hbm4b:s22+s4], $0x1388, $0x38;
	[tilespmem:$0xD700] =	vst v63  }
0xc9: {  	s22 =	rddreg [dreg:$0x12]  }
0xca: {  	[tilespmem:s1], [sflag:$0x1] =	stream.linear.gather [hbm4b:s22+s4], $0x1388, $0x38;
	[tilespmem:$0xD700] =	vst v63  }
0xcb: {  	_ =	swait.ge [sflag:s17], $0x1388  }
0xcc: {  	[sflag:s17] =	ssyncset.done $0x0  }
0xcd: {  	[sflag:s17] =	ssyncadd.s32 $0xFFFFEC78  }
0xce: {  	_ =	swait.ge [sflag:s17], $0x1388  }
0xcf: {  	[sflag:s17] =	ssyncset.done $0x0  }
0xd0: {  	[sflag:s17] =	ssyncadd.s32 $0xFFFFEC78  }
0xd1: {  	[spmem:s2] =	stream.indirect.scatter.add.f32 [tilespmem:s12], [sflag:$0x6], $0x1, s13, s11, $0xb8;
	[tilespmem:$0xD700] =	vst v63  }
0xd2: {  	_ = 	snop  }
0xd3: {  	[spmem:s3] =	stream.indirect.scatter.add.f32 [tilespmem:s12], [sflag:$0x6], $0x1, s14, s11, $0xb8;
	[tilespmem:$0xD700] =	vst v63  }
0xd4: {  	_ =	swait.ge [sflag:s18], $0x1388  }
0xd5: {  	[sflag:s18] =	ssyncset.done $0x0  }
0xd6: {  	[sflag:s18] =	ssyncadd.s32 $0xFFFFEC78  }
0xd7: {  	_ =	swait.ge [sflag:s18], $0x1388  }
0xd8: {  	[sflag:s18] =	ssyncset.done $0x0  }
0xd9: {  	[sflag:s18] =	ssyncadd.s32 $0xFFFFEC78  }
0xda: {  	_ =	swait.ge [sflag:s10], $0x1388  }
0xdb: {  	[sflag:s10] =	ssyncset.done $0x0  }
0xdc: {  	[sflag:s10] =	ssyncadd.s32 $0xFFFFEC78  }
0xdd: {  	_ =	swait.ge [sflag:s10], $0x1388  }
0xde: {  	[sflag:s10] =	ssyncset.done $0x0  }
0xdf: {  	[sflag:s10] =	ssyncadd.s32 $0xFFFFEC78  }
0xe0: {  	[spmem:s2] =	stream.indirect.scatter.add.f32 [tilespmem:s12], [sflag:$0x4], $0x1, s4, s11, $0xb8;
	[tilespmem:$0xD700] =	vst v63  }
0xe1: {  	_ = 	snop  }
0xe2: {  	[spmem:s3] =	stream.indirect.scatter.add.f32 [tilespmem:s12], [sflag:$0x4], $0x1, s1, s11, $0xb8;
	[tilespmem:$0xD700] =	vst v63  }
0xe3: {  	_ =	swait.ge [sflag:s19], $0x1388  }
0xe4: {  	[sflag:s19] =	ssyncset.done $0x0  }
0xe5: {  	[sflag:s19] =	ssyncadd.s32 $0xFFFFEC78  }
0xe6: {  	_ =	swait.ge [sflag:s19], $0x1388  }
0xe7: {  	[sflag:s19] =	ssyncset.done $0x0  }
0xe8: {  	[sflag:s19] =	ssyncadd.s32 $0xFFFFEC78  }
0xe9: {  	_ =	swait.ge [sflag:s16], $0x1388  }
0xea: {  	[sflag:s16] =	ssyncset.done $0x0  }
0xeb: {  	[sflag:s16] =	ssyncadd.s32 $0xFFFFEC78  }
0xec: {  	_ =	swait.ge [sflag:s16], $0x1388  }
0xed: {  	s22 =	stileid.u32;
	[sflag:s16] =	ssyncset.done $0x0  }
0xee: {  	s21 =	sshll.u32 s22, $0x6;
	[sflag:s16] =	ssyncadd.s32 $0xFFFFEC78  }
0xef: {  	s22 =	sshrl.u32 s5, $0x3;
	s21 =	sor.u32 $0x1C07, s21;
	[bflag:$0x0] =	sbarrier.arrive $0xFFFF  }
0xf0: {  	[hbm:s23], [sflag:s21] =	dma.local [spmem:s22], $0x320  }
0xf1: {  	s20 =	sadd.s32 $0x1, s20;
	_ =	swait.ge [sflag:s0], $0x320  }
0xf2: {  	p0 =	sne.s32 s20, s25;
	[sflag:s0] =	ssyncset.done $0x0  }
.Ltmp2:
0xf3: {  	s22 =	sshrl.u32 s6, $0x3;
	[sflag:s0] =	ssyncadd.s32 $0xFFFFFCE0;
	(pc) =	sbr.rel @p0 .LBB2_1-.Ltmp2, $4  }
0xf4: {  	[hbm:s24], [sflag:s21] =	dma.local [spmem:s22], $0x320  }
0xf5: {  	_ =	swait.ge [sflag:s0], $0x320  }
0xf6: {  	[sflag:s0] =	ssyncset.done $0x0  }
0xf7: {  	[sflag:s0] =	ssyncadd.s32 $0xFFFFFCE0  }
0xf8: {  	_ =	sfence.sel $0x180000  }
0xf9: {  	[bflag:$0x0] =	sbarrier.arrive $0xFFFF  }
0xfa: {  	_ =	strace $0x90000047  }
0xfb: {  	s0 =	stileid.u32;
	[bflag:$0x2] =	sbarrier.arrive $0xFFFF  }
0xfc: {  	p0 =	sne.s32 s0, $0x0;
	s0 =	rddreg [dreg:$0x3]  }
0xfd: {  	s0 =	sadd.s32 @!p0 $0x100000, s0  }
0xfe: {  	[sflag:s0] =	ssyncadd.tile.s32 @!p0 $0x1;
	_ =	shalt  }
.Lfunc_end2:
_tile_overlayer_lowered:
.L_overlay_start_2:
0xff: {  	(tag) =	ssettag $0x2  }
0x100: {  	s0 =	rddreg [dreg:$0x0];
	s2 =	stileid.u32  }
0x101: {  	s1 =	rddreg [dreg:$0x1];
	p0 =	sne.s32 s2, $0x0  }
0x102: {  	s3 =	rddreg [dreg:$0x2];
	[bflag:$0x3] =	sbarrier.arrive $0xFFFF;
	s2 =	simm.s32 @!p0 $0x1C07  }
0x103: {  	[timem:s3], [sflag:s2] =	dma.local @!p0 [hbm:s0], s1  }
0x104: {  	s0 =	simm.s32 @!p0 $0x7  }
0x105: {  	_ =	swait.ge @!p0 [sflag:s0], s1  }
0x106: {  	s1 =	ssub.s32 @!p0 $0x0, s1;
	[sflag:s0] =	ssyncset.done @!p0 $0x0  }
0x107: {  	[sflag:s0] =	ssyncadd.s32 @!p0 s1  }
0x108: {  	[bflag:$0x3] =	sbarrier.arrive $0xFFFF  }
0x109: {  	_ =	shalt  }

// kernel: kernel.9.cloned.1.call-start
scs
__scs_entry_jumppad:
0x0: {  	(pc) =	sbr.rel $0x88, $3  }
0x1: {  	(tag) =	ssettag $0x0;
	lr =	simm.s32 $0x1  }
0x2: {  	[smem:$0x3F99] =	sst lr;
	_ =	strace $0xD0000000  }
0x3: {  	_ = 	snop  }
0x4: {  	_ = 	snop  }
0x5: {  	_ = 	snop  }
0x6: {  	_ = 	snop  }
0x7: {  	_ = 	snop  }
__scs_overlays_trampoline_lowered:
0x8: {  	[smem:$0x3FA8] =	sst s0  }
0x9: {  	[smem:$0x3FA9] =	sst s1  }
0xa: {  	[smem:$0x3FAA] =	sst s2  }
0xb: {  	[smem:$0x3FAB] =	sst s3  }
0xc: {  	[smem:$0x3FAC] =	sst s4  }
0xd: {  	[smem:$0x3FAD] =	sst s5  }
0xe: {  	[smem:$0x3FAE] =	sst s6  }
0xf: {  	[smem:$0x3FAF] =	sst s7  }
0x10: {  	[smem:$0x3FB0] =	sst s8  }
0x11: {  	[smem:$0x3FB1] =	sst s9;
	s0 =	simm.s32 @!p0 $0x0  }
0x12: {  	s1 =	sld [smem:$0x3F97];
	s0 =	simm.s32 @p0 $0x1  }
0x13: {  	[smem:$0x3FB2] =	sst s0;
	s0 =	simm.s32 @!p1 $0x0  }
0x14: {  	s2 =	sld [smem:$0x3F96];
	s0 =	simm.s32 @p1 $0x1  }
0x15: {  	[smem:$0x3FB3] =	sst s0;
	s0 =	simm.s32 @!p2 $0x0  }
0x16: {  	s3 =	sld [smem:$0x3FDB];
	s0 =	simm.s32 @p2 $0x1  }
0x17: {  	s4 =	simm.s32 $0x1BF5;
	[smem:$0x3FB5] =	sst s0  }
0x18: {  	s0 =	sld [smem:$0x3F98];
	_ =	swait.ge [sflag:s4], $0x0  }
0x19: {  	s7 =	sld [smem:$0x3F99]  }
0x1a: {  	s8 =	sadd.s32 $0xFFFFE003, lr  }
0x1b: {  	s9 =	sadd.s32 $0xFFFFFEF7, lr;
	s5 =	simm.s32 $0xFFFFFFFF;
	p2 =	slt.u32 s8, $0xFFFFF086  }
0x1c: {  	p1 =	slt.u32 s9, $0xF7A;
	s5 =	simm.s32 @!p2 $0x0  }
0x1d: {  	s5 =	simm.s32 @p1 $0x1;
	p0 =	seq.s32 s7, s2  }
0x1e: {  	s7 =	smul.u32 @!p0 $0xF7A, s2;
	p2 =	seq.s32 @!p0 s5, $0x0  }
0x1f: {  	s9 =	smul.u32 $0xF7A, s1;
	s8 =	simm.s32 @!p0 $0x1BF5;
	p2 =	por !p2, p0  }
0x20: {  	[sflag:s8] =	ssyncset.s32 @!p0 $0xFFFFF086;
	s6 =	sadd.s32 @!p0 s3, s7;
	s7 =	simm.s32 @!p0 $0x108  }
0x21: {  	s3 =	sadd.s32 s3, s9;
	s6 =	sadd.s32 @!p0 $0x88, s6;
	s7 =	simm.s32 @p2 $0x1082  }
0x22: {  	[simem:s7], [sflag:s8] =	dma.local @!p0 [hbm:s6], $0xF7A  }
0x23: {  	s9 =	sor.u32 $0xD0000000, s2;
	s6 =	simm.s32 $0x108;
	_ =	swait.ge @!p0 [sflag:s8], $0x0  }
0x24: {  	s3 =	sadd.s32 $0x88, s3;
	s6 =	simm.s32 @!p1 $0x1082;
	[sflag:s4] =	ssyncset.s32 $0xFFFFF086  }
0x25: {  	[simem:s6], [sflag:s4] =	dma.local [hbm:s3], $0xF7A  }
0x26: {  	[smem:$0x3F99] =	sst s1;
	(tag) =	ssettag s2;
	_ =	strace s9  }
0x27: {  	s1 =	sld [smem:$0x3FA9]  }
0x28: {  	s2 =	sld [smem:$0x3FAA]  }
0x29: {  	s4 =	sld [smem:$0x3FAC]  }
0x2a: {  	p0 =	seq.s32 s5, $0x0;
	s5 =	sld [smem:$0x3FAD]  }
0x2b: {  	s6 =	sld [smem:$0x3FAE]  }
0x2c: {  	s7 =	sld [smem:$0x3FAF]  }
0x2d: {  	s3 =	simm.s32 $0x108;
	s8 =	sld [smem:$0x3FB0]  }
0x2e: {  	s3 =	simm.s32 @!p0 $0x1082;
	s9 =	sld [smem:$0x3FB1]  }
0x2f: {  	lr =	sadd.s32 s0, s3;
	s0 =	sld [smem:$0x3FA8]  }
0x30: {  	s3 =	sld [smem:$0x3FAB]  }
0x31: {  	[smem:$0x3FB4] =	sst s10  }
0x32: {  	s10 =	sld [smem:$0x3FB2];
	_ =	sdelay $0x3  }
0x33: {  	p0 =	seq.s32 s10, $0x1;
	s10 =	sld [smem:$0x3FB4];
	_ =	sdelay $0x3  }
0x34: {  	[smem:$0x3FB4] =	sst s10  }
0x35: {  	s10 =	sld [smem:$0x3FB3];
	_ =	sdelay $0x3  }
0x36: {  	p1 =	seq.s32 s10, $0x1;
	s10 =	sld [smem:$0x3FB4];
	_ =	sdelay $0x3  }
0x37: {  	[smem:$0x3FB4] =	sst s10  }
0x38: {  	s10 =	sld [smem:$0x3FB5]  }
0x39: {  	_ = 	snop;
	(pc) =	sbr.ind lr, $3  }
0x3a: {  	_ = 	snop  }
0x3b: {  	_ = 	snop  }
0x3c: {  	p2 =	seq.s32 s10, $0x1;
	s10 =	sld [smem:$0x3FB4]  }
0x3d: {  	_ =	shalt  }
0x3e: {  	_ =	shalt  }
0x3f: {  	_ =	shalt  }
0x40: {  	_ =	shalt  }
0x41: {  	_ =	shalt  }
0x42: {  	_ =	shalt  }
0x43: {  	_ =	shalt  }
0x44: {  	_ =	shalt  }
0x45: {  	_ =	shalt  }
0x46: {  	_ =	shalt  }
0x47: {  	_ =	shalt  }
0x48: {  	_ =	shalt  }
0x49: {  	_ =	shalt  }
0x4a: {  	_ =	shalt  }
0x4b: {  	_ =	shalt  }
0x4c: {  	_ =	shalt  }
0x4d: {  	_ =	shalt  }
0x4e: {  	_ =	shalt  }
0x4f: {  	_ =	shalt  }
0x50: {  	_ =	shalt  }
0x51: {  	_ =	shalt  }
0x52: {  	_ =	shalt  }
0x53: {  	_ =	shalt  }
0x54: {  	_ =	shalt  }
0x55: {  	_ =	shalt  }
0x56: {  	_ =	shalt  }
0x57: {  	_ =	shalt  }
0x58: {  	_ =	shalt  }
0x59: {  	_ =	shalt  }
0x5a: {  	_ =	shalt  }
0x5b: {  	_ =	shalt  }
0x5c: {  	_ =	shalt  }
0x5d: {  	_ =	shalt  }
0x5e: {  	_ =	shalt  }
0x5f: {  	_ =	shalt  }
0x60: {  	_ =	shalt  }
0x61: {  	_ =	shalt  }
0x62: {  	_ =	shalt  }
0x63: {  	_ =	shalt  }
0x64: {  	_ =	shalt  }
0x65: {  	_ =	shalt  }
0x66: {  	_ =	shalt  }
0x67: {  	_ =	shalt  }
0x68: {  	_ =	shalt  }
0x69: {  	_ =	shalt  }
0x6a: {  	_ =	shalt  }
0x6b: {  	_ =	shalt  }
0x6c: {  	_ =	shalt  }
0x6d: {  	_ =	shalt  }
0x6e: {  	_ =	shalt  }
0x6f: {  	_ =	shalt  }
0x70: {  	_ =	shalt  }
0x71: {  	_ =	shalt  }
0x72: {  	_ =	shalt  }
0x73: {  	_ =	shalt  }
0x74: {  	_ =	shalt  }
0x75: {  	_ =	shalt  }
0x76: {  	_ =	shalt  }
0x77: {  	_ =	shalt  }
0x78: {  	_ =	shalt  }
0x79: {  	_ =	shalt  }
0x7a: {  	_ =	shalt  }
0x7b: {  	_ =	shalt  }
0x7c: {  	_ =	shalt  }
0x7d: {  	_ =	shalt  }
0x7e: {  	_ =	shalt  }
0x7f: {  	_ =	shalt  }
0x80: {  	_ =	shalt  }
0x81: {  	_ =	shalt  }
0x82: {  	_ =	shalt  }
0x83: {  	_ =	shalt  }
0x84: {  	_ =	shalt  }
0x85: {  	_ =	shalt  }
0x86: {  	_ =	shalt  }
0x87: {  	_ =	shalt  }
.Lfunc_end0:
.L_simem_size_0:
called_computation.1_lowered:
.L_overlay_start_0:
0x88: {  	s2 =	sld [smem:$0x3FD9]  }
0x89: {  	s3 =	sld [smem:$0x3FFE];
	_ =	sdelay $0x1  }
0x8a: {  	s1 =	srdreg.scid  }
0x8b: {  	s0 =	sand.u32 $0x1, s1  }
0x8c: {  	s16 =	sshll.u32 s0, $0xA;
	s2 =	sadd.s32 s3, s2  }
0x8d: {  	s2 =	sadd.s32 s2, s16  }
0x8e: {  	[smem:$0x3FC0] =	sst s2  }
0x8f: {  	_ = 	snop  }
0x90: {  	(tm) =	ssettm $0x1  }
0x91: {  	s17 =	sld [smem:$0x3FFB];
	_ =	sdelay $0x3  }
0x92: {  	_ =	strace s17  }
0x93: {  	s2 =	sld [smem:$0x3FFC];
	_ =	sdelay $0x3  }
0x94: {  	_ =	strace s2  }
0x95: {  	s2 =	sld [smem:$0x3FFD];
	_ =	sdelay $0x3  }
0x96: {  	_ =	strace s2  }
0x97: {  	_ =	strace $0x8FFFFFFF  }
0x98: {  	s18 =	sld [smem:$0x3FDB];
	_ =	sdelay $0x1  }
0x99: {  	s19 =	simm.s32 $_scs_section_size  }
0x9a: {  	s4 =	simm.s32 $_size__tile_overlayer_lowered;
	s5 =	simm.s32 $_tile_overlayer_lowered  }
0x9b: {  	s22 =	simm.s32 $0x1BFF;
	s21 =	sshll.u32 s5, $0x1;
	s2 =	sadd.s32 s19, s18  }
0x9c: {  	s6 =	simm.s32 $0x0;
	s20 =	sshll.u32 s4, $0x1;
	s4 =	sadd.s32 s21, s2  }
0x9d: {  	[timem:s6], [sflag:s22] =	dma.local [hbm:s4], s20  }
0x9e: {  	_ =	swait.ge [sflag:s22], s20  }
0x9f: {  	s3 =	ssub.s32 $0x0, s20;
	[sflag:s22] =	ssyncset.done $0x0  }
0xa0: {  	[sflag:s22] =	ssyncadd.s32 s3;
	_ =	sdelay $0x1  }
0xa1: {  	s23 =	simm.s32 $0x1B8B  }
0xa2: {  	_ =	swait.ge [sflag:s23], $0x1  }
0xa3: {  	[sflag:s23] =	ssyncset.done $0x0  }
0xa4: {  	s25 =	simm.s32 $0x1B8E;
	s24 =	sld [smem:$0x3FFE];
	[sflag:s23] =	ssyncadd.s32 $0xFFFFFFFF  }
0xa5: {  	s26 =	simm.s32 $execute0_lowered;
	[smem:$0x3FD2] =	sst s25  }
0xa6: {  	s4 =	sshll.u32 s26, $0x1;
	_ =	strace $0x80000049;
	[dreg:$0x1] =	wrdreg $0xFFFFFFFF  }
0xa7: {  	s28 =	simm.s32 $_size_execute0_lowered;
	s2 =	sadd.s32 s2, s4;
	[dreg:$0x0] =	wrdreg $0x0  }
0xa8: {  	s4 =	sshll.u32 s28, $0x1;
	[dreg:$0x2] =	wrdreg s2  }
0xa9: {  	[dreg:$0x3] =	wrdreg s4  }
0xaa: {  	[dreg:$0x4] =	wrdreg $0xC0  }
0xab: {  	_ =	task [dreg:s6], $0x5FFFF  }
0xac: {  	[dreg:$0x1] =	wrdreg $0xFFFFFFFF  }
0xad: {  	[dreg:$0x0] =	wrdreg $0x60  }
0xae: {  	[dreg:$0x2] =	wrdreg s24  }
0xaf: {  	[dreg:$0x3] =	wrdreg $0x145000  }
0xb0: {  	[dreg:$0x4] =	wrdreg $0x15E000  }
0xb1: {  	[dreg:$0x5] =	wrdreg $0x177000  }
0xb2: {  	[dreg:$0x6] =	wrdreg $0x190000  }
0xb3: {  	[dreg:$0x7] =	wrdreg $0x1A9000  }
0xb4: {  	[dreg:$0x8] =	wrdreg $0x1C2000  }
0xb5: {  	[dreg:$0x9] =	wrdreg $0x9  }
0xb6: {  	_ =	task.clear_ibuf [dreg:s6], $0xAFFFF;
	_ =	strace $0x90000049  }
0xb7: {  	s29 =	simm.s32 $0x9;
	_ =	strace $0x8000004B  }
0xb8: {  	_ =	swait.ge [sflag:s29], $0x1  }
0xb9: {  	[sflag:s29] =	ssyncadd.s32 $0xFFFFFFFF  }
0xba: {  	_ =	strace $0x9000004B  }
0xbb: {  	_ =	sfence  }
0xbc: {  	s30 =	sld [smem:$0x0];
	_ =	sdelay $0x2  }
0xbd: {  	s31 =	sshll.u32 s1, $0xD;
	s1 =	sshrl.u32 s1, $0x2  }
0xbe: {  	s3 =	sand.u32 $0x4000, s31;
	s1 =	sadd.s32 s1, s30  }
0xbf: {  	s0 =	sor.u32 s3, s0;
	s1 =	sshll.u32 s1, $0x11  }
0xc0: {  	s0 =	sor.u32 s1, s0  }
0xc1: {  	s0 =	sadd.s32 $0x8F2B, s0  }
0xc2: {  	[sflag:s0] =	ssyncadd.remote.s32 $0x1  }
0xc3: {  	_ =	sfence.sel $0xFFFF  }
0xc4: {  	[dreg:$0x0] =	wrdreg $0xFFFFFFFF;
	(pc) =	sbr.abs _section_cstart, $3  }
0xc5: {  	[dreg:$0x1] =	wrdreg $0xFFFFFFFF  }
0xc6: {  	_ =	task.clear_ibuf [dreg:s6], $0x2FFFF;
	_ =	strace $0x9FFFFFFF  }
0xc7: {  	(tm) =	ssettm $0x7FFFFFFF  }
tec
execute0_lowered:
.L_overlay_start_1:
0x0: {  	(tag) =	ssettag $0x1  }
0x1: {  	s0 =	rddreg [dreg:$0x0]  }
0x2: {  	s1 =	rddreg [dreg:$0x1]  }
0x3: {  	s2 =	rddreg [dreg:$0x2]  }
0x4: {  	s3 =	rddreg [dreg:$0x3]  }
0x5: {  	s4 =	rddreg [dreg:$0x4]  }
0x6: {  	s6 =	rddreg [dreg:$0x5]  }
0x7: {  	s7 =	rddreg [dreg:$0x6];
	s8 =	simm.s32 $0x0;
	s14 =	stileid.u32  }
0x8: {  	s5 =	srdreg.scid;
	[smem:$0x7FF] =	sst s8  }
0x9: {  	s9 =	smul.u32 $0x1900, s14;
	s5 =	sand.u32 $0x1, s5;
	s11 =	sadd.s32 $0xE00, s0  }
0xa: {  	_ =	strace $0x8000004A;
	s10 =	smul.u32 $0x4B000, s5;
	s13 =	sshll.u32 s5, $0x4  }
0xb: {  	s5 =	ssub.s32 $0x2, s5;
	s12 =	sshrl.u32 s9, $0x3;
	s13 =	sor.u32 s14, s13  }
0xc: {  	s29 =	sshrl.u32 s5, $0x1;
	s30 =	sadd.s32 s9, s1;
	s2 =	sadd.s32 s9, s2  }
0xd: {  	s3 =	sadd.s32 s9, s3;
	s4 =	sadd.s32 s9, s4;
	s6 =	sadd.s32 s9, s6  }
0xe: {  	s10 =	sadd.s32 s9, s10;
	s13 =	smul.u32 $0xC350, s13;
	[dreg:$0x8] =	wrdreg s30  }
0xf: {  	s12 =	sadd.s32 s12, s0;
	s5 =	ssub.s32 s5, s29;
	[dreg:$0x14] =	wrdreg s2  }
0x10: {  	[dreg:$0x15] =	wrdreg s3;
	s9 =	sadd.s32 s9, s7;
	s10 =	sshrl.u32 s10, $0x3  }
0x11: {  	s7 =	sadd.s32 $0x6F200, s12;
	s0 =	sadd.s32 s10, s0;
	s1 =	sadd.s32 $0x1388, s13  }
0x12: {  	s31 =	sshrl.u32 s13, $0x3;
	s17 =	sadd.s32 $0x187D88, s13;
	s21 =	sadd.s32 $0x18A498, s13  }
0x13: {  	s19 =	sadd.s32 $0x3A98, s13;
	s23 =	sadd.s32 $0x61A8, s13;
	s30 =	sadd.s32 $0x18F2B8, s13  }
0x14: {  	[dreg:$0x16] =	wrdreg s7;
	s18 =	sshrl.u32 s17, $0x3;
	s17 =	sadd.s32 $0x7BA00, s0  }
0x15: {  	s20 =	sshrl.u32 s19, $0x3;
	s19 =	sshrl.u32 s4, $0x3;
	[dreg:$0x1a] =	wrdreg s17  }
0x16: {  	s22 =	sshrl.u32 s21, $0x3;
	s21 =	sshrl.u32 s9, $0x3;
	[dreg:$0x1d] =	wrdreg s19  }
0x17: {  	s15 =	sadd.s32 s11, s31;
	s16 =	sshrl.u32 s1, $0x3;
	[dreg:$0x1f] =	wrdreg s21  }
0x18: {  	s14 =	sshrl.u32 s30, $0x3;
	s10 =	sadd.s32 s11, s16;
	[dreg:$0x9] =	wrdreg s15  }
0x19: {  	s25 =	sadd.s32 $0x18CBA8, s13;
	s14 =	sadd.s32 s11, s14;
	[dreg:$0xa] =	wrdreg s10  }
0x1a: {  	s28 =	sadd.s32 $0x88B8, s13;
	s16 =	sadd.s32 $0x78800, s0;
	[dreg:$0x11] =	wrdreg s14  }
0x1b: {  	s24 =	sshrl.u32 s23, $0x3;
	s0 =	sadd.s32 $0x7EC00, s0;
	[dreg:$0x19] =	wrdreg s16  }
0x1c: {  	s26 =	sshrl.u32 s25, $0x3;
	s23 =	sadd.s32 $0x4E2, s15;
	[dreg:$0x1b] =	wrdreg s0  }
0x1d: {  	s29 =	sshrl.u32 s28, $0x3;
	s25 =	sadd.s32 $0x9C4, s15;
	[smem:$0x7F6] =	sst s23  }
0x1e: {  	s31 =	sadd.s32 $0xAFC8, s13;
	s28 =	sadd.s32 $0xEA6, s15;
	[smem:$0x7F8] =	sst s25  }
0x1f: {  	s13 =	sadd.s32 $0x1919C8, s13;
	s30 =	sadd.s32 $0x1388, s15;
	[smem:$0x7FA] =	sst s28  }
0x20: {  	s13 =	sshrl.u32 s13, $0x3;
	s10 =	sadd.s32 s11, s18;
	[smem:$0x7FC] =	sst s30  }
0x21: {  	s1 =	sadd.s32 s11, s13;
	[dreg:$0xb] =	wrdreg s10  }
0x22: {  	s14 =	sadd.s32 $0x72400, s12;
	[dreg:$0x13] =	wrdreg s1  }
0x23: {  	s12 =	sadd.s32 $0x75600, s12;
	[dreg:$0x17] =	wrdreg s14  }
0x24: {  	s2 =	simm.s32 $0x6400;
	s18 =	smax.u32 s5, $0x1;
	[dreg:$0x18] =	wrdreg s12  }
0x25: {  	s9 =	simm.s32 $0x7;
	s10 =	sadd.s32 s11, s20;
	[dreg:$0x1c] =	wrdreg s18  }
0x26: {  	s17 =	simm.s32 $0x5;
	s20 =	sshrl.u32 s6, $0x3;
	[dreg:$0xc] =	wrdreg s10  }
0x27: {  	s21 =	simm.s32 $0x6;
	s10 =	sadd.s32 s11, s22;
	[dreg:$0x1e] =	wrdreg s20  }
0x28: {  	s23 =	simm.s32 $0xA;
	s22 =	sadd.s32 $0x30D40, s15;
	[dreg:$0xd] =	wrdreg s10  }
0x29: {  	s16 =	simm.s32 $0x1;
	s10 =	sadd.s32 s11, s24;
	[smem:$0x7F5] =	sst s22  }
0x2a: {  	s5 =	simm.s32 $0x4;
	s24 =	sadd.s32 $0x31222, s15;
	[dreg:$0xe] =	wrdreg s10  }
0x2b: {  	s0 =	simm.s32 $0x0;
	s10 =	sadd.s32 s11, s26;
	[smem:$0x7F7] =	sst s24  }
0x2c: {  	s25 =	simm.s32 $0x3;
	s26 =	sadd.s32 $0x31704, s15;
	[dreg:$0xf] =	wrdreg s10  }
0x2d: {  	s12 =	simm.s32 $0x9;
	s10 =	sadd.s32 s11, s29;
	[smem:$0x7F9] =	sst s26  }
0x2e: {  	s18 =	simm.s32 $0x2;
	s29 =	sadd.s32 $0x31BE6, s15;
	[dreg:$0x10] =	wrdreg s10  }
0x2f: {  	s10 =	sshrl.u32 s31, $0x3;
	[smem:$0x7FB] =	sst s29;
	s31 =	sadd.s32 $0x320C8, s15  }
0x30: {  	s22 =	simm.s32 $0x8;
	s10 =	sadd.s32 s11, s10;
	[smem:$0x7FD] =	sst s31  }
0x31: {  	v0 =	vimm.f32 $0.0e+00;
	s24 =	simm.s32 $0x7800;
	s26 =	simm.s32 $0x1388;
	[dreg:$0x12] =	wrdreg s10  }
.LBB2_1:
0x32: {  	[smem:$0x7F4] =	sst s0;
	s14 =	simm.s32 $0x40;
	s19 =	simm.s32 $0x0  }
.LBB2_2:
0x33: {  	p0 =	sne.s32 s14, $0x63C0;
	[tilespmem:s19+$0x12C00] =	vst v0;
	s19 =	smov.u32 s14;
	s14 =	sadd.s32 $0x40, s14  }
.Ltmp0:
0x34: {  	(pc) =	sbr.rel @p0 .LBB2_2-.Ltmp0, $2  }
0x35: {  	_ =	sdelay $0x2  }
0x36: {  	s19 =	sshra.s32 s19, $0x2  }
0x37: {  	[tilespmem:s19+$0x12C00] =	vst v0;
	s0 =	rddreg [dreg:$0x8];
	s10 =	simm.s32 $0x12C00  }
0x38: {  	[spmem:s0] =	stream.linear.scatter [tilespmem:s10], [sflag:$0xA], $0x1900, $0x38;
	[tilespmem:$0x1DB00] =	vst v63  }
0x39: {  	_ =	swait.ge [sflag:s23], $0x1900  }
0x3a: {  	[sflag:s23] =	ssyncset.done $0x0  }
0x3b: {  	s4 =	rddreg [dreg:$0x14];
	[sflag:s23] =	ssyncadd.s32 $0xFFFFE700  }
0x3c: {  	[spmem:s4] =	stream.linear.scatter [tilespmem:s10], [sflag:$0xA], $0x1900, $0x38;
	[tilespmem:$0x1DB00] =	vst v63  }
0x3d: {  	_ =	swait.ge [sflag:s23], $0x1900  }
0x3e: {  	s14 =	stileid.u32;
	[sflag:s23] =	ssyncset.done $0x0  }
0x3f: {  	s14 =	sshll.u32 s14, $0x6;
	s6 =	rddreg [dreg:$0x15];
	[sflag:s23] =	ssyncadd.s32 $0xFFFFE700  }
0x40: {  	[spmem:s6] =	stream.linear.scatter [tilespmem:s10], [sflag:$0xA], $0x1900, $0x38;
	[tilespmem:$0x1DB00] =	vst v63  }
0x41: {  	s7 =	sor.u32 $0x1C0A, s14;
	_ =	swait.ge [sflag:s23], $0x1900  }
0x42: {  	[smem:$0x7F3] =	sst s7  }
0x43: {  	[sflag:s23] =	ssyncset.done $0x0;
	s11 =	rddreg [dreg:$0x16]  }
0x44: {  	s20 =	rddreg [dreg:$0x1d];
	[sflag:s23] =	ssyncadd.s32 $0xFFFFE700  }
0x45: {  	[spmem:s20], [sflag:s7] =	dma.local [hbm:s11], $0x320  }
0x46: {  	_ =	swait.ge [sflag:s23], $0x320  }
0x47: {  	[sflag:s23] =	ssyncset.done $0x0;
	s13 =	rddreg [dreg:$0x17]  }
0x48: {  	s14 =	rddreg [dreg:$0x1e];
	[sflag:s23] =	ssyncadd.s32 $0xFFFFFCE0  }
0x49: {  	[spmem:s14], [sflag:s7] =	dma.local [hbm:s13], $0x320  }
0x4a: {  	_ =	swait.ge [sflag:s23], $0x320  }
0x4b: {  	[sflag:s23] =	ssyncset.done $0x0;
	s15 =	rddreg [dreg:$0x18]  }
0x4c: {  	s19 =	rddreg [dreg:$0x1f];
	[sflag:s23] =	ssyncadd.s32 $0xFFFFFCE0  }
0x4d: {  	[spmem:s19], [sflag:s7] =	dma.local [hbm:s15], $0x320  }
0x4e: {  	_ =	swait.ge [sflag:s23], $0x320  }
0x4f: {  	[sflag:s23] =	ssyncset.done $0x0  }
0x50: {  	[sflag:s23] =	ssyncadd.s32 $0xFFFFFCE0  }
0x51: {  	[bflag:$0x0] =	sbarrier.arrive $0xFFFF  }
0x52: {  	s28 =	rddreg [dreg:$0x9]  }
0x53: {  	s29 =	sld [smem:$0x7F5]  }
0x54: {  	[tilespmem:s8], [sflag:$0x1] =	stream.linear.gather [hbm4b:s28+s8], $0x1388, $0x38;
	[tilespmem:$0x1DB00] =	vst v63  }
0x55: {  	s14 =	simm.s32 $0x3C00  }
0x56: {  	[tilespmem:s14], [sflag:$0x1] =	stream.linear.gather [hbm4b:s29+s8], $0x1388, $0x38;
	[tilespmem:$0x1DB00] =	vst v63  }
0x57: {  	_ =	swait.ge [sflag:s16], $0x1388  }
0x58: {  	[sflag:s16] =	ssyncset.done $0x0  }
0x59: {  	[sflag:s16] =	ssyncadd.s32 $0xFFFFEC78  }
0x5a: {  	_ =	swait.ge [sflag:s16], $0x1388  }
0x5b: {  	[sflag:s16] =	ssyncset.done $0x0  }
0x5c: {  	[sflag:s16] =	ssyncadd.s32 $0xFFFFEC78  }
0x5d: {  	s30 =	simm.s32 $0x7800;
	s19 =	rddreg [dreg:$0x4]  }
0x5e: {  	[tilespmem:s30], [sflag:$0x4] =	stream.indirect.gather [spmem:s19], $0x1, s8, s26, $0xb8;
	[tilespmem:$0x1DB00] =	vst v63  }
0x5f: {  	s31 =	simm.s32 $0xB400;
	s7 =	rddreg [dreg:$0x5]  }
0x60: {  	[tilespmem:s31], [sflag:$0x4] =	stream.indirect.gather [spmem:s7], $0x1, s8, s26, $0xb8;
	[tilespmem:$0x1DB00] =	vst v63  }
0x61: {  	s3 =	simm.s32 $0xF000;
	s31 =	rddreg [dreg:$0x6]  }
0x62: {  	[tilespmem:s3], [sflag:$0x4] =	stream.indirect.gather [spmem:s31], $0x1, s8, s26, $0xb8;
	[tilespmem:$0x1DB00] =	vst v63  }
0x63: {  	s0 =	simm.s32 $0x1400;
	s6 =	rddreg [dreg:$0xa]  }
0x64: {  	[tilespmem:s0], [sflag:$0x2] =	stream.linear.gather [hbm4b:s6+s8], $0x1388, $0x38;
	[tilespmem:$0x1DB00] =	vst v63  }
0x65: {  	s13 =	rddreg [dreg:$0xb];
	s6 =	simm.s32 $0x5000  }
0x66: {  	[tilespmem:s6], [sflag:$0x2] =	stream.linear.gather [hbm4b:s13+s8], $0x1388, $0x38;
	[tilespmem:$0x1DB00] =	vst v63  }
0x67: {  	_ =	swait.ge [sflag:s5], $0x1388  }
0x68: {  	[sflag:s5] =	ssyncset.done $0x0  }
0x69: {  	[sflag:s5] =	ssyncadd.s32 $0xFFFFEC78  }
0x6a: {  	_ =	swait.ge [sflag:s5], $0x1388  }
0x6b: {  	[sflag:s5] =	ssyncset.done $0x0  }
0x6c: {  	[sflag:s5] =	ssyncadd.s32 $0xFFFFEC78  }
0x6d: {  	_ =	swait.ge [sflag:s5], $0x1388  }
0x6e: {  	[sflag:s5] =	ssyncset.done $0x0  }
0x6f: {  	[sflag:s5] =	ssyncadd.s32 $0xFFFFEC78  }
0x70: {  	s1 =	simm.s32 $0x7800;
	s20 =	rddreg [dreg:$0x1]  }
0x71: {  	[spmem:s20] =	stream.indirect.scatter.add.f32 [tilespmem:s1], [sflag:$0x7], $0x1, s14, s26, $0xb8;
	[tilespmem:$0x1DB00] =	vst v63  }
0x72: {  	s4 =	simm.s32 $0xB400;
	s3 =	rddreg [dreg:$0x2]  }
0x73: {  	[spmem:s3] =	stream.indirect.scatter.add.f32 [tilespmem:s4], [sflag:$0x7], $0x1, s14, s26, $0xb8;
	[tilespmem:$0x1DB00] =	vst v63  }
0x74: {  	s11 =	simm.s32 $0xF000;
	s4 =	rddreg [dreg:$0x3]  }
0x75: {  	[spmem:s4] =	stream.indirect.scatter.add.f32 [tilespmem:s11], [sflag:$0x7], $0x1, s14, s26, $0xb8;
	[tilespmem:$0x1DB00] =	vst v63  }
0x76: {  	_ =	swait.ge [sflag:s18], $0x1388  }
0x77: {  	[sflag:s18] =	ssyncset.done $0x0  }
0x78: {  	[sflag:s18] =	ssyncadd.s32 $0xFFFFEC78  }
0x79: {  	_ =	swait.ge [sflag:s18], $0x1388  }
0x7a: {  	[sflag:s18] =	ssyncset.done $0x0  }
0x7b: {  	s15 =	simm.s32 $0x8C00;
	[sflag:s18] =	ssyncadd.s32 $0xFFFFEC78  }
0x7c: {  	[tilespmem:s15], [sflag:$0x5] =	stream.indirect.gather [spmem:s19], $0x1, s0, s26, $0xb8;
	[tilespmem:$0x1DB00] =	vst v63  }
0x7d: {  	s28 =	simm.s32 $0xC800  }
0x7e: {  	[tilespmem:s28], [sflag:$0x5] =	stream.indirect.gather [spmem:s7], $0x1, s0, s26, $0xb8;
	[tilespmem:$0x1DB00] =	vst v63  }
0x7f: {  	s29 =	simm.s32 $0x10400;
	s28 =	sld [smem:$0x7F6]  }
0x80: {  	[tilespmem:s29], [sflag:$0x5] =	stream.indirect.gather [spmem:s31], $0x1, s0, s26, $0xb8;
	[tilespmem:$0x1DB00] =	vst v63  }
0x81: {  	s1 =	simm.s32 $0x2800;
	s29 =	sld [smem:$0x7F7]  }
0x82: {  	[tilespmem:s1], [sflag:$0x3] =	stream.linear.gather [hbm4b:s28+s8], $0x1388, $0x38;
	[tilespmem:$0x1DB00] =	vst v63  }
0x83: {  	_ = 	snop  }
0x84: {  	[tilespmem:s2], [sflag:$0x3] =	stream.linear.gather [hbm4b:s29+s8], $0x1388, $0x38;
	[tilespmem:$0x1DB00] =	vst v63  }
0x85: {  	_ =	swait.ge [sflag:s17], $0x1388  }
0x86: {  	[sflag:s17] =	ssyncset.done $0x0  }
0x87: {  	[sflag:s17] =	ssyncadd.s32 $0xFFFFEC78  }
0x88: {  	_ =	swait.ge [sflag:s17], $0x1388  }
0x89: {  	[sflag:s17] =	ssyncset.done $0x0  }
0x8a: {  	[sflag:s17] =	ssyncadd.s32 $0xFFFFEC78  }
0x8b: {  	_ =	swait.ge [sflag:s17], $0x1388  }
0x8c: {  	[sflag:s17] =	ssyncset.done $0x0  }
0x8d: {  	s15 =	simm.s32 $0x8C00;
	[sflag:s17] =	ssyncadd.s32 $0xFFFFEC78  }
0x8e: {  	[spmem:s20] =	stream.indirect.scatter.add.f32 [tilespmem:s15], [sflag:$0x8], $0x1, s6, s26, $0xb8;
	[tilespmem:$0x1DB00] =	vst v63  }
0x8f: {  	s13 =	simm.s32 $0xC800  }
0x90: {  	[spmem:s3] =	stream.indirect.scatter.add.f32 [tilespmem:s13], [sflag:$0x8], $0x1, s6, s26, $0xb8;
	[tilespmem:$0x1DB00] =	vst v63  }
0x91: {  	s30 =	simm.s32 $0x10400  }
0x92: {  	[spmem:s4] =	stream.indirect.scatter.add.f32 [tilespmem:s30], [sflag:$0x8], $0x1, s6, s26, $0xb8;
	[tilespmem:$0x1DB00] =	vst v63  }
0x93: {  	_ =	swait.ge [sflag:s25], $0x1388  }
0x94: {  	[sflag:s25] =	ssyncset.done $0x0  }
0x95: {  	[sflag:s25] =	ssyncadd.s32 $0xFFFFEC78  }
0x96: {  	_ =	swait.ge [sflag:s25], $0x1388  }
0x97: {  	[sflag:s25] =	ssyncset.done $0x0  }
0x98: {  	s30 =	simm.s32 $0xA000;
	[sflag:s25] =	ssyncadd.s32 $0xFFFFEC78  }
0x99: {  	[tilespmem:s30], [sflag:$0x6] =	stream.indirect.gather [spmem:s19], $0x1, s1, s26, $0xb8;
	[tilespmem:$0x1DB00] =	vst v63  }
0x9a: {  	s11 =	simm.s32 $0xDC00  }
0x9b: {  	[tilespmem:s11], [sflag:$0x6] =	stream.indirect.gather [spmem:s7], $0x1, s1, s26, $0xb8;
	[tilespmem:$0x1DB00] =	vst v63  }
0x9c: {  	s15 =	simm.s32 $0x11800  }
0x9d: {  	[tilespmem:s15], [sflag:$0x6] =	stream.indirect.gather [spmem:s31], $0x1, s1, s26, $0xb8;
	[tilespmem:$0x1DB00] =	vst v63  }
0x9e: {  	_ =	swait.ge [sflag:s9], $0x1388  }
0x9f: {  	[sflag:s9] =	ssyncset.done $0x0  }
0xa0: {  	[sflag:s9] =	ssyncadd.s32 $0xFFFFEC78  }
0xa1: {  	_ =	swait.ge [sflag:s9], $0x1388  }
0xa2: {  	[sflag:s9] =	ssyncset.done $0x0  }
0xa3: {  	[sflag:s9] =	ssyncadd.s32 $0xFFFFEC78  }
0xa4: {  	_ =	swait.ge [sflag:s9], $0x1388  }
0xa5: {  	[sflag:s9] =	ssyncset.done $0x0  }
0xa6: {  	s28 =	rddreg [dreg:$0xc];
	[sflag:s9] =	ssyncadd.s32 $0xFFFFEC78  }
0xa7: {  	[tilespmem:s8], [sflag:$0x1] =	stream.linear.gather [hbm4b:s28+s8], $0x1388, $0x38;
	[tilespmem:$0x1DB00] =	vst v63  }
0xa8: {  	s11 =	rddreg [dreg:$0xd]  }
0xa9: {  	[tilespmem:s14], [sflag:$0x1] =	stream.linear.gather [hbm4b:s11+s8], $0x1388, $0x38;
	[tilespmem:$0x1DB00] =	vst v63  }
0xaa: {  	_ =	swait.ge [sflag:s21], $0x1388  }
0xab: {  	[sflag:s21] =	ssyncset.done $0x0  }
0xac: {  	[sflag:s21] =	ssyncadd.s32 $0xFFFFEC78  }
0xad: {  	_ =	swait.ge [sflag:s21], $0x1388  }
0xae: {  	[sflag:s21] =	ssyncset.done $0x0  }
0xaf: {  	[sflag:s21] =	ssyncadd.s32 $0xFFFFEC78  }
0xb0: {  	_ =	swait.ge [sflag:s21], $0x1388  }
0xb1: {  	[sflag:s21] =	ssyncset.done $0x0  }
0xb2: {  	s13 =	simm.s32 $0xA000;
	[sflag:s21] =	ssyncadd.s32 $0xFFFFEC78  }
0xb3: {  	[spmem:s20] =	stream.indirect.scatter.add.f32 [tilespmem:s13], [sflag:$0x9], $0x1, s2, s26, $0xb8;
	[tilespmem:$0x1DB00] =	vst v63  }
0xb4: {  	s29 =	simm.s32 $0xDC00  }
0xb5: {  	[spmem:s3] =	stream.indirect.scatter.add.f32 [tilespmem:s29], [sflag:$0x9], $0x1, s2, s26, $0xb8;
	[tilespmem:$0x1DB00] =	vst v63  }
0xb6: {  	s30 =	simm.s32 $0x11800  }
0xb7: {  	[spmem:s4] =	stream.indirect.scatter.add.f32 [tilespmem:s30], [sflag:$0x9], $0x1, s2, s26, $0xb8;
	[tilespmem:$0x1DB00] =	vst v63  }
0xb8: {  	_ =	swait.ge [sflag:s16], $0x1388  }
0xb9: {  	[sflag:s16] =	ssyncset.done $0x0  }
0xba: {  	[sflag:s16] =	ssyncadd.s32 $0xFFFFEC78  }
0xbb: {  	_ =	swait.ge [sflag:s16], $0x1388  }
0xbc: {  	[sflag:s16] =	ssyncset.done $0x0  }
0xbd: {  	s13 =	simm.s32 $0x7800;
	[sflag:s16] =	ssyncadd.s32 $0xFFFFEC78  }
0xbe: {  	[tilespmem:s13], [sflag:$0x4] =	stream.indirect.gather [spmem:s19], $0x1, s8, s26, $0xb8;
	[tilespmem:$0x1DB00] =	vst v63  }
0xbf: {  	s28 =	simm.s32 $0xB400  }
0xc0: {  	[tilespmem:s28], [sflag:$0x4] =	stream.indirect.gather [spmem:s7], $0x1, s8, s26, $0xb8;
	[tilespmem:$0x1DB00] =	vst v63  }
0xc1: {  	s15 =	simm.s32 $0xF000  }
0xc2: {  	[tilespmem:s15], [sflag:$0x4] =	stream.indirect.gather [spmem:s31], $0x1, s8, s26, $0xb8;
	[tilespmem:$0x1DB00] =	vst v63  }
0xc3: {  	_ =	swait.ge [sflag:s22], $0x1388  }
0xc4: {  	[sflag:s22] =	ssyncset.done $0x0  }
0xc5: {  	[sflag:s22] =	ssyncadd.s32 $0xFFFFEC78  }
0xc6: {  	_ =	swait.ge [sflag:s22], $0x1388  }
0xc7: {  	[sflag:s22] =	ssyncset.done $0x0  }
0xc8: {  	[sflag:s22] =	ssyncadd.s32 $0xFFFFEC78  }
0xc9: {  	_ =	swait.ge [sflag:s22], $0x1388  }
0xca: {  	s30 =	sld [smem:$0x7F8]  }
0xcb: {  	[sflag:s22] =	ssyncset.done $0x0  }
0xcc: {  	s11 =	sld [smem:$0x7F9];
	[sflag:s22] =	ssyncadd.s32 $0xFFFFEC78  }
0xcd: {  	[tilespmem:s0], [sflag:$0x2] =	stream.linear.gather [hbm4b:s30+s8], $0x1388, $0x38;
	[tilespmem:$0x1DB00] =	vst v63  }
0xce: {  	_ = 	snop  }
0xcf: {  	[tilespmem:s6], [sflag:$0x2] =	stream.linear.gather [hbm4b:s11+s8], $0x1388, $0x38;
	[tilespmem:$0x1DB00] =	vst v63  }
0xd0: {  	_ =	swait.ge [sflag:s5], $0x1388  }
0xd1: {  	[sflag:s5] =	ssyncset.done $0x0  }
0xd2: {  	[sflag:s5] =	ssyncadd.s32 $0xFFFFEC78  }
0xd3: {  	_ =	swait.ge [sflag:s5], $0x1388  }
0xd4: {  	[sflag:s5] =	ssyncset.done $0x0  }
0xd5: {  	[sflag:s5] =	ssyncadd.s32 $0xFFFFEC78  }
0xd6: {  	_ =	swait.ge [sflag:s5], $0x1388  }
0xd7: {  	[sflag:s5] =	ssyncset.done $0x0  }
0xd8: {  	[sflag:s5] =	ssyncadd.s32 $0xFFFFEC78  }
0xd9: {  	[spmem:s20] =	stream.indirect.scatter.add.f32 [tilespmem:s13], [sflag:$0x7], $0x1, s14, s26, $0xb8;
	[tilespmem:$0x1DB00] =	vst v63  }
0xda: {  	_ = 	snop  }
0xdb: {  	[spmem:s3] =	stream.indirect.scatter.add.f32 [tilespmem:s28], [sflag:$0x7], $0x1, s14, s26, $0xb8;
	[tilespmem:$0x1DB00] =	vst v63  }
0xdc: {  	_ = 	snop  }
0xdd: {  	[spmem:s4] =	stream.indirect.scatter.add.f32 [tilespmem:s15], [sflag:$0x7], $0x1, s14, s26, $0xb8;
	[tilespmem:$0x1DB00] =	vst v63  }
0xde: {  	_ =	swait.ge [sflag:s18], $0x1388  }
0xdf: {  	[sflag:s18] =	ssyncset.done $0x0  }
0xe0: {  	[sflag:s18] =	ssyncadd.s32 $0xFFFFEC78  }
0xe1: {  	_ =	swait.ge [sflag:s18], $0x1388  }
0xe2: {  	[sflag:s18] =	ssyncset.done $0x0  }
0xe3: {  	s13 =	simm.s32 $0x8C00;
	[sflag:s18] =	ssyncadd.s32 $0xFFFFEC78  }
0xe4: {  	[tilespmem:s13], [sflag:$0x5] =	stream.indirect.gather [spmem:s19], $0x1, s0, s26, $0xb8;
	[tilespmem:$0x1DB00] =	vst v63  }
0xe5: {  	s11 =	simm.s32 $0xC800  }
0xe6: {  	[tilespmem:s11], [sflag:$0x5] =	stream.indirect.gather [spmem:s7], $0x1, s0, s26, $0xb8;
	[tilespmem:$0x1DB00] =	vst v63  }
0xe7: {  	s28 =	simm.s32 $0x10400  }
0xe8: {  	[tilespmem:s28], [sflag:$0x5] =	stream.indirect.gather [spmem:s31], $0x1, s0, s26, $0xb8;
	[tilespmem:$0x1DB00] =	vst v63  }
0xe9: {  	_ =	swait.ge [sflag:s12], $0x1388  }
0xea: {  	[sflag:s12] =	ssyncset.done $0x0  }
0xeb: {  	[sflag:s12] =	ssyncadd.s32 $0xFFFFEC78  }
0xec: {  	_ =	swait.ge [sflag:s12], $0x1388  }
0xed: {  	[sflag:s12] =	ssyncset.done $0x0  }
0xee: {  	[sflag:s12] =	ssyncadd.s32 $0xFFFFEC78  }
0xef: {  	_ =	swait.ge [sflag:s12], $0x1388  }
0xf0: {  	[sflag:s12] =	ssyncset.done $0x0  }
0xf1: {  	s29 =	rddreg [dreg:$0xe];
	[sflag:s12] =	ssyncadd.s32 $0xFFFFEC78  }
0xf2: {  	[tilespmem:s1], [sflag:$0x3] =	stream.linear.gather [hbm4b:s29+s8], $0x1388, $0x38;
	[tilespmem:$0x1DB00] =	vst v63  }
0xf3: {  	s30 =	rddreg [dreg:$0xf]  }
0xf4: {  	[tilespmem:s2], [sflag:$0x3] =	stream.linear.gather [hbm4b:s30+s8], $0x1388, $0x38;
	[tilespmem:$0x1DB00] =	vst v63  }
0xf5: {  	_ =	swait.ge [sflag:s17], $0x1388  }
0xf6: {  	[sflag:s17] =	ssyncset.done $0x0  }
0xf7: {  	[sflag:s17] =	ssyncadd.s32 $0xFFFFEC78  }
0xf8: {  	_ =	swait.ge [sflag:s17], $0x1388  }
0xf9: {  	[sflag:s17] =	ssyncset.done $0x0  }
0xfa: {  	[sflag:s17] =	ssyncadd.s32 $0xFFFFEC78  }
0xfb: {  	_ =	swait.ge [sflag:s17], $0x1388  }
0xfc: {  	[sflag:s17] =	ssyncset.done $0x0  }
0xfd: {  	[sflag:s17] =	ssyncadd.s32 $0xFFFFEC78  }
0xfe: {  	[spmem:s20] =	stream.indirect.scatter.add.f32 [tilespmem:s13], [sflag:$0x8], $0x1, s6, s26, $0xb8;
	[tilespmem:$0x1DB00] =	vst v63  }
0xff: {  	_ = 	snop  }
0x100: {  	[spmem:s3] =	stream.indirect.scatter.add.f32 [tilespmem:s11], [sflag:$0x8], $0x1, s6, s26, $0xb8;
	[tilespmem:$0x1DB00] =	vst v63  }
0x101: {  	_ = 	snop  }
0x102: {  	[spmem:s4] =	stream.indirect.scatter.add.f32 [tilespmem:s28], [sflag:$0x8], $0x1, s6, s26, $0xb8;
	[tilespmem:$0x1DB00] =	vst v63  }
0x103: {  	_ =	swait.ge [sflag:s25], $0x1388  }
0x104: {  	[sflag:s25] =	ssyncset.done $0x0  }
0x105: {  	[sflag:s25] =	ssyncadd.s32 $0xFFFFEC78  }
0x106: {  	_ =	swait.ge [sflag:s25], $0x1388  }
0x107: {  	[sflag:s25] =	ssyncset.done $0x0  }
0x108: {  	s30 =	simm.s32 $0xA000;
	[sflag:s25] =	ssyncadd.s32 $0xFFFFEC78  }
0x109: {  	[tilespmem:s30], [sflag:$0x6] =	stream.indirect.gather [spmem:s19], $0x1, s1, s26, $0xb8;
	[tilespmem:$0x1DB00] =	vst v63  }
0x10a: {  	s29 =	simm.s32 $0xDC00  }
0x10b: {  	[tilespmem:s29], [sflag:$0x6] =	stream.indirect.gather [spmem:s7], $0x1, s1, s26, $0xb8;
	[tilespmem:$0x1DB00] =	vst v63  }
0x10c: {  	s28 =	simm.s32 $0x11800  }
0x10d: {  	[tilespmem:s28], [sflag:$0x6] =	stream.indirect.gather [spmem:s31], $0x1, s1, s26, $0xb8;
	[tilespmem:$0x1DB00] =	vst v63  }
0x10e: {  	_ =	swait.ge [sflag:s9], $0x1388  }
0x10f: {  	[sflag:s9] =	ssyncset.done $0x0  }
0x110: {  	[sflag:s9] =	ssyncadd.s32 $0xFFFFEC78  }
0x111: {  	_ =	swait.ge [sflag:s9], $0x1388  }
0x112: {  	[sflag:s9] =	ssyncset.done $0x0  }
0x113: {  	[sflag:s9] =	ssyncadd.s32 $0xFFFFEC78  }
0x114: {  	_ =	swait.ge [sflag:s9], $0x1388  }
0x115: {  	s11 =	sld [smem:$0x7FA]  }
0x116: {  	[sflag:s9] =	ssyncset.done $0x0  }
0x117: {  	s15 =	sld [smem:$0x7FB];
	[sflag:s9] =	ssyncadd.s32 $0xFFFFEC78  }
0x118: {  	[tilespmem:s8], [sflag:$0x1] =	stream.linear.gather [hbm4b:s11+s8], $0x1388, $0x38;
	[tilespmem:$0x1DB00] =	vst v63  }
0x119: {  	_ = 	snop  }
0x11a: {  	[tilespmem:s14], [sflag:$0x1] =	stream.linear.gather [hbm4b:s15+s8], $0x1388, $0x38;
	[tilespmem:$0x1DB00] =	vst v63  }
0x11b: {  	_ =	swait.ge [sflag:s21], $0x1388  }
0x11c: {  	[sflag:s21] =	ssyncset.done $0x0  }
0x11d: {  	[sflag:s21] =	ssyncadd.s32 $0xFFFFEC78  }
0x11e: {  	_ =	swait.ge [sflag:s21], $0x1388  }
0x11f: {  	[sflag:s21] =	ssyncset.done $0x0  }
0x120: {  	[sflag:s21] =	ssyncadd.s32 $0xFFFFEC78  }
0x121: {  	_ =	swait.ge [sflag:s21], $0x1388  }
0x122: {  	[sflag:s21] =	ssyncset.done $0x0  }
0x123: {  	[sflag:s21] =	ssyncadd.s32 $0xFFFFEC78  }
0x124: {  	[spmem:s20] =	stream.indirect.scatter.add.f32 [tilespmem:s30], [sflag:$0x9], $0x1, s2, s26, $0xb8;
	[tilespmem:$0x1DB00] =	vst v63  }
0x125: {  	_ = 	snop  }
0x126: {  	[spmem:s3] =	stream.indirect.scatter.add.f32 [tilespmem:s29], [sflag:$0x9], $0x1, s2, s26, $0xb8;
	[tilespmem:$0x1DB00] =	vst v63  }
0x127: {  	_ = 	snop  }
0x128: {  	[spmem:s4] =	stream.indirect.scatter.add.f32 [tilespmem:s28], [sflag:$0x9], $0x1, s2, s26, $0xb8;
	[tilespmem:$0x1DB00] =	vst v63  }
0x129: {  	_ =	swait.ge [sflag:s16], $0x1388  }
0x12a: {  	[sflag:s16] =	ssyncset.done $0x0  }
0x12b: {  	[sflag:s16] =	ssyncadd.s32 $0xFFFFEC78  }
0x12c: {  	_ =	swait.ge [sflag:s16], $0x1388  }
0x12d: {  	[sflag:s16] =	ssyncset.done $0x0  }
0x12e: {  	[sflag:s16] =	ssyncadd.s32 $0xFFFFEC78  }
0x12f: {  	[tilespmem:s24], [sflag:$0x4] =	stream.indirect.gather [spmem:s19], $0x1, s8, s26, $0xb8;
	[tilespmem:$0x1DB00] =	vst v63  }
0x130: {  	s11 =	simm.s32 $0xB400  }
0x131: {  	[tilespmem:s11], [sflag:$0x4] =	stream.indirect.gather [spmem:s7], $0x1, s8, s26, $0xb8;
	[tilespmem:$0x1DB00] =	vst v63  }
0x132: {  	s15 =	simm.s32 $0xF000  }
0x133: {  	[tilespmem:s15], [sflag:$0x4] =	stream.indirect.gather [spmem:s31], $0x1, s8, s26, $0xb8;
	[tilespmem:$0x1DB00] =	vst v63  }
0x134: {  	_ =	swait.ge [sflag:s22], $0x1388  }
0x135: {  	[sflag:s22] =	ssyncset.done $0x0  }
0x136: {  	[sflag:s22] =	ssyncadd.s32 $0xFFFFEC78  }
0x137: {  	_ =	swait.ge [sflag:s22], $0x1388  }
0x138: {  	[sflag:s22] =	ssyncset.done $0x0  }
0x139: {  	[sflag:s22] =	ssyncadd.s32 $0xFFFFEC78  }
0x13a: {  	_ =	swait.ge [sflag:s22], $0x1388  }
0x13b: {  	[sflag:s22] =	ssyncset.done $0x0  }
0x13c: {  	s10 =	rddreg [dreg:$0x10];
	[sflag:s22] =	ssyncadd.s32 $0xFFFFEC78  }
0x13d: {  	[tilespmem:s0], [sflag:$0x2] =	stream.linear.gather [hbm4b:s10+s8], $0x1388, $0x38;
	[tilespmem:$0x1DB00] =	vst v63  }
0x13e: {  	s10 =	rddreg [dreg:$0x11]  }
0x13f: {  	[tilespmem:s6], [sflag:$0x2] =	stream.linear.gather [hbm4b:s10+s8], $0x1388, $0x38;
	[tilespmem:$0x1DB00] =	vst v63  }
0x140: {  	_ =	swait.ge [sflag:s5], $0x1388  }
0x141: {  	[sflag:s5] =	ssyncset.done $0x0  }
0x142: {  	[sflag:s5] =	ssyncadd.s32 $0xFFFFEC78  }
0x143: {  	_ =	swait.ge [sflag:s5], $0x1388  }
0x144: {  	[sflag:s5] =	ssyncset.done $0x0  }
0x145: {  	[sflag:s5] =	ssyncadd.s32 $0xFFFFEC78  }
0x146: {  	_ =	swait.ge [sflag:s5], $0x1388  }
0x147: {  	[sflag:s5] =	ssyncset.done $0x0  }
0x148: {  	[sflag:s5] =	ssyncadd.s32 $0xFFFFEC78  }
0x149: {  	[spmem:s20] =	stream.indirect.scatter.add.f32 [tilespmem:s24], [sflag:$0x7], $0x1, s14, s26, $0xb8;
	[tilespmem:$0x1DB00] =	vst v63  }
0x14a: {  	_ = 	snop  }
0x14b: {  	[spmem:s3] =	stream.indirect.scatter.add.f32 [tilespmem:s11], [sflag:$0x7], $0x1, s14, s26, $0xb8;
	[tilespmem:$0x1DB00] =	vst v63  }
0x14c: {  	_ = 	snop  }
0x14d: {  	[spmem:s4] =	stream.indirect.scatter.add.f32 [tilespmem:s15], [sflag:$0x7], $0x1, s14, s26, $0xb8;
	[tilespmem:$0x1DB00] =	vst v63  }
0x14e: {  	_ =	swait.ge [sflag:s18], $0x1388  }
0x14f: {  	[sflag:s18] =	ssyncset.done $0x0  }
0x150: {  	[sflag:s18] =	ssyncadd.s32 $0xFFFFEC78  }
0x151: {  	_ =	swait.ge [sflag:s18], $0x1388  }
0x152: {  	[sflag:s18] =	ssyncset.done $0x0  }
0x153: {  	s15 =	simm.s32 $0x8C00;
	[sflag:s18] =	ssyncadd.s32 $0xFFFFEC78  }
0x154: {  	[tilespmem:s15], [sflag:$0x5] =	stream.indirect.gather [spmem:s19], $0x1, s0, s26, $0xb8;
	[tilespmem:$0x1DB00] =	vst v63  }
0x155: {  	s13 =	simm.s32 $0xC800  }
0x156: {  	[tilespmem:s13], [sflag:$0x5] =	stream.indirect.gather [spmem:s7], $0x1, s0, s26, $0xb8;
	[tilespmem:$0x1DB00] =	vst v63  }
0x157: {  	s11 =	simm.s32 $0x10400  }
0x158: {  	[tilespmem:s11], [sflag:$0x5] =	stream.indirect.gather [spmem:s31], $0x1, s0, s26, $0xb8;
	[tilespmem:$0x1DB00] =	vst v63  }
0x159: {  	_ =	swait.ge [sflag:s12], $0x1388  }
0x15a: {  	[sflag:s12] =	ssyncset.done $0x0  }
0x15b: {  	[sflag:s12] =	ssyncadd.s32 $0xFFFFEC78  }
0x15c: {  	_ =	swait.ge [sflag:s12], $0x1388  }
0x15d: {  	[sflag:s12] =	ssyncset.done $0x0  }
0x15e: {  	[sflag:s12] =	ssyncadd.s32 $0xFFFFEC78  }
0x15f: {  	_ =	swait.ge [sflag:s12], $0x1388  }
0x160: {  	s0 =	sld [smem:$0x7FC]  }
0x161: {  	[sflag:s12] =	ssyncset.done $0x0  }
0x162: {  	[sflag:s12] =	ssyncadd.s32 $0xFFFFEC78  }
0x163: {  	[tilespmem:s1], [sflag:$0x3] =	stream.linear.gather [hbm4b:s0+s8], $0x1388, $0x38;
	[tilespmem:$0x1DB00] =	vst v63  }
0x164: {  	s0 =	sld [smem:$0x7FD];
	_ =	sdelay $0x2  }
0x165: {  	[tilespmem:s2], [sflag:$0x3] =	stream.linear.gather [hbm4b:s0+s8], $0x1388, $0x38;
	[tilespmem:$0x1DB00] =	vst v63  }
0x166: {  	_ =	swait.ge [sflag:s17], $0x1388  }
0x167: {  	[sflag:s17] =	ssyncset.done $0x0  }
0x168: {  	[sflag:s17] =	ssyncadd.s32 $0xFFFFEC78  }
0x169: {  	_ =	swait.ge [sflag:s17], $0x1388  }
0x16a: {  	[sflag:s17] =	ssyncset.done $0x0  }
0x16b: {  	[sflag:s17] =	ssyncadd.s32 $0xFFFFEC78  }
0x16c: {  	_ =	swait.ge [sflag:s17], $0x1388  }
0x16d: {  	[sflag:s17] =	ssyncset.done $0x0  }
0x16e: {  	[sflag:s17] =	ssyncadd.s32 $0xFFFFEC78  }
0x16f: {  	[spmem:s20] =	stream.indirect.scatter.add.f32 [tilespmem:s15], [sflag:$0x8], $0x1, s6, s26, $0xb8;
	[tilespmem:$0x1DB00] =	vst v63  }
0x170: {  	_ = 	snop  }
0x171: {  	[spmem:s3] =	stream.indirect.scatter.add.f32 [tilespmem:s13], [sflag:$0x8], $0x1, s6, s26, $0xb8;
	[tilespmem:$0x1DB00] =	vst v63  }
0x172: {  	_ = 	snop  }
0x173: {  	[spmem:s4] =	stream.indirect.scatter.add.f32 [tilespmem:s11], [sflag:$0x8], $0x1, s6, s26, $0xb8;
	[tilespmem:$0x1DB00] =	vst v63  }
0x174: {  	_ =	swait.ge [sflag:s25], $0x1388  }
0x175: {  	[sflag:s25] =	ssyncset.done $0x0  }
0x176: {  	[sflag:s25] =	ssyncadd.s32 $0xFFFFEC78  }
0x177: {  	_ =	swait.ge [sflag:s25], $0x1388  }
0x178: {  	[sflag:s25] =	ssyncset.done $0x0  }
0x179: {  	s30 =	simm.s32 $0xA000;
	[sflag:s25] =	ssyncadd.s32 $0xFFFFEC78  }
0x17a: {  	[tilespmem:s30], [sflag:$0x6] =	stream.indirect.gather [spmem:s19], $0x1, s1, s26, $0xb8;
	[tilespmem:$0x1DB00] =	vst v63  }
0x17b: {  	s29 =	simm.s32 $0xDC00  }
0x17c: {  	[tilespmem:s29], [sflag:$0x6] =	stream.indirect.gather [spmem:s7], $0x1, s1, s26, $0xb8;
	[tilespmem:$0x1DB00] =	vst v63  }
0x17d: {  	s28 =	simm.s32 $0x11800  }
0x17e: {  	[tilespmem:s28], [sflag:$0x6] =	stream.indirect.gather [spmem:s31], $0x1, s1, s26, $0xb8;
	[tilespmem:$0x1DB00] =	vst v63  }
0x17f: {  	_ =	swait.ge [sflag:s9], $0x1388  }
0x180: {  	[sflag:s9] =	ssyncset.done $0x0  }
0x181: {  	[sflag:s9] =	ssyncadd.s32 $0xFFFFEC78  }
0x182: {  	_ =	swait.ge [sflag:s9], $0x1388  }
0x183: {  	[sflag:s9] =	ssyncset.done $0x0  }
0x184: {  	[sflag:s9] =	ssyncadd.s32 $0xFFFFEC78  }
0x185: {  	_ =	swait.ge [sflag:s9], $0x1388  }
0x186: {  	[sflag:s9] =	ssyncset.done $0x0  }
0x187: {  	s13 =	rddreg [dreg:$0x12];
	[sflag:s9] =	ssyncadd.s32 $0xFFFFEC78  }
0x188: {  	[tilespmem:s8], [sflag:$0x1] =	stream.linear.gather [hbm4b:s13+s8], $0x1388, $0x38;
	[tilespmem:$0x1DB00] =	vst v63  }
0x189: {  	s15 =	rddreg [dreg:$0x13]  }
0x18a: {  	[tilespmem:s14], [sflag:$0x1] =	stream.linear.gather [hbm4b:s15+s8], $0x1388, $0x38;
	[tilespmem:$0x1DB00] =	vst v63  }
0x18b: {  	_ =	swait.ge [sflag:s21], $0x1388  }
0x18c: {  	[sflag:s21] =	ssyncset.done $0x0  }
0x18d: {  	[sflag:s21] =	ssyncadd.s32 $0xFFFFEC78  }
0x18e: {  	_ =	swait.ge [sflag:s21], $0x1388  }
0x18f: {  	[sflag:s21] =	ssyncset.done $0x0  }
0x190: {  	[sflag:s21] =	ssyncadd.s32 $0xFFFFEC78  }
0x191: {  	_ =	swait.ge [sflag:s21], $0x1388  }
0x192: {  	[sflag:s21] =	ssyncset.done $0x0  }
0x193: {  	[sflag:s21] =	ssyncadd.s32 $0xFFFFEC78  }
0x194: {  	[spmem:s20] =	stream.indirect.scatter.add.f32 [tilespmem:s30], [sflag:$0x9], $0x1, s2, s26, $0xb8;
	[tilespmem:$0x1DB00] =	vst v63  }
0x195: {  	_ = 	snop  }
0x196: {  	[spmem:s3] =	stream.indirect.scatter.add.f32 [tilespmem:s29], [sflag:$0x9], $0x1, s2, s26, $0xb8;
	[tilespmem:$0x1DB00] =	vst v63  }
0x197: {  	_ = 	snop  }
0x198: {  	[spmem:s4] =	stream.indirect.scatter.add.f32 [tilespmem:s28], [sflag:$0x9], $0x1, s2, s26, $0xb8;
	[tilespmem:$0x1DB00] =	vst v63  }
0x199: {  	_ =	swait.ge [sflag:s16], $0x1388  }
0x19a: {  	[sflag:s16] =	ssyncset.done $0x0  }
0x19b: {  	[sflag:s16] =	ssyncadd.s32 $0xFFFFEC78  }
0x19c: {  	_ =	swait.ge [sflag:s16], $0x1388  }
0x19d: {  	[sflag:s16] =	ssyncset.done $0x0  }
0x19e: {  	s28 =	simm.s32 $0x7800;
	[sflag:s16] =	ssyncadd.s32 $0xFFFFEC78  }
0x19f: {  	[tilespmem:s28], [sflag:$0x4] =	stream.indirect.gather [spmem:s19], $0x1, s8, s26, $0xb8;
	[tilespmem:$0x1DB00] =	vst v63  }
0x1a0: {  	s29 =	simm.s32 $0xB400  }
0x1a1: {  	[tilespmem:s29], [sflag:$0x4] =	stream.indirect.gather [spmem:s7], $0x1, s8, s26, $0xb8;
	[tilespmem:$0x1DB00] =	vst v63  }
0x1a2: {  	s30 =	simm.s32 $0xF000  }
0x1a3: {  	[tilespmem:s30], [sflag:$0x4] =	stream.indirect.gather [spmem:s31], $0x1, s8, s26, $0xb8;
	[tilespmem:$0x1DB00] =	vst v63  }
0x1a4: {  	_ =	swait.ge [sflag:s22], $0x1388  }
0x1a5: {  	[sflag:s22] =	ssyncset.done $0x0  }
0x1a6: {  	[sflag:s22] =	ssyncadd.s32 $0xFFFFEC78  }
0x1a7: {  	_ =	swait.ge [sflag:s22], $0x1388  }
0x1a8: {  	[sflag:s22] =	ssyncset.done $0x0  }
0x1a9: {  	[sflag:s22] =	ssyncadd.s32 $0xFFFFEC78  }
0x1aa: {  	_ =	swait.ge [sflag:s22], $0x1388  }
0x1ab: {  	[sflag:s22] =	ssyncset.done $0x0  }
0x1ac: {  	[sflag:s22] =	ssyncadd.s32 $0xFFFFEC78  }
0x1ad: {  	_ =	swait.ge [sflag:s5], $0x1388  }
0x1ae: {  	[sflag:s5] =	ssyncset.done $0x0  }
0x1af: {  	[sflag:s5] =	ssyncadd.s32 $0xFFFFEC78  }
0x1b0: {  	_ =	swait.ge [sflag:s5], $0x1388  }
0x1b1: {  	[sflag:s5] =	ssyncset.done $0x0  }
0x1b2: {  	[sflag:s5] =	ssyncadd.s32 $0xFFFFEC78  }
0x1b3: {  	_ =	swait.ge [sflag:s5], $0x1388  }
0x1b4: {  	[sflag:s5] =	ssyncset.done $0x0  }
0x1b5: {  	[sflag:s5] =	ssyncadd.s32 $0xFFFFEC78  }
0x1b6: {  	[spmem:s20] =	stream.indirect.scatter.add.f32 [tilespmem:s28], [sflag:$0x7], $0x1, s14, s26, $0xb8;
	[tilespmem:$0x1DB00] =	vst v63  }
0x1b7: {  	_ = 	snop  }
0x1b8: {  	[spmem:s3] =	stream.indirect.scatter.add.f32 [tilespmem:s29], [sflag:$0x7], $0x1, s14, s26, $0xb8;
	[tilespmem:$0x1DB00] =	vst v63  }
0x1b9: {  	_ = 	snop  }
0x1ba: {  	[spmem:s4] =	stream.indirect.scatter.add.f32 [tilespmem:s30], [sflag:$0x7], $0x1, s14, s26, $0xb8;
	[tilespmem:$0x1DB00] =	vst v63  }
0x1bb: {  	_ =	swait.ge [sflag:s12], $0x1388  }
0x1bc: {  	[sflag:s12] =	ssyncset.done $0x0  }
0x1bd: {  	[sflag:s12] =	ssyncadd.s32 $0xFFFFEC78  }
0x1be: {  	_ =	swait.ge [sflag:s12], $0x1388  }
0x1bf: {  	[sflag:s12] =	ssyncset.done $0x0  }
0x1c0: {  	[sflag:s12] =	ssyncadd.s32 $0xFFFFEC78  }
0x1c1: {  	_ =	swait.ge [sflag:s12], $0x1388  }
0x1c2: {  	[sflag:s12] =	ssyncset.done $0x0  }
0x1c3: {  	[sflag:s12] =	ssyncadd.s32 $0xFFFFEC78  }
0x1c4: {  	_ =	swait.ge [sflag:s9], $0x1388  }
0x1c5: {  	[sflag:s9] =	ssyncset.done $0x0  }
0x1c6: {  	[sflag:s9] =	ssyncadd.s32 $0xFFFFEC78  }
0x1c7: {  	_ =	swait.ge [sflag:s9], $0x1388  }
0x1c8: {  	[sflag:s9] =	ssyncset.done $0x0  }
0x1c9: {  	[sflag:s9] =	ssyncadd.s32 $0xFFFFEC78  }
0x1ca: {  	_ =	swait.ge [sflag:s9], $0x1388  }
0x1cb: {  	[sflag:s9] =	ssyncset.done $0x0  }
0x1cc: {  	[sflag:s9] =	ssyncadd.s32 $0xFFFFEC78  }
0x1cd: {  	[bflag:$0x0] =	sbarrier.arrive $0xFFFF  }
0x1ce: {  	s11 =	sld [smem:$0x7F3]  }
0x1cf: {  	s4 =	rddreg [dreg:$0x8]  }
0x1d0: {  	s7 =	rddreg [dreg:$0x19];
	s6 =	sshrl.u32 s4, $0x3  }
0x1d1: {  	[hbm:s7], [sflag:s11] =	dma.local [spmem:s6], $0x320  }
0x1d2: {  	_ =	swait.ge [sflag:s23], $0x320  }
0x1d3: {  	[sflag:s23] =	ssyncset.done $0x0;
	s13 =	rddreg [dreg:$0x14]  }
0x1d4: {  	s15 =	rddreg [dreg:$0x1a];
	[sflag:s23] =	ssyncadd.s32 $0xFFFFFCE0;
	s14 =	sshrl.u32 s13, $0x3  }
0x1d5: {  	[hbm:s15], [sflag:s11] =	dma.local [spmem:s14], $0x320  }
0x1d6: {  	_ =	swait.ge [sflag:s23], $0x320  }
0x1d7: {  	[sflag:s23] =	ssyncset.done $0x0;
	s20 =	rddreg [dreg:$0x15]  }
0x1d8: {  	s29 =	rddreg [dreg:$0x1b];
	[sflag:s23] =	ssyncadd.s32 $0xFFFFFCE0;
	s28 =	sshrl.u32 s20, $0x3  }
0x1d9: {  	[hbm:s29], [sflag:s11] =	dma.local [spmem:s28], $0x320  }
0x1da: {  	_ =	swait.ge [sflag:s23], $0x320  }
0x1db: {  	s30 =	sld [smem:$0x7F4];
	_ =	sdelay $0x2  }
0x1dc: {  	s31 =	rddreg [dreg:$0x1c];
	s0 =	sadd.s32 $0x1, s30  }
0x1dd: {  	p0 =	sne.s32 s0, s31  }
.Ltmp1:
0x1de: {  	_ = 	snop;
	(pc) =	sbr.rel @p0 .LBB2_1-.Ltmp1, $3  }
0x1df: {  	_ =	sdelay $0x1  }
0x1e0: {  	[sflag:s23] =	ssyncset.done $0x0  }
0x1e1: {  	[sflag:s23] =	ssyncadd.s32 $0xFFFFFCE0  }
0x1e2: {  	_ =	sfence.sel $0x180000  }
0x1e3: {  	[bflag:$0x0] =	sbarrier.arrive $0xFFFF  }
0x1e4: {  	_ =	strace $0x9000004A  }
0x1e5: {  	s0 =	stileid.u32;
	[bflag:$0x2] =	sbarrier.arrive $0xFFFF  }
0x1e6: {  	p0 =	sne.s32 s0, $0x0;
	s0 =	rddreg [dreg:$0x7]  }
0x1e7: {  	s0 =	sadd.s32 @!p0 $0x100000, s0  }
0x1e8: {  	[sflag:s0] =	ssyncadd.tile.s32 @!p0 $0x1;
	_ =	shalt  }
.Lfunc_end2:
_tile_overlayer_lowered:
.L_overlay_start_2:
0x1e9: {  	(tag) =	ssettag $0x2  }
0x1ea: {  	s0 =	rddreg [dreg:$0x0];
	s2 =	stileid.u32  }
0x1eb: {  	s1 =	rddreg [dreg:$0x1];
	p0 =	sne.s32 s2, $0x0  }
0x1ec: {  	s3 =	rddreg [dreg:$0x2];
	[bflag:$0x3] =	sbarrier.arrive $0xFFFF;
	s2 =	simm.s32 @!p0 $0x1C0A  }
0x1ed: {  	[timem:s3], [sflag:s2] =	dma.local @!p0 [hbm:s0], s1  }
0x1ee: {  	s0 =	simm.s32 @!p0 $0xA  }
0x1ef: {  	_ =	swait.ge @!p0 [sflag:s0], s1  }
0x1f0: {  	s1 =	ssub.s32 @!p0 $0x0, s1;
	[sflag:s0] =	ssyncset.done @!p0 $0x0  }
0x1f1: {  	[sflag:s0] =	ssyncadd.s32 @!p0 s1  }
0x1f2: {  	[bflag:$0x3] =	sbarrier.arrive $0xFFFF  }
0x1f3: {  	_ =	shalt  }

</sc_bundles>
